<compile_context>
chip_gen: v7x
topology: tpu7x:2x2x1
jax: 0.10.2.dev20260603
libtpu: 0.0.44.dev20260713+nightly
codegen_flags: <defaults>
</compile_context>

<pallas_src>
import jax
import jax.numpy as jnp
from jax import lax
from jax.experimental import pallas as pl
from jax.experimental.pallas import tpu as pltpu
from jax.experimental.pallas import tpu_sc as plsc

VOCAB = 100000
HIDDEN = 768
BATCH = 64
SEQ = 512
LN_EPS = 1e-5

L = 16
NW = 32
POS_PER_W = SEQ // NW
NSLOT = 8


def _make_sc_gather_body(b0, nb):
    def _sc_gather_body(x_hbm, we_hbm, out_hbm, idx_v, bufs, gsems, osems):
        c = lax.axis_index("c")
        s = lax.axis_index("s")
        wid = s * 2 + c
        s0 = wid * POS_PER_W

        pltpu.sync_copy(x_hbm.at[pl.ds(b0, nb)], idx_v)

        def gather(b, slot):
            return pltpu.make_async_copy(
                we_hbm.at[idx_v.at[b, pl.ds(s0, POS_PER_W)]],
                bufs[slot], gsems[slot])

        def outcopy(b, slot):
            return pltpu.make_async_copy(
                bufs[slot], out_hbm.at[b, pl.ds(s0, POS_PER_W)], osems[slot])

        for slot in range(NSLOT):
            gather(slot, slot).start()

        def b_group(q, _):
            for slot in range(NSLOT):
                b = q * NSLOT + slot
                gather(b, slot).wait()
                outcopy(b, slot).start()
            for slot in range(NSLOT):
                b = q * NSLOT + slot
                outcopy(b, slot).wait()

                @pl.when(b + NSLOT < nb)
                def _refill():
                    gather(b + NSLOT, slot).start()
            return 0

        lax.fori_loop(0, nb // NSLOT, b_group, 0)

    return _sc_gather_body


def _sc_gather(x, word_emb, b0, nb):
    mesh = plsc.VectorSubcoreMesh(core_axis_name="c", subcore_axis_name="s")
    run = pl.kernel(
        _make_sc_gather_body(b0, nb),
        out_type=jax.ShapeDtypeStruct((nb, SEQ, HIDDEN), jnp.float32),
        mesh=mesh,
        scratch_types=[
            pltpu.VMEM((nb, SEQ), jnp.int32),
            [pltpu.VMEM((POS_PER_W, HIDDEN), jnp.float32)
             for _ in range(NSLOT)],
            [pltpu.SemaphoreType.DMA for _ in range(NSLOT)],
            [pltpu.SemaphoreType.DMA for _ in range(NSLOT)],
        ],
    )
    return run(x, word_emb)


BB = 4


def _tc_ln_compute(g_ref, pos_ref, gam_ref, bet_ref, out_ref):
    for bi in range(BB):
        v = g_ref[bi] + pos_ref[...]
        mean = jnp.mean(v, axis=-1, keepdims=True)
        cent = v - mean
        var = jnp.mean(cent * cent, axis=-1, keepdims=True)
        normed = cent * lax.rsqrt(var + LN_EPS)
        out_ref[bi] = normed * gam_ref[...] + bet_ref[...]


def _tc_ln_body_first(g_ref, pos_ref, gam_ref, bet_ref, out_ref):
    _tc_ln_compute(g_ref, pos_ref, gam_ref, bet_ref, out_ref)


def _tc_ln_body_chain(prev_ref, g_ref, pos_ref, gam_ref, bet_ref, out_ref):
    del prev_ref
    _tc_ln_compute(g_ref, pos_ref, gam_ref, bet_ref, out_ref)


def _tc_ln_chunk(prev, g, pos_emb, gamma2d, beta2d, b0):
    nb = g.shape[0]
    bblk0 = b0 // BB
    small_specs = [
        pl.BlockSpec((SEQ, HIDDEN), lambda i: (0, 0)),
        pl.BlockSpec((HIDDEN,), lambda i: (0,)),
        pl.BlockSpec((HIDDEN,), lambda i: (0,)),
    ]
    out_spec = pl.BlockSpec((BB, SEQ, HIDDEN), lambda i: (bblk0 + i, 0, 0))
    out_shape = jax.ShapeDtypeStruct((BATCH, SEQ, HIDDEN), jnp.float32)
    if prev is None:
        return pl.pallas_call(
            _tc_ln_body_first,
            grid=(nb // BB,),
            in_specs=[pl.BlockSpec((BB, SEQ, HIDDEN), lambda i: (i, 0, 0))]
            + small_specs,
            out_specs=out_spec,
            out_shape=out_shape,
        )(g, pos_emb, gamma2d, beta2d)
    return pl.pallas_call(
        _tc_ln_body_chain,
        grid=(nb // BB,),
        in_specs=[pl.BlockSpec(memory_space=pl.ANY),
                  pl.BlockSpec((BB, SEQ, HIDDEN), lambda i: (i, 0, 0))]
        + small_specs,
        out_specs=out_spec,
        out_shape=out_shape,
        input_output_aliases={0: 0},
    )(prev, g, pos_emb, gamma2d, beta2d)


CHUNKS = (32, 32)


@jax.jit
def kernel(x, word_emb, pos_emb, ln_gamma, ln_beta):
    starts = [sum(CHUNKS[:c]) for c in range(len(CHUNKS))]
    gs = [_sc_gather(x, word_emb, b0, nb)
          for b0, nb in zip(starts, CHUNKS)]
    out = None
    for c, (b0, nb) in enumerate(zip(starts, CHUNKS)):
        out = _tc_ln_chunk(out, gs[c], pos_emb, ln_gamma, ln_beta, b0)
    return out

# --- scband reference (transcript-rebuilt; emitter-appended) ---
"""Pipeline reference for scband-embeddings-12472585028169 (READ-ONLY COPY).

The authoritative reference and input builder live on the scoring server;
editing this copy changes nothing except your own understanding.
"""

import jax, jax.numpy as jnp
import numpy as np

VOCAB = 100000
HIDDEN = 768
MAX_POS = 512
PAD_IDX = 0
BATCH = 64
SEQ = 512
LN_EPS = 1e-5

def setup_inputs(seed: int = 0) -> dict:
    key = jax.random.key(seed)
    k_x, k_we, k_pe, = jax.random.split(key, 3)
    x = jax.random.randint(k_x, (BATCH, SEQ), 0, VOCAB, dtype=jnp.int64 if jax.config.jax_enable_x64 else jnp.int32).astype(jnp.int32)
    word_emb = jax.random.normal(k_we, (VOCAB, HIDDEN), dtype=jnp.float32) * 0.02
    # padding_idx row is initialized to zeros, matching nn.Embedding(padding_idx=...)
    word_emb = word_emb.at[PAD_IDX].set(0.0)
    pos_emb = jax.random.normal(k_pe, (MAX_POS, HIDDEN), dtype=jnp.float32) * 0.02
    ln_gamma = jnp.ones((HIDDEN,), dtype=jnp.float32)
    ln_beta = jnp.zeros((HIDDEN,), dtype=jnp.float32)
    return {"x": x, "word_emb": word_emb, "pos_emb": pos_emb, "ln_gamma": ln_gamma, "ln_beta": ln_beta}

def reference(x, word_emb, pos_emb, ln_gamma, ln_beta):
    seq_length = x.shape[1]
    position_ids = jnp.arange(seq_length, dtype=jnp.int32)
    position_ids = jnp.broadcast_to(position_ids[None, :], x.shape)
    input_embeds = jnp.take(word_emb, x, axis=0)
    position_embeds = jnp.take(pos_emb, position_ids, axis=0)
    embeddings = input_embeds + position_embeds
    mean = jnp.mean(embeddings, axis=-1, keepdims=True)
    var = jnp.mean(jnp.square(embeddings - mean), axis=-1, keepdims=True)
    normed = (embeddings - mean) / jnp.sqrt(var + LN_EPS)
    out = normed * ln_gamma + ln_beta
    # dropout is identity in eval mode
    return out

if __name__ == "__main__":
    import jax
    _d = setup_inputs()
    print(jax.jit(kernel)(*tuple(_d.values())))

</pallas_src>

<mosaic_0001>
#map = affine_map<(d0, d1) -> (0, 0)>
#map1 = affine_map<(d0, d1) -> (0, 0, 0)>
module attributes {stable_mosaic.version = 14 : i64} {
  func.func @_sc_gather_body(%arg0: i32, %arg1: i32, %arg2: memref<64x512xi32, #tpu.memory_space<hbm>>, %arg3: memref<100000x768xf32, #tpu.memory_space<hbm>>, %arg4: memref<32x512x768xf32, #tpu.memory_space<hbm>>, %arg5: memref<32x512xi32, #tpu.memory_space<vmem>>, %arg6: memref<16x768xf32, #tpu.memory_space<vmem>>, %arg7: memref<16x768xf32, #tpu.memory_space<vmem>>, %arg8: memref<16x768xf32, #tpu.memory_space<vmem>>, %arg9: memref<16x768xf32, #tpu.memory_space<vmem>>, %arg10: memref<16x768xf32, #tpu.memory_space<vmem>>, %arg11: memref<16x768xf32, #tpu.memory_space<vmem>>, %arg12: memref<16x768xf32, #tpu.memory_space<vmem>>, %arg13: memref<16x768xf32, #tpu.memory_space<vmem>>, %arg14: memref<!tpu.dma_semaphore, #tpu.memory_space<semaphore_mem>>, %arg15: memref<!tpu.dma_semaphore, #tpu.memory_space<semaphore_mem>>, %arg16: memref<!tpu.dma_semaphore, #tpu.memory_space<semaphore_mem>>, %arg17: memref<!tpu.dma_semaphore, #tpu.memory_space<semaphore_mem>>, %arg18: memref<!tpu.dma_semaphore, #tpu.memory_space<semaphore_mem>>, %arg19: memref<!tpu.dma_semaphore, #tpu.memory_space<semaphore_mem>>, %arg20: memref<!tpu.dma_semaphore, #tpu.memory_space<semaphore_mem>>, %arg21: memref<!tpu.dma_semaphore, #tpu.memory_space<semaphore_mem>>, %arg22: memref<!tpu.dma_semaphore, #tpu.memory_space<semaphore_mem>>, %arg23: memref<!tpu.dma_semaphore, #tpu.memory_space<semaphore_mem>>, %arg24: memref<!tpu.dma_semaphore, #tpu.memory_space<semaphore_mem>>, %arg25: memref<!tpu.dma_semaphore, #tpu.memory_space<semaphore_mem>>, %arg26: memref<!tpu.dma_semaphore, #tpu.memory_space<semaphore_mem>>, %arg27: memref<!tpu.dma_semaphore, #tpu.memory_space<semaphore_mem>>, %arg28: memref<!tpu.dma_semaphore, #tpu.memory_space<semaphore_mem>>, %arg29: memref<!tpu.dma_semaphore, #tpu.memory_space<semaphore_mem>>) attributes {dimension_semantics = [#tpu.dimension_semantics<core_parallel>, #tpu.dimension_semantics<subcore_parallel>], iteration_bounds = array<i64: 2, 16>, scalar_prefetch = 0 : i64, scratch_operands = 25 : i64, tpu.core_type = #tpu.core_type<sc_vector_subcore>, window_params = [{transform_indices = #map}, {transform_indices = #map}, {transform_indices = #map1}]} {
    %mul3A = arith.constant 2 : i32
    %mul3A_0 = arith.muli %arg1, %mul3A : i32
    %add3A = arith.addi %mul3A_0, %arg0 : i32
    %mul3A_1 = arith.constant 16 : i32
    %mul3A_2 = arith.muli %add3A, %mul3A_1 : i32
    "tpu.region"() ({
      %run_scoped3A = tpu.sem_alloc : memref<!tpu.dma_semaphore, #tpu.memory_space<semaphore_mem>>
      %dma_start3A_56 = arith.constant 0 : i32
      %dma_start3A_57 = arith.constant 0 : i32
      %dma_start3A_58 = tpu.memref_slice %arg2[%dma_start3A_56, %dma_start3A_57] : memref<64x512xi32, #tpu.memory_space<hbm>> -> memref<32x512xi32, #tpu.memory_space<hbm>>
      %dma_start3A_59 = arith.constant 0 : i32
      %dma_start3A_60 = arith.constant 0 : i32
      %dma_start3A_61 = tpu.memref_slice %arg2[%dma_start3A_59, %dma_start3A_60] : memref<64x512xi32, #tpu.memory_space<hbm>> -> memref<32x512xi32, #tpu.memory_space<hbm>>
      tpu.enqueue_dma source(%dma_start3A_61 : memref<32x512xi32, #tpu.memory_space<hbm>>) target(%arg5 : memref<32x512xi32, #tpu.memory_space<vmem>>) target_semaphore(%run_scoped3A : memref<!tpu.dma_semaphore, #tpu.memory_space<semaphore_mem>>)
      %dma_wait3A = arith.constant 0 : i32
      %dma_wait3A_62 = arith.constant 0 : i32
      %dma_wait3A_63 = tpu.memref_slice %arg2[%dma_wait3A, %dma_wait3A_62] : memref<64x512xi32, #tpu.memory_space<hbm>> -> memref<32x512xi32, #tpu.memory_space<hbm>>
      %dma_wait3A_64 = arith.constant 0 : i32
      %dma_wait3A_65 = arith.constant 0 : i32
      %dma_wait3A_66 = tpu.memref_slice %arg2[%dma_wait3A_64, %dma_wait3A_65] : memref<64x512xi32, #tpu.memory_space<hbm>> -> memref<32x512xi32, #tpu.memory_space<hbm>>
      tpu.wait_dma2 semaphore(%run_scoped3A : memref<!tpu.dma_semaphore, #tpu.memory_space<semaphore_mem>>) src(%dma_wait3A_66 : memref<32x512xi32, #tpu.memory_space<hbm>>) dst(%arg5 : memref<32x512xi32, #tpu.memory_space<vmem>>)
      tpu.yield
    }) : () -> ()
    %dma_start3A = arith.constant 0 : i32
    %dma_start3A_3 = tpu.memref_slice %arg5[%dma_start3A, %mul3A_2] : memref<32x512xi32, #tpu.memory_space<vmem>> -> memref<1x16xi32, #tpu.memory_space<vmem>>
    %dma_start3A_4 = tpu.memref_squeeze %dma_start3A_3 : memref<1x16xi32, #tpu.memory_space<vmem>> -> memref<16xi32, #tpu.memory_space<vmem>>
    %dma_start3A_5 = arith.constant 0 : i32
    %dma_start3A_6 = arith.constant 0 : i32
    %dma_start3A_7 = tpu.memref_slice %arg3[%dma_start3A_5, %dma_start3A_6] : memref<100000x768xf32, #tpu.memory_space<hbm>> -> memref<100000x768xf32, #tpu.memory_space<hbm>>
    tpu.enqueue_indirect_dma source(%dma_start3A_7 : memref<100000x768xf32, #tpu.memory_space<hbm>>) target(%arg6 : memref<16x768xf32, #tpu.memory_space<vmem>>) offsets(%dma_start3A_4 : memref<16xi32, #tpu.memory_space<vmem>>) semaphore(%arg14 : memref<!tpu.dma_semaphore, #tpu.memory_space<semaphore_mem>>)
    %dma_start3A_8 = arith.constant 1 : i32
    %dma_start3A_9 = tpu.memref_slice %arg5[%dma_start3A_8, %mul3A_2] : memref<32x512xi32, #tpu.memory_space<vmem>> -> memref<1x16xi32, #tpu.memory_space<vmem>>
    %dma_start3A_10 = tpu.memref_squeeze %dma_start3A_9 : memref<1x16xi32, #tpu.memory_space<vmem>> -> memref<16xi32, #tpu.memory_space<vmem>>
    %dma_start3A_11 = arith.constant 0 : i32
    %dma_start3A_12 = arith.constant 0 : i32
    %dma_start3A_13 = tpu.memref_slice %arg3[%dma_start3A_11, %dma_start3A_12] : memref<100000x768xf32, #tpu.memory_space<hbm>> -> memref<100000x768xf32, #tpu.memory_space<hbm>>
    tpu.enqueue_indirect_dma source(%dma_start3A_13 : memref<100000x768xf32, #tpu.memory_space<hbm>>) target(%arg7 : memref<16x768xf32, #tpu.memory_space<vmem>>) offsets(%dma_start3A_10 : memref<16xi32, #tpu.memory_space<vmem>>) semaphore(%arg15 : memref<!tpu.dma_semaphore, #tpu.memory_space<semaphore_mem>>)
    %dma_start3A_14 = arith.constant 2 : i32
    %dma_start3A_15 = tpu.memref_slice %arg5[%dma_start3A_14, %mul3A_2] : memref<32x512xi32, #tpu.memory_space<vmem>> -> memref<1x16xi32, #tpu.memory_space<vmem>>
    %dma_start3A_16 = tpu.memref_squeeze %dma_start3A_15 : memref<1x16xi32, #tpu.memory_space<vmem>> -> memref<16xi32, #tpu.memory_space<vmem>>
    %dma_start3A_17 = arith.constant 0 : i32
    %dma_start3A_18 = arith.constant 0 : i32
    %dma_start3A_19 = tpu.memref_slice %arg3[%dma_start3A_17, %dma_start3A_18] : memref<100000x768xf32, #tpu.memory_space<hbm>> -> memref<100000x768xf32, #tpu.memory_space<hbm>>
    tpu.enqueue_indirect_dma source(%dma_start3A_19 : memref<100000x768xf32, #tpu.memory_space<hbm>>) target(%arg8 : memref<16x768xf32, #tpu.memory_space<vmem>>) offsets(%dma_start3A_16 : memref<16xi32, #tpu.memory_space<vmem>>) semaphore(%arg16 : memref<!tpu.dma_semaphore, #tpu.memory_space<semaphore_mem>>)
    %dma_start3A_20 = arith.constant 3 : i32
    %dma_start3A_21 = tpu.memref_slice %arg5[%dma_start3A_20, %mul3A_2] : memref<32x512xi32, #tpu.memory_space<vmem>> -> memref<1x16xi32, #tpu.memory_space<vmem>>
    %dma_start3A_22 = tpu.memref_squeeze %dma_start3A_21 : memref<1x16xi32, #tpu.memory_space<vmem>> -> memref<16xi32, #tpu.memory_space<vmem>>
    %dma_start3A_23 = arith.constant 0 : i32
    %dma_start3A_24 = arith.constant 0 : i32
    %dma_start3A_25 = tpu.memref_slice %arg3[%dma_start3A_23, %dma_start3A_24] : memref<100000x768xf32, #tpu.memory_space<hbm>> -> memref<100000x768xf32, #tpu.memory_space<hbm>>
    tpu.enqueue_indirect_dma source(%dma_start3A_25 : memref<100000x768xf32, #tpu.memory_space<hbm>>) target(%arg9 : memref<16x768xf32, #tpu.memory_space<vmem>>) offsets(%dma_start3A_22 : memref<16xi32, #tpu.memory_space<vmem>>) semaphore(%arg17 : memref<!tpu.dma_semaphore, #tpu.memory_space<semaphore_mem>>)
    %dma_start3A_26 = arith.constant 4 : i32
    %dma_start3A_27 = tpu.memref_slice %arg5[%dma_start3A_26, %mul3A_2] : memref<32x512xi32, #tpu.memory_space<vmem>> -> memref<1x16xi32, #tpu.memory_space<vmem>>
    %dma_start3A_28 = tpu.memref_squeeze %dma_start3A_27 : memref<1x16xi32, #tpu.memory_space<vmem>> -> memref<16xi32, #tpu.memory_space<vmem>>
    %dma_start3A_29 = arith.constant 0 : i32
    %dma_start3A_30 = arith.constant 0 : i32
    %dma_start3A_31 = tpu.memref_slice %arg3[%dma_start3A_29, %dma_start3A_30] : memref<100000x768xf32, #tpu.memory_space<hbm>> -> memref<100000x768xf32, #tpu.memory_space<hbm>>
    tpu.enqueue_indirect_dma source(%dma_start3A_31 : memref<100000x768xf32, #tpu.memory_space<hbm>>) target(%arg10 : memref<16x768xf32, #tpu.memory_space<vmem>>) offsets(%dma_start3A_28 : memref<16xi32, #tpu.memory_space<vmem>>) semaphore(%arg18 : memref<!tpu.dma_semaphore, #tpu.memory_space<semaphore_mem>>)
    %dma_start3A_32 = arith.constant 5 : i32
    %dma_start3A_33 = tpu.memref_slice %arg5[%dma_start3A_32, %mul3A_2] : memref<32x512xi32, #tpu.memory_space<vmem>> -> memref<1x16xi32, #tpu.memory_space<vmem>>
    %dma_start3A_34 = tpu.memref_squeeze %dma_start3A_33 : memref<1x16xi32, #tpu.memory_space<vmem>> -> memref<16xi32, #tpu.memory_space<vmem>>
    %dma_start3A_35 = arith.constant 0 : i32
    %dma_start3A_36 = arith.constant 0 : i32
    %dma_start3A_37 = tpu.memref_slice %arg3[%dma_start3A_35, %dma_start3A_36] : memref<100000x768xf32, #tpu.memory_space<hbm>> -> memref<100000x768xf32, #tpu.memory_space<hbm>>
    tpu.enqueue_indirect_dma source(%dma_start3A_37 : memref<100000x768xf32, #tpu.memory_space<hbm>>) target(%arg11 : memref<16x768xf32, #tpu.memory_space<vmem>>) offsets(%dma_start3A_34 : memref<16xi32, #tpu.memory_space<vmem>>) semaphore(%arg19 : memref<!tpu.dma_semaphore, #tpu.memory_space<semaphore_mem>>)
    %dma_start3A_38 = arith.constant 6 : i32
    %dma_start3A_39 = tpu.memref_slice %arg5[%dma_start3A_38, %mul3A_2] : memref<32x512xi32, #tpu.memory_space<vmem>> -> memref<1x16xi32, #tpu.memory_space<vmem>>
    %dma_start3A_40 = tpu.memref_squeeze %dma_start3A_39 : memref<1x16xi32, #tpu.memory_space<vmem>> -> memref<16xi32, #tpu.memory_space<vmem>>
    %dma_start3A_41 = arith.constant 0 : i32
    %dma_start3A_42 = arith.constant 0 : i32
    %dma_start3A_43 = tpu.memref_slice %arg3[%dma_start3A_41, %dma_start3A_42] : memref<100000x768xf32, #tpu.memory_space<hbm>> -> memref<100000x768xf32, #tpu.memory_space<hbm>>
    tpu.enqueue_indirect_dma source(%dma_start3A_43 : memref<100000x768xf32, #tpu.memory_space<hbm>>) target(%arg12 : memref<16x768xf32, #tpu.memory_space<vmem>>) offsets(%dma_start3A_40 : memref<16xi32, #tpu.memory_space<vmem>>) semaphore(%arg20 : memref<!tpu.dma_semaphore, #tpu.memory_space<semaphore_mem>>)
    %dma_start3A_44 = arith.constant 7 : i32
    %dma_start3A_45 = tpu.memref_slice %arg5[%dma_start3A_44, %mul3A_2] : memref<32x512xi32, #tpu.memory_space<vmem>> -> memref<1x16xi32, #tpu.memory_space<vmem>>
    %dma_start3A_46 = tpu.memref_squeeze %dma_start3A_45 : memref<1x16xi32, #tpu.memory_space<vmem>> -> memref<16xi32, #tpu.memory_space<vmem>>
    %dma_start3A_47 = arith.constant 0 : i32
    %dma_start3A_48 = arith.constant 0 : i32
    %dma_start3A_49 = tpu.memref_slice %arg3[%dma_start3A_47, %dma_start3A_48] : memref<100000x768xf32, #tpu.memory_space<hbm>> -> memref<100000x768xf32, #tpu.memory_space<hbm>>
    tpu.enqueue_indirect_dma source(%dma_start3A_49 : memref<100000x768xf32, #tpu.memory_space<hbm>>) target(%arg13 : memref<16x768xf32, #tpu.memory_space<vmem>>) offsets(%dma_start3A_46 : memref<16xi32, #tpu.memory_space<vmem>>) semaphore(%arg21 : memref<!tpu.dma_semaphore, #tpu.memory_space<semaphore_mem>>)
    %scan3A = arith.constant 0 : i32
    %scan3A_50 = arith.constant 0 : i32
    %scan3A_51 = arith.constant 4 : i32
    %scan3A_52 = arith.addi %scan3A_50, %scan3A_51 : i32
    %scan3A_53 = arith.constant 1 : i32
    %scan3A_54 = scf.for %scan3A_56 = %scan3A_50 to %scan3A_52 step %scan3A_53 iter_args(%scan3A_57 = %scan3A) -> (i32)  : i32 {
      %mul3A_58 = arith.constant 8 : i32
      %mul3A_59 = arith.muli %scan3A_56, %mul3A_58 : i32
      %add3A_60 = arith.constant 0 : i32
      %add3A_61 = arith.addi %mul3A_59, %add3A_60 : i32
      %dma_wait3A = tpu.memref_slice %arg5[%add3A_61, %mul3A_2] : memref<32x512xi32, #tpu.memory_space<vmem>> -> memref<1x16xi32, #tpu.memory_space<vmem>>
      %dma_wait3A_62 = tpu.memref_squeeze %dma_wait3A : memref<1x16xi32, #tpu.memory_space<vmem>> -> memref<16xi32, #tpu.memory_space<vmem>>
      %dma_wait3A_63 = arith.constant 0 : i32
      %dma_wait3A_64 = arith.constant 0 : i32
      %dma_wait3A_65 = tpu.memref_slice %arg3[%dma_wait3A_63, %dma_wait3A_64] : memref<100000x768xf32, #tpu.memory_space<hbm>> -> memref<100000x768xf32, #tpu.memory_space<hbm>>
      tpu.wait_indirect_dma semaphore(%arg14 : memref<!tpu.dma_semaphore, #tpu.memory_space<semaphore_mem>>) src(%dma_wait3A_65 : memref<100000x768xf32, #tpu.memory_space<hbm>>) dst(%arg6 : memref<16x768xf32, #tpu.memory_space<vmem>>)
      %dma_start3A_66 = arith.constant 0 : i32
      %dma_start3A_67 = tpu.memref_slice %arg4[%add3A_61, %mul3A_2, %dma_start3A_66] : memref<32x512x768xf32, #tpu.memory_space<hbm>> -> memref<1x16x768xf32, #tpu.memory_space<hbm>>
      %dma_start3A_68 = tpu.memref_squeeze %dma_start3A_67 : memref<1x16x768xf32, #tpu.memory_space<hbm>> -> memref<16x768xf32, #tpu.memory_space<hbm>>
      %dma_start3A_69 = arith.constant 0 : i32
      %dma_start3A_70 = tpu.memref_slice %arg4[%add3A_61, %mul3A_2, %dma_start3A_69] : memref<32x512x768xf32, #tpu.memory_space<hbm>> -> memref<1x16x768xf32, #tpu.memory_space<hbm>>
      %dma_start3A_71 = tpu.memref_squeeze %dma_start3A_70 : memref<1x16x768xf32, #tpu.memory_space<hbm>> -> memref<16x768xf32, #tpu.memory_space<hbm>>
      tpu.enqueue_dma source(%arg6 : memref<16x768xf32, #tpu.memory_space<vmem>>) target(%dma_start3A_71 : memref<16x768xf32, #tpu.memory_space<hbm>>) target_semaphore(%arg22 : memref<!tpu.dma_semaphore, #tpu.memory_space<semaphore_mem>>)
      %mul3A_72 = arith.constant 8 : i32
      %mul3A_73 = arith.muli %scan3A_56, %mul3A_72 : i32
      %add3A_74 = arith.constant 1 : i32
      %add3A_75 = arith.addi %mul3A_73, %add3A_74 : i32
      %dma_wait3A_76 = tpu.memref_slice %arg5[%add3A_75, %mul3A_2] : memref<32x512xi32, #tpu.memory_space<vmem>> -> memref<1x16xi32, #tpu.memory_space<vmem>>
      %dma_wait3A_77 = tpu.memref_squeeze %dma_wait3A_76 : memref<1x16xi32, #tpu.memory_space<vmem>> -> memref<16xi32, #tpu.memory_space<vmem>>
      %dma_wait3A_78 = arith.constant 0 : i32
      %dma_wait3A_79 = arith.constant 0 : i32
      %dma_wait3A_80 = tpu.memref_slice %arg3[%dma_wait3A_78, %dma_wait3A_79] : memref<100000x768xf32, #tpu.memory_space<hbm>> -> memref<100000x768xf32, #tpu.memory_space<hbm>>
      tpu.wait_indirect_dma semaphore(%arg15 : memref<!tpu.dma_semaphore, #tpu.memory_space<semaphore_mem>>) src(%dma_wait3A_80 : memref<100000x768xf32, #tpu.memory_space<hbm>>) dst(%arg7 : memref<16x768xf32, #tpu.memory_space<vmem>>)
      %dma_start3A_81 = arith.constant 0 : i32
      %dma_start3A_82 = tpu.memref_slice %arg4[%add3A_75, %mul3A_2, %dma_start3A_81] : memref<32x512x768xf32, #tpu.memory_space<hbm>> -> memref<1x16x768xf32, #tpu.memory_space<hbm>>
      %dma_start3A_83 = tpu.memref_squeeze %dma_start3A_82 : memref<1x16x768xf32, #tpu.memory_space<hbm>> -> memref<16x768xf32, #tpu.memory_space<hbm>>
      %dma_start3A_84 = arith.constant 0 : i32
      %dma_start3A_85 = tpu.memref_slice %arg4[%add3A_75, %mul3A_2, %dma_start3A_84] : memref<32x512x768xf32, #tpu.memory_space<hbm>> -> memref<1x16x768xf32, #tpu.memory_space<hbm>>
      %dma_start3A_86 = tpu.memref_squeeze %dma_start3A_85 : memref<1x16x768xf32, #tpu.memory_space<hbm>> -> memref<16x768xf32, #tpu.memory_space<hbm>>
      tpu.enqueue_dma source(%arg7 : memref<16x768xf32, #tpu.memory_space<vmem>>) target(%dma_start3A_86 : memref<16x768xf32, #tpu.memory_space<hbm>>) target_semaphore(%arg23 : memref<!tpu.dma_semaphore, #tpu.memory_space<semaphore_mem>>)
      %mul3A_87 = arith.constant 8 : i32
      %mul3A_88 = arith.muli %scan3A_56, %mul3A_87 : i32
      %add3A_89 = arith.constant 2 : i32
      %add3A_90 = arith.addi %mul3A_88, %add3A_89 : i32
      %dma_wait3A_91 = tpu.memref_slice %arg5[%add3A_90, %mul3A_2] : memref<32x512xi32, #tpu.memory_space<vmem>> -> memref<1x16xi32, #tpu.memory_space<vmem>>
      %dma_wait3A_92 = tpu.memref_squeeze %dma_wait3A_91 : memref<1x16xi32, #tpu.memory_space<vmem>> -> memref<16xi32, #tpu.memory_space<vmem>>
      %dma_wait3A_93 = arith.constant 0 : i32
      %dma_wait3A_94 = arith.constant 0 : i32
      %dma_wait3A_95 = tpu.memref_slice %arg3[%dma_wait3A_93, %dma_wait3A_94] : memref<100000x768xf32, #tpu.memory_space<hbm>> -> memref<100000x768xf32, #tpu.memory_space<hbm>>
      tpu.wait_indirect_dma semaphore(%arg16 : memref<!tpu.dma_semaphore, #tpu.memory_space<semaphore_mem>>) src(%dma_wait3A_95 : memref<100000x768xf32, #tpu.memory_space<hbm>>) dst(%arg8 : memref<16x768xf32, #tpu.memory_space<vmem>>)
      %dma_start3A_96 = arith.constant 0 : i32
      %dma_start3A_97 = tpu.memref_slice %arg4[%add3A_90, %mul3A_2, %dma_start3A_96] : memref<32x512x768xf32, #tpu.memory_space<hbm>> -> memref<1x16x768xf32, #tpu.memory_space<hbm>>
      %dma_start3A_98 = tpu.memref_squeeze %dma_start3A_97 : memref<1x16x768xf32, #tpu.memory_space<hbm>> -> memref<16x768xf32, #tpu.memory_space<hbm>>
      %dma_start3A_99 = arith.constant 0 : i32
      %dma_start3A_100 = tpu.memref_slice %arg4[%add3A_90, %mul3A_2, %dma_start3A_99] : memref<32x512x768xf32, #tpu.memory_space<hbm>> -> memref<1x16x768xf32, #tpu.memory_space<hbm>>
      %dma_start3A_101 = tpu.memref_squeeze %dma_start3A_100 : memref<1x16x768xf32, #tpu.memory_space<hbm>> -> memref<16x768xf32, #tpu.memory_space<hbm>>
      tpu.enqueue_dma source(%arg8 : memref<16x768xf32, #tpu.memory_space<vmem>>) target(%dma_start3A_101 : memref<16x768xf32, #tpu.memory_space<hbm>>) target_semaphore(%arg24 : memref<!tpu.dma_semaphore, #tpu.memory_space<semaphore_mem>>)
      %mul3A_102 = arith.constant 8 : i32
      %mul3A_103 = arith.muli %scan3A_56, %mul3A_102 : i32
      %add3A_104 = arith.constant 3 : i32
      %add3A_105 = arith.addi %mul3A_103, %add3A_104 : i32
      %dma_wait3A_106 = tpu.memref_slice %arg5[%add3A_105, %mul3A_2] : memref<32x512xi32, #tpu.memory_space<vmem>> -> memref<1x16xi32, #tpu.memory_space<vmem>>
      %dma_wait3A_107 = tpu.memref_squeeze %dma_wait3A_106 : memref<1x16xi32, #tpu.memory_space<vmem>> -> memref<16xi32, #tpu.memory_space<vmem>>
      %dma_wait3A_108 = arith.constant 0 : i32
      %dma_wait3A_109 = arith.constant 0 : i32
      %dma_wait3A_110 = tpu.memref_slice %arg3[%dma_wait3A_108, %dma_wait3A_109] : memref<100000x768xf32, #tpu.memory_space<hbm>> -> memref<100000x768xf32, #tpu.memory_space<hbm>>
      tpu.wait_indirect_dma semaphore(%arg17 : memref<!tpu.dma_semaphore, #tpu.memory_space<semaphore_mem>>) src(%dma_wait3A_110 : memref<100000x768xf32, #tpu.memory_space<hbm>>) dst(%arg9 : memref<16x768xf32, #tpu.memory_space<vmem>>)
      %dma_start3A_111 = arith.constant 0 : i32
      %dma_start3A_112 = tpu.memref_slice %arg4[%add3A_105, %mul3A_2, %dma_start3A_111] : memref<32x512x768xf32, #tpu.memory_space<hbm>> -> memref<1x16x768xf32, #tpu.memory_space<hbm>>
      %dma_start3A_113 = tpu.memref_squeeze %dma_start3A_112 : memref<1x16x768xf32, #tpu.memory_space<hbm>> -> memref<16x768xf32, #tpu.memory_space<hbm>>
      %dma_start3A_114 = arith.constant 0 : i32
      %dma_start3A_115 = tpu.memref_slice %arg4[%add3A_105, %mul3A_2, %dma_start3A_114] : memref<32x512x768xf32, #tpu.memory_space<hbm>> -> memref<1x16x768xf32, #tpu.memory_space<hbm>>
      %dma_start3A_116 = tpu.memref_squeeze %dma_start3A_115 : memref<1x16x768xf32, #tpu.memory_space<hbm>> -> memref<16x768xf32, #tpu.memory_space<hbm>>
      tpu.enqueue_dma source(%arg9 : memref<16x768xf32, #tpu.memory_space<vmem>>) target(%dma_start3A_116 : memref<16x768xf32, #tpu.memory_space<hbm>>) target_semaphore(%arg25 : memref<!tpu.dma_semaphore, #tpu.memory_space<semaphore_mem>>)
      %mul3A_117 = arith.constant 8 : i32
      %mul3A_118 = arith.muli %scan3A_56, %mul3A_117 : i32
      %add3A_119 = arith.constant 4 : i32
      %add3A_120 = arith.addi %mul3A_118, %add3A_119 : i32
      %dma_wait3A_121 = tpu.memref_slice %arg5[%add3A_120, %mul3A_2] : memref<32x512xi32, #tpu.memory_space<vmem>> -> memref<1x16xi32, #tpu.memory_space<vmem>>
      %dma_wait3A_122 = tpu.memref_squeeze %dma_wait3A_121 : memref<1x16xi32, #tpu.memory_space<vmem>> -> memref<16xi32, #tpu.memory_space<vmem>>
      %dma_wait3A_123 = arith.constant 0 : i32
      %dma_wait3A_124 = arith.constant 0 : i32
      %dma_wait3A_125 = tpu.memref_slice %arg3[%dma_wait3A_123, %dma_wait3A_124] : memref<100000x768xf32, #tpu.memory_space<hbm>> -> memref<100000x768xf32, #tpu.memory_space<hbm>>
      tpu.wait_indirect_dma semaphore(%arg18 : memref<!tpu.dma_semaphore, #tpu.memory_space<semaphore_mem>>) src(%dma_wait3A_125 : memref<100000x768xf32, #tpu.memory_space<hbm>>) dst(%arg10 : memref<16x768xf32, #tpu.memory_space<vmem>>)
      %dma_start3A_126 = arith.constant 0 : i32
      %dma_start3A_127 = tpu.memref_slice %arg4[%add3A_120, %mul3A_2, %dma_start3A_126] : memref<32x512x768xf32, #tpu.memory_space<hbm>> -> memref<1x16x768xf32, #tpu.memory_space<hbm>>
      %dma_start3A_128 = tpu.memref_squeeze %dma_start3A_127 : memref<1x16x768xf32, #tpu.memory_space<hbm>> -> memref<16x768xf32, #tpu.memory_space<hbm>>
      %dma_start3A_129 = arith.constant 0 : i32
      %dma_start3A_130 = tpu.memref_slice %arg4[%add3A_120, %mul3A_2, %dma_start3A_129] : memref<32x512x768xf32, #tpu.memory_space<hbm>> -> memref<1x16x768xf32, #tpu.memory_space<hbm>>
      %dma_start3A_131 = tpu.memref_squeeze %dma_start3A_130 : memref<1x16x768xf32, #tpu.memory_space<hbm>> -> memref<16x768xf32, #tpu.memory_space<hbm>>
      tpu.enqueue_dma source(%arg10 : memref<16x768xf32, #tpu.memory_space<vmem>>) target(%dma_start3A_131 : memref<16x768xf32, #tpu.memory_space<hbm>>) target_semaphore(%arg26 : memref<!tpu.dma_semaphore, #tpu.memory_space<semaphore_mem>>)
      %mul3A_132 = arith.constant 8 : i32
      %mul3A_133 = arith.muli %scan3A_56, %mul3A_132 : i32
      %add3A_134 = arith.constant 5 : i32
      %add3A_135 = arith.addi %mul3A_133, %add3A_134 : i32
      %dma_wait3A_136 = tpu.memref_slice %arg5[%add3A_135, %mul3A_2] : memref<32x512xi32, #tpu.memory_space<vmem>> -> memref<1x16xi32, #tpu.memory_space<vmem>>
      %dma_wait3A_137 = tpu.memref_squeeze %dma_wait3A_136 : memref<1x16xi32, #tpu.memory_space<vmem>> -> memref<16xi32, #tpu.memory_space<vmem>>
      %dma_wait3A_138 = arith.constant 0 : i32
      %dma_wait3A_139 = arith.constant 0 : i32
      %dma_wait3A_140 = tpu.memref_slice %arg3[%dma_wait3A_138, %dma_wait3A_139] : memref<100000x768xf32, #tpu.memory_space<hbm>> -> memref<100000x768xf32, #tpu.memory_space<hbm>>
      tpu.wait_indirect_dma semaphore(%arg19 : memref<!tpu.dma_semaphore, #tpu.memory_space<semaphore_mem>>) src(%dma_wait3A_140 : memref<100000x768xf32, #tpu.memory_space<hbm>>) dst(%arg11 : memref<16x768xf32, #tpu.memory_space<vmem>>)
      %dma_start3A_141 = arith.constant 0 : i32
      %dma_start3A_142 = tpu.memref_slice %arg4[%add3A_135, %mul3A_2, %dma_start3A_141] : memref<32x512x768xf32, #tpu.memory_space<hbm>> -> memref<1x16x768xf32, #tpu.memory_space<hbm>>
      %dma_start3A_143 = tpu.memref_squeeze %dma_start3A_142 : memref<1x16x768xf32, #tpu.memory_space<hbm>> -> memref<16x768xf32, #tpu.memory_space<hbm>>
      %dma_start3A_144 = arith.constant 0 : i32
      %dma_start3A_145 = tpu.memref_slice %arg4[%add3A_135, %mul3A_2, %dma_start3A_144] : memref<32x512x768xf32, #tpu.memory_space<hbm>> -> memref<1x16x768xf32, #tpu.memory_space<hbm>>
      %dma_start3A_146 = tpu.memref_squeeze %dma_start3A_145 : memref<1x16x768xf32, #tpu.memory_space<hbm>> -> memref<16x768xf32, #tpu.memory_space<hbm>>
      tpu.enqueue_dma source(%arg11 : memref<16x768xf32, #tpu.memory_space<vmem>>) target(%dma_start3A_146 : memref<16x768xf32, #tpu.memory_space<hbm>>) target_semaphore(%arg27 : memref<!tpu.dma_semaphore, #tpu.memory_space<semaphore_mem>>)
      %mul3A_147 = arith.constant 8 : i32
      %mul3A_148 = arith.muli %scan3A_56, %mul3A_147 : i32
      %add3A_149 = arith.constant 6 : i32
      %add3A_150 = arith.addi %mul3A_148, %add3A_149 : i32
      %dma_wait3A_151 = tpu.memref_slice %arg5[%add3A_150, %mul3A_2] : memref<32x512xi32, #tpu.memory_space<vmem>> -> memref<1x16xi32, #tpu.memory_space<vmem>>
      %dma_wait3A_152 = tpu.memref_squeeze %dma_wait3A_151 : memref<1x16xi32, #tpu.memory_space<vmem>> -> memref<16xi32, #tpu.memory_space<vmem>>
      %dma_wait3A_153 = arith.constant 0 : i32
      %dma_wait3A_154 = arith.constant 0 : i32
      %dma_wait3A_155 = tpu.memref_slice %arg3[%dma_wait3A_153, %dma_wait3A_154] : memref<100000x768xf32, #tpu.memory_space<hbm>> -> memref<100000x768xf32, #tpu.memory_space<hbm>>
      tpu.wait_indirect_dma semaphore(%arg20 : memref<!tpu.dma_semaphore, #tpu.memory_space<semaphore_mem>>) src(%dma_wait3A_155 : memref<100000x768xf32, #tpu.memory_space<hbm>>) dst(%arg12 : memref<16x768xf32, #tpu.memory_space<vmem>>)
      %dma_start3A_156 = arith.constant 0 : i32
      %dma_start3A_157 = tpu.memref_slice %arg4[%add3A_150, %mul3A_2, %dma_start3A_156] : memref<32x512x768xf32, #tpu.memory_space<hbm>> -> memref<1x16x768xf32, #tpu.memory_space<hbm>>
      %dma_start3A_158 = tpu.memref_squeeze %dma_start3A_157 : memref<1x16x768xf32, #tpu.memory_space<hbm>> -> memref<16x768xf32, #tpu.memory_space<hbm>>
      %dma_start3A_159 = arith.constant 0 : i32
      %dma_start3A_160 = tpu.memref_slice %arg4[%add3A_150, %mul3A_2, %dma_start3A_159] : memref<32x512x768xf32, #tpu.memory_space<hbm>> -> memref<1x16x768xf32, #tpu.memory_space<hbm>>
      %dma_start3A_161 = tpu.memref_squeeze %dma_start3A_160 : memref<1x16x768xf32, #tpu.memory_space<hbm>> -> memref<16x768xf32, #tpu.memory_space<hbm>>
      tpu.enqueue_dma source(%arg12 : memref<16x768xf32, #tpu.memory_space<vmem>>) target(%dma_start3A_161 : memref<16x768xf32, #tpu.memory_space<hbm>>) target_semaphore(%arg28 : memref<!tpu.dma_semaphore, #tpu.memory_space<semaphore_mem>>)
      %mul3A_162 = arith.constant 8 : i32
      %mul3A_163 = arith.muli %scan3A_56, %mul3A_162 : i32
      %add3A_164 = arith.constant 7 : i32
      %add3A_165 = arith.addi %mul3A_163, %add3A_164 : i32
      %dma_wait3A_166 = tpu.memref_slice %arg5[%add3A_165, %mul3A_2] : memref<32x512xi32, #tpu.memory_space<vmem>> -> memref<1x16xi32, #tpu.memory_space<vmem>>
      %dma_wait3A_167 = tpu.memref_squeeze %dma_wait3A_166 : memref<1x16xi32, #tpu.memory_space<vmem>> -> memref<16xi32, #tpu.memory_space<vmem>>
      %dma_wait3A_168 = arith.constant 0 : i32
      %dma_wait3A_169 = arith.constant 0 : i32
      %dma_wait3A_170 = tpu.memref_slice %arg3[%dma_wait3A_168, %dma_wait3A_169] : memref<100000x768xf32, #tpu.memory_space<hbm>> -> memref<100000x768xf32, #tpu.memory_space<hbm>>
      tpu.wait_indirect_dma semaphore(%arg21 : memref<!tpu.dma_semaphore, #tpu.memory_space<semaphore_mem>>) src(%dma_wait3A_170 : memref<100000x768xf32, #tpu.memory_space<hbm>>) dst(%arg13 : memref<16x768xf32, #tpu.memory_space<vmem>>)
      %dma_start3A_171 = arith.constant 0 : i32
      %dma_start3A_172 = tpu.memref_slice %arg4[%add3A_165, %mul3A_2, %dma_start3A_171] : memref<32x512x768xf32, #tpu.memory_space<hbm>> -> memref<1x16x768xf32, #tpu.memory_space<hbm>>
      %dma_start3A_173 = tpu.memref_squeeze %dma_start3A_172 : memref<1x16x768xf32, #tpu.memory_space<hbm>> -> memref<16x768xf32, #tpu.memory_space<hbm>>
      %dma_start3A_174 = arith.constant 0 : i32
      %dma_start3A_175 = tpu.memref_slice %arg4[%add3A_165, %mul3A_2, %dma_start3A_174] : memref<32x512x768xf32, #tpu.memory_space<hbm>> -> memref<1x16x768xf32, #tpu.memory_space<hbm>>
      %dma_start3A_176 = tpu.memref_squeeze %dma_start3A_175 : memref<1x16x768xf32, #tpu.memory_space<hbm>> -> memref<16x768xf32, #tpu.memory_space<hbm>>
      tpu.enqueue_dma source(%arg13 : memref<16x768xf32, #tpu.memory_space<vmem>>) target(%dma_start3A_176 : memref<16x768xf32, #tpu.memory_space<hbm>>) target_semaphore(%arg29 : memref<!tpu.dma_semaphore, #tpu.memory_space<semaphore_mem>>)
      %mul3A_177 = arith.constant 8 : i32
      %mul3A_178 = arith.muli %scan3A_56, %mul3A_177 : i32
      %add3A_179 = arith.constant 0 : i32
      %add3A_180 = arith.addi %mul3A_178, %add3A_179 : i32
      %dma_wait3A_181 = arith.constant 0 : i32
      %dma_wait3A_182 = tpu.memref_slice %arg4[%add3A_180, %mul3A_2, %dma_wait3A_181] : memref<32x512x768xf32, #tpu.memory_space<hbm>> -> memref<1x16x768xf32, #tpu.memory_space<hbm>>
      %dma_wait3A_183 = tpu.memref_squeeze %dma_wait3A_182 : memref<1x16x768xf32, #tpu.memory_space<hbm>> -> memref<16x768xf32, #tpu.memory_space<hbm>>
      %dma_wait3A_184 = arith.constant 0 : i32
      %dma_wait3A_185 = tpu.memref_slice %arg4[%add3A_180, %mul3A_2, %dma_wait3A_184] : memref<32x512x768xf32, #tpu.memory_space<hbm>> -> memref<1x16x768xf32, #tpu.memory_space<hbm>>
      %dma_wait3A_186 = tpu.memref_squeeze %dma_wait3A_185 : memref<1x16x768xf32, #tpu.memory_space<hbm>> -> memref<16x768xf32, #tpu.memory_space<hbm>>
      tpu.wait_dma2 semaphore(%arg22 : memref<!tpu.dma_semaphore, #tpu.memory_space<semaphore_mem>>) src(%arg6 : memref<16x768xf32, #tpu.memory_space<vmem>>) dst(%dma_wait3A_186 : memref<16x768xf32, #tpu.memory_space<hbm>>)
      %add3A_187 = arith.constant 8 : i32
      %add3A_188 = arith.addi %add3A_180, %add3A_187 : i32
      %lt3A = arith.constant 32 : i32
      %lt3A_189 = arith.cmpi slt, %add3A_188, %lt3A : i32
      %convert_element_type3A = arith.extui %lt3A_189 : i1 to i32
      %cond3A = arith.constant 0 : i32
      %cond3A_190 = arith.cmpi ne, %convert_element_type3A, %cond3A : i32
      scf.if %cond3A_190 {
        %add3A_311 = arith.constant 8 : i32
        %add3A_312 = arith.addi %add3A_180, %add3A_311 : i32
        %dma_start3A_313 = tpu.memref_slice %arg5[%add3A_312, %mul3A_2] : memref<32x512xi32, #tpu.memory_space<vmem>> -> memref<1x16xi32, #tpu.memory_space<vmem>>
        %dma_start3A_314 = tpu.memref_squeeze %dma_start3A_313 : memref<1x16xi32, #tpu.memory_space<vmem>> -> memref<16xi32, #tpu.memory_space<vmem>>
        %dma_start3A_315 = arith.constant 0 : i32
        %dma_start3A_316 = arith.constant 0 : i32
        %dma_start3A_317 = tpu.memref_slice %arg3[%dma_start3A_315, %dma_start3A_316] : memref<100000x768xf32, #tpu.memory_space<hbm>> -> memref<100000x768xf32, #tpu.memory_space<hbm>>
        tpu.enqueue_indirect_dma source(%dma_start3A_317 : memref<100000x768xf32, #tpu.memory_space<hbm>>) target(%arg6 : memref<16x768xf32, #tpu.memory_space<vmem>>) offsets(%dma_start3A_314 : memref<16xi32, #tpu.memory_space<vmem>>) semaphore(%arg14 : memref<!tpu.dma_semaphore, #tpu.memory_space<semaphore_mem>>)
      } else {
      }
      %mul3A_191 = arith.constant 8 : i32
      %mul3A_192 = arith.muli %scan3A_56, %mul3A_191 : i32
      %add3A_193 = arith.constant 1 : i32
      %add3A_194 = arith.addi %mul3A_192, %add3A_193 : i32
      %dma_wait3A_195 = arith.constant 0 : i32
      %dma_wait3A_196 = tpu.memref_slice %arg4[%add3A_194, %mul3A_2, %dma_wait3A_195] : memref<32x512x768xf32, #tpu.memory_space<hbm>> -> memref<1x16x768xf32, #tpu.memory_space<hbm>>
      %dma_wait3A_197 = tpu.memref_squeeze %dma_wait3A_196 : memref<1x16x768xf32, #tpu.memory_space<hbm>> -> memref<16x768xf32, #tpu.memory_space<hbm>>
      %dma_wait3A_198 = arith.constant 0 : i32
      %dma_wait3A_199 = tpu.memref_slice %arg4[%add3A_194, %mul3A_2, %dma_wait3A_198] : memref<32x512x768xf32, #tpu.memory_space<hbm>> -> memref<1x16x768xf32, #tpu.memory_space<hbm>>
      %dma_wait3A_200 = tpu.memref_squeeze %dma_wait3A_199 : memref<1x16x768xf32, #tpu.memory_space<hbm>> -> memref<16x768xf32, #tpu.memory_space<hbm>>
      tpu.wait_dma2 semaphore(%arg23 : memref<!tpu.dma_semaphore, #tpu.memory_space<semaphore_mem>>) src(%arg7 : memref<16x768xf32, #tpu.memory_space<vmem>>) dst(%dma_wait3A_200 : memref<16x768xf32, #tpu.memory_space<hbm>>)
      %add3A_201 = arith.constant 8 : i32
      %add3A_202 = arith.addi %add3A_194, %add3A_201 : i32
      %lt3A_203 = arith.constant 32 : i32
      %lt3A_204 = arith.cmpi slt, %add3A_202, %lt3A_203 : i32
      %convert_element_type3A_205 = arith.extui %lt3A_204 : i1 to i32
      %cond3A_206 = arith.constant 0 : i32
      %cond3A_207 = arith.cmpi ne, %convert_element_type3A_205, %cond3A_206 : i32
      scf.if %cond3A_207 {
        %add3A_311 = arith.constant 8 : i32
        %add3A_312 = arith.addi %add3A_194, %add3A_311 : i32
        %dma_start3A_313 = tpu.memref_slice %arg5[%add3A_312, %mul3A_2] : memref<32x512xi32, #tpu.memory_space<vmem>> -> memref<1x16xi32, #tpu.memory_space<vmem>>
        %dma_start3A_314 = tpu.memref_squeeze %dma_start3A_313 : memref<1x16xi32, #tpu.memory_space<vmem>> -> memref<16xi32, #tpu.memory_space<vmem>>
        %dma_start3A_315 = arith.constant 0 : i32
        %dma_start3A_316 = arith.constant 0 : i32
        %dma_start3A_317 = tpu.memref_slice %arg3[%dma_start3A_315, %dma_start3A_316] : memref<100000x768xf32, #tpu.memory_space<hbm>> -> memref<100000x768xf32, #tpu.memory_space<hbm>>
        tpu.enqueue_indirect_dma source(%dma_start3A_317 : memref<100000x768xf32, #tpu.memory_space<hbm>>) target(%arg7 : memref<16x768xf32, #tpu.memory_space<vmem>>) offsets(%dma_start3A_314 : memref<16xi32, #tpu.memory_space<vmem>>) semaphore(%arg15 : memref<!tpu.dma_semaphore, #tpu.memory_space<semaphore_mem>>)
      } else {
      }
      %mul3A_208 = arith.constant 8 : i32
      %mul3A_209 = arith.muli %scan3A_56, %mul3A_208 : i32
      %add3A_210 = arith.constant 2 : i32
      %add3A_211 = arith.addi %mul3A_209, %add3A_210 : i32
      %dma_wait3A_212 = arith.constant 0 : i32
      %dma_wait3A_213 = tpu.memref_slice %arg4[%add3A_211, %mul3A_2, %dma_wait3A_212] : memref<32x512x768xf32, #tpu.memory_space<hbm>> -> memref<1x16x768xf32, #tpu.memory_space<hbm>>
      %dma_wait3A_214 = tpu.memref_squeeze %dma_wait3A_213 : memref<1x16x768xf32, #tpu.memory_space<hbm>> -> memref<16x768xf32, #tpu.memory_space<hbm>>
      %dma_wait3A_215 = arith.constant 0 : i32
      %dma_wait3A_216 = tpu.memref_slice %arg4[%add3A_211, %mul3A_2, %dma_wait3A_215] : memref<32x512x768xf32, #tpu.memory_space<hbm>> -> memref<1x16x768xf32, #tpu.memory_space<hbm>>
      %dma_wait3A_217 = tpu.memref_squeeze %dma_wait3A_216 : memref<1x16x768xf32, #tpu.memory_space<hbm>> -> memref<16x768xf32, #tpu.memory_space<hbm>>
      tpu.wait_dma2 semaphore(%arg24 : memref<!tpu.dma_semaphore, #tpu.memory_space<semaphore_mem>>) src(%arg8 : memref<16x768xf32, #tpu.memory_space<vmem>>) dst(%dma_wait3A_217 : memref<16x768xf32, #tpu.memory_space<hbm>>)
      %add3A_218 = arith.constant 8 : i32
      %add3A_219 = arith.addi %add3A_211, %add3A_218 : i32
      %lt3A_220 = arith.constant 32 : i32
      %lt3A_221 = arith.cmpi slt, %add3A_219, %lt3A_220 : i32
      %convert_element_type3A_222 = arith.extui %lt3A_221 : i1 to i32
      %cond3A_223 = arith.constant 0 : i32
      %cond3A_224 = arith.cmpi ne, %convert_element_type3A_222, %cond3A_223 : i32
      scf.if %cond3A_224 {
        %add3A_311 = arith.constant 8 : i32
        %add3A_312 = arith.addi %add3A_211, %add3A_311 : i32
        %dma_start3A_313 = tpu.memref_slice %arg5[%add3A_312, %mul3A_2] : memref<32x512xi32, #tpu.memory_space<vmem>> -> memref<1x16xi32, #tpu.memory_space<vmem>>
        %dma_start3A_314 = tpu.memref_squeeze %dma_start3A_313 : memref<1x16xi32, #tpu.memory_space<vmem>> -> memref<16xi32, #tpu.memory_space<vmem>>
        %dma_start3A_315 = arith.constant 0 : i32
        %dma_start3A_316 = arith.constant 0 : i32
        %dma_start3A_317 = tpu.memref_slice %arg3[%dma_start3A_315, %dma_start3A_316] : memref<100000x768xf32, #tpu.memory_space<hbm>> -> memref<100000x768xf32, #tpu.memory_space<hbm>>
        tpu.enqueue_indirect_dma source(%dma_start3A_317 : memref<100000x768xf32, #tpu.memory_space<hbm>>) target(%arg8 : memref<16x768xf32, #tpu.memory_space<vmem>>) offsets(%dma_start3A_314 : memref<16xi32, #tpu.memory_space<vmem>>) semaphore(%arg16 : memref<!tpu.dma_semaphore, #tpu.memory_space<semaphore_mem>>)
      } else {
      }
      %mul3A_225 = arith.constant 8 : i32
      %mul3A_226 = arith.muli %scan3A_56, %mul3A_225 : i32
      %add3A_227 = arith.constant 3 : i32
      %add3A_228 = arith.addi %mul3A_226, %add3A_227 : i32
      %dma_wait3A_229 = arith.constant 0 : i32
      %dma_wait3A_230 = tpu.memref_slice %arg4[%add3A_228, %mul3A_2, %dma_wait3A_229] : memref<32x512x768xf32, #tpu.memory_space<hbm>> -> memref<1x16x768xf32, #tpu.memory_space<hbm>>
      %dma_wait3A_231 = tpu.memref_squeeze %dma_wait3A_230 : memref<1x16x768xf32, #tpu.memory_space<hbm>> -> memref<16x768xf32, #tpu.memory_space<hbm>>
      %dma_wait3A_232 = arith.constant 0 : i32
      %dma_wait3A_233 = tpu.memref_slice %arg4[%add3A_228, %mul3A_2, %dma_wait3A_232] : memref<32x512x768xf32, #tpu.memory_space<hbm>> -> memref<1x16x768xf32, #tpu.memory_space<hbm>>
      %dma_wait3A_234 = tpu.memref_squeeze %dma_wait3A_233 : memref<1x16x768xf32, #tpu.memory_space<hbm>> -> memref<16x768xf32, #tpu.memory_space<hbm>>
      tpu.wait_dma2 semaphore(%arg25 : memref<!tpu.dma_semaphore, #tpu.memory_space<semaphore_mem>>) src(%arg9 : memref<16x768xf32, #tpu.memory_space<vmem>>) dst(%dma_wait3A_234 : memref<16x768xf32, #tpu.memory_space<hbm>>)
      %add3A_235 = arith.constant 8 : i32
      %add3A_236 = arith.addi %add3A_228, %add3A_235 : i32
      %lt3A_237 = arith.constant 32 : i32
      %lt3A_238 = arith.cmpi slt, %add3A_236, %lt3A_237 : i32
      %convert_element_type3A_239 = arith.extui %lt3A_238 : i1 to i32
      %cond3A_240 = arith.constant 0 : i32
      %cond3A_241 = arith.cmpi ne, %convert_element_type3A_239, %cond3A_240 : i32
      scf.if %cond3A_241 {
        %add3A_311 = arith.constant 8 : i32
        %add3A_312 = arith.addi %add3A_228, %add3A_311 : i32
        %dma_start3A_313 = tpu.memref_slice %arg5[%add3A_312, %mul3A_2] : memref<32x512xi32, #tpu.memory_space<vmem>> -> memref<1x16xi32, #tpu.memory_space<vmem>>
        %dma_start3A_314 = tpu.memref_squeeze %dma_start3A_313 : memref<1x16xi32, #tpu.memory_space<vmem>> -> memref<16xi32, #tpu.memory_space<vmem>>
        %dma_start3A_315 = arith.constant 0 : i32
        %dma_start3A_316 = arith.constant 0 : i32
        %dma_start3A_317 = tpu.memref_slice %arg3[%dma_start3A_315, %dma_start3A_316] : memref<100000x768xf32, #tpu.memory_space<hbm>> -> memref<100000x768xf32, #tpu.memory_space<hbm>>
        tpu.enqueue_indirect_dma source(%dma_start3A_317 : memref<100000x768xf32, #tpu.memory_space<hbm>>) target(%arg9 : memref<16x768xf32, #tpu.memory_space<vmem>>) offsets(%dma_start3A_314 : memref<16xi32, #tpu.memory_space<vmem>>) semaphore(%arg17 : memref<!tpu.dma_semaphore, #tpu.memory_space<semaphore_mem>>)
      } else {
      }
      %mul3A_242 = arith.constant 8 : i32
      %mul3A_243 = arith.muli %scan3A_56, %mul3A_242 : i32
      %add3A_244 = arith.constant 4 : i32
      %add3A_245 = arith.addi %mul3A_243, %add3A_244 : i32
      %dma_wait3A_246 = arith.constant 0 : i32
      %dma_wait3A_247 = tpu.memref_slice %arg4[%add3A_245, %mul3A_2, %dma_wait3A_246] : memref<32x512x768xf32, #tpu.memory_space<hbm>> -> memref<1x16x768xf32, #tpu.memory_space<hbm>>
      %dma_wait3A_248 = tpu.memref_squeeze %dma_wait3A_247 : memref<1x16x768xf32, #tpu.memory_space<hbm>> -> memref<16x768xf32, #tpu.memory_space<hbm>>
      %dma_wait3A_249 = arith.constant 0 : i32
      %dma_wait3A_250 = tpu.memref_slice %arg4[%add3A_245, %mul3A_2, %dma_wait3A_249] : memref<32x512x768xf32, #tpu.memory_space<hbm>> -> memref<1x16x768xf32, #tpu.memory_space<hbm>>
      %dma_wait3A_251 = tpu.memref_squeeze %dma_wait3A_250 : memref<1x16x768xf32, #tpu.memory_space<hbm>> -> memref<16x768xf32, #tpu.memory_space<hbm>>
      tpu.wait_dma2 semaphore(%arg26 : memref<!tpu.dma_semaphore, #tpu.memory_space<semaphore_mem>>) src(%arg10 : memref<16x768xf32, #tpu.memory_space<vmem>>) dst(%dma_wait3A_251 : memref<16x768xf32, #tpu.memory_space<hbm>>)
      %add3A_252 = arith.constant 8 : i32
      %add3A_253 = arith.addi %add3A_245, %add3A_252 : i32
      %lt3A_254 = arith.constant 32 : i32
      %lt3A_255 = arith.cmpi slt, %add3A_253, %lt3A_254 : i32
      %convert_element_type3A_256 = arith.extui %lt3A_255 : i1 to i32
      %cond3A_257 = arith.constant 0 : i32
      %cond3A_258 = arith.cmpi ne, %convert_element_type3A_256, %cond3A_257 : i32
      scf.if %cond3A_258 {
        %add3A_311 = arith.constant 8 : i32
        %add3A_312 = arith.addi %add3A_245, %add3A_311 : i32
        %dma_start3A_313 = tpu.memref_slice %arg5[%add3A_312, %mul3A_2] : memref<32x512xi32, #tpu.memory_space<vmem>> -> memref<1x16xi32, #tpu.memory_space<vmem>>
        %dma_start3A_314 = tpu.memref_squeeze %dma_start3A_313 : memref<1x16xi32, #tpu.memory_space<vmem>> -> memref<16xi32, #tpu.memory_space<vmem>>
        %dma_start3A_315 = arith.constant 0 : i32
        %dma_start3A_316 = arith.constant 0 : i32
        %dma_start3A_317 = tpu.memref_slice %arg3[%dma_start3A_315, %dma_start3A_316] : memref<100000x768xf32, #tpu.memory_space<hbm>> -> memref<100000x768xf32, #tpu.memory_space<hbm>>
        tpu.enqueue_indirect_dma source(%dma_start3A_317 : memref<100000x768xf32, #tpu.memory_space<hbm>>) target(%arg10 : memref<16x768xf32, #tpu.memory_space<vmem>>) offsets(%dma_start3A_314 : memref<16xi32, #tpu.memory_space<vmem>>) semaphore(%arg18 : memref<!tpu.dma_semaphore, #tpu.memory_space<semaphore_mem>>)
      } else {
      }
      %mul3A_259 = arith.constant 8 : i32
      %mul3A_260 = arith.muli %scan3A_56, %mul3A_259 : i32
      %add3A_261 = arith.constant 5 : i32
      %add3A_262 = arith.addi %mul3A_260, %add3A_261 : i32
      %dma_wait3A_263 = arith.constant 0 : i32
      %dma_wait3A_264 = tpu.memref_slice %arg4[%add3A_262, %mul3A_2, %dma_wait3A_263] : memref<32x512x768xf32, #tpu.memory_space<hbm>> -> memref<1x16x768xf32, #tpu.memory_space<hbm>>
      %dma_wait3A_265 = tpu.memref_squeeze %dma_wait3A_264 : memref<1x16x768xf32, #tpu.memory_space<hbm>> -> memref<16x768xf32, #tpu.memory_space<hbm>>
      %dma_wait3A_266 = arith.constant 0 : i32
      %dma_wait3A_267 = tpu.memref_slice %arg4[%add3A_262, %mul3A_2, %dma_wait3A_266] : memref<32x512x768xf32, #tpu.memory_space<hbm>> -> memref<1x16x768xf32, #tpu.memory_space<hbm>>
      %dma_wait3A_268 = tpu.memref_squeeze %dma_wait3A_267 : memref<1x16x768xf32, #tpu.memory_space<hbm>> -> memref<16x768xf32, #tpu.memory_space<hbm>>
      tpu.wait_dma2 semaphore(%arg27 : memref<!tpu.dma_semaphore, #tpu.memory_space<semaphore_mem>>) src(%arg11 : memref<16x768xf32, #tpu.memory_space<vmem>>) dst(%dma_wait3A_268 : memref<16x768xf32, #tpu.memory_space<hbm>>)
      %add3A_269 = arith.constant 8 : i32
      %add3A_270 = arith.addi %add3A_262, %add3A_269 : i32
      %lt3A_271 = arith.constant 32 : i32
      %lt3A_272 = arith.cmpi slt, %add3A_270, %lt3A_271 : i32
      %convert_element_type3A_273 = arith.extui %lt3A_272 : i1 to i32
      %cond3A_274 = arith.constant 0 : i32
      %cond3A_275 = arith.cmpi ne, %convert_element_type3A_273, %cond3A_274 : i32
      scf.if %cond3A_275 {
        %add3A_311 = arith.constant 8 : i32
        %add3A_312 = arith.addi %add3A_262, %add3A_311 : i32
        %dma_start3A_313 = tpu.memref_slice %arg5[%add3A_312, %mul3A_2] : memref<32x512xi32, #tpu.memory_space<vmem>> -> memref<1x16xi32, #tpu.memory_space<vmem>>
        %dma_start3A_314 = tpu.memref_squeeze %dma_start3A_313 : memref<1x16xi32, #tpu.memory_space<vmem>> -> memref<16xi32, #tpu.memory_space<vmem>>
        %dma_start3A_315 = arith.constant 0 : i32
        %dma_start3A_316 = arith.constant 0 : i32
        %dma_start3A_317 = tpu.memref_slice %arg3[%dma_start3A_315, %dma_start3A_316] : memref<100000x768xf32, #tpu.memory_space<hbm>> -> memref<100000x768xf32, #tpu.memory_space<hbm>>
        tpu.enqueue_indirect_dma source(%dma_start3A_317 : memref<100000x768xf32, #tpu.memory_space<hbm>>) target(%arg11 : memref<16x768xf32, #tpu.memory_space<vmem>>) offsets(%dma_start3A_314 : memref<16xi32, #tpu.memory_space<vmem>>) semaphore(%arg19 : memref<!tpu.dma_semaphore, #tpu.memory_space<semaphore_mem>>)
      } else {
      }
      %mul3A_276 = arith.constant 8 : i32
      %mul3A_277 = arith.muli %scan3A_56, %mul3A_276 : i32
      %add3A_278 = arith.constant 6 : i32
      %add3A_279 = arith.addi %mul3A_277, %add3A_278 : i32
      %dma_wait3A_280 = arith.constant 0 : i32
      %dma_wait3A_281 = tpu.memref_slice %arg4[%add3A_279, %mul3A_2, %dma_wait3A_280] : memref<32x512x768xf32, #tpu.memory_space<hbm>> -> memref<1x16x768xf32, #tpu.memory_space<hbm>>
      %dma_wait3A_282 = tpu.memref_squeeze %dma_wait3A_281 : memref<1x16x768xf32, #tpu.memory_space<hbm>> -> memref<16x768xf32, #tpu.memory_space<hbm>>
      %dma_wait3A_283 = arith.constant 0 : i32
      %dma_wait3A_284 = tpu.memref_slice %arg4[%add3A_279, %mul3A_2, %dma_wait3A_283] : memref<32x512x768xf32, #tpu.memory_space<hbm>> -> memref<1x16x768xf32, #tpu.memory_space<hbm>>
      %dma_wait3A_285 = tpu.memref_squeeze %dma_wait3A_284 : memref<1x16x768xf32, #tpu.memory_space<hbm>> -> memref<16x768xf32, #tpu.memory_space<hbm>>
      tpu.wait_dma2 semaphore(%arg28 : memref<!tpu.dma_semaphore, #tpu.memory_space<semaphore_mem>>) src(%arg12 : memref<16x768xf32, #tpu.memory_space<vmem>>) dst(%dma_wait3A_285 : memref<16x768xf32, #tpu.memory_space<hbm>>)
      %add3A_286 = arith.constant 8 : i32
      %add3A_287 = arith.addi %add3A_279, %add3A_286 : i32
      %lt3A_288 = arith.constant 32 : i32
      %lt3A_289 = arith.cmpi slt, %add3A_287, %lt3A_288 : i32
      %convert_element_type3A_290 = arith.extui %lt3A_289 : i1 to i32
      %cond3A_291 = arith.constant 0 : i32
      %cond3A_292 = arith.cmpi ne, %convert_element_type3A_290, %cond3A_291 : i32
      scf.if %cond3A_292 {
        %add3A_311 = arith.constant 8 : i32
        %add3A_312 = arith.addi %add3A_279, %add3A_311 : i32
        %dma_start3A_313 = tpu.memref_slice %arg5[%add3A_312, %mul3A_2] : memref<32x512xi32, #tpu.memory_space<vmem>> -> memref<1x16xi32, #tpu.memory_space<vmem>>
        %dma_start3A_314 = tpu.memref_squeeze %dma_start3A_313 : memref<1x16xi32, #tpu.memory_space<vmem>> -> memref<16xi32, #tpu.memory_space<vmem>>
        %dma_start3A_315 = arith.constant 0 : i32
        %dma_start3A_316 = arith.constant 0 : i32
        %dma_start3A_317 = tpu.memref_slice %arg3[%dma_start3A_315, %dma_start3A_316] : memref<100000x768xf32, #tpu.memory_space<hbm>> -> memref<100000x768xf32, #tpu.memory_space<hbm>>
        tpu.enqueue_indirect_dma source(%dma_start3A_317 : memref<100000x768xf32, #tpu.memory_space<hbm>>) target(%arg12 : memref<16x768xf32, #tpu.memory_space<vmem>>) offsets(%dma_start3A_314 : memref<16xi32, #tpu.memory_space<vmem>>) semaphore(%arg20 : memref<!tpu.dma_semaphore, #tpu.memory_space<semaphore_mem>>)
      } else {
      }
      %mul3A_293 = arith.constant 8 : i32
      %mul3A_294 = arith.muli %scan3A_56, %mul3A_293 : i32
      %add3A_295 = arith.constant 7 : i32
      %add3A_296 = arith.addi %mul3A_294, %add3A_295 : i32
      %dma_wait3A_297 = arith.constant 0 : i32
      %dma_wait3A_298 = tpu.memref_slice %arg4[%add3A_296, %mul3A_2, %dma_wait3A_297] : memref<32x512x768xf32, #tpu.memory_space<hbm>> -> memref<1x16x768xf32, #tpu.memory_space<hbm>>
      %dma_wait3A_299 = tpu.memref_squeeze %dma_wait3A_298 : memref<1x16x768xf32, #tpu.memory_space<hbm>> -> memref<16x768xf32, #tpu.memory_space<hbm>>
      %dma_wait3A_300 = arith.constant 0 : i32
      %dma_wait3A_301 = tpu.memref_slice %arg4[%add3A_296, %mul3A_2, %dma_wait3A_300] : memref<32x512x768xf32, #tpu.memory_space<hbm>> -> memref<1x16x768xf32, #tpu.memory_space<hbm>>
      %dma_wait3A_302 = tpu.memref_squeeze %dma_wait3A_301 : memref<1x16x768xf32, #tpu.memory_space<hbm>> -> memref<16x768xf32, #tpu.memory_space<hbm>>
      tpu.wait_dma2 semaphore(%arg29 : memref<!tpu.dma_semaphore, #tpu.memory_space<semaphore_mem>>) src(%arg13 : memref<16x768xf32, #tpu.memory_space<vmem>>) dst(%dma_wait3A_302 : memref<16x768xf32, #tpu.memory_space<hbm>>)
      %add3A_303 = arith.constant 8 : i32
      %add3A_304 = arith.addi %add3A_296, %add3A_303 : i32
      %lt3A_305 = arith.constant 32 : i32
      %lt3A_306 = arith.cmpi slt, %add3A_304, %lt3A_305 : i32
      %convert_element_type3A_307 = arith.extui %lt3A_306 : i1 to i32
      %cond3A_308 = arith.constant 0 : i32
      %cond3A_309 = arith.cmpi ne, %convert_element_type3A_307, %cond3A_308 : i32
      scf.if %cond3A_309 {
        %add3A_311 = arith.constant 8 : i32
        %add3A_312 = arith.addi %add3A_296, %add3A_311 : i32
        %dma_start3A_313 = tpu.memref_slice %arg5[%add3A_312, %mul3A_2] : memref<32x512xi32, #tpu.memory_space<vmem>> -> memref<1x16xi32, #tpu.memory_space<vmem>>
        %dma_start3A_314 = tpu.memref_squeeze %dma_start3A_313 : memref<1x16xi32, #tpu.memory_space<vmem>> -> memref<16xi32, #tpu.memory_space<vmem>>
        %dma_start3A_315 = arith.constant 0 : i32
        %dma_start3A_316 = arith.constant 0 : i32
        %dma_start3A_317 = tpu.memref_slice %arg3[%dma_start3A_315, %dma_start3A_316] : memref<100000x768xf32, #tpu.memory_space<hbm>> -> memref<100000x768xf32, #tpu.memory_space<hbm>>
        tpu.enqueue_indirect_dma source(%dma_start3A_317 : memref<100000x768xf32, #tpu.memory_space<hbm>>) target(%arg13 : memref<16x768xf32, #tpu.memory_space<vmem>>) offsets(%dma_start3A_314 : memref<16xi32, #tpu.memory_space<vmem>>) semaphore(%arg21 : memref<!tpu.dma_semaphore, #tpu.memory_space<semaphore_mem>>)
      } else {
      }
      %scan3A_310 = arith.constant 0 : i32
      scf.yield %scan3A_310 : i32
    }
    %scan3A_55 = arith.constant 4 : i32
    return
  }
}

#map = affine_map<(d0, d1) -> (0, 0)>
#map1 = affine_map<(d0, d1) -> (0, 0, 0)>
module attributes {stable_mosaic.version = 14 : i64} {
  func.func @_sc_gather_body(%arg0: i32, %arg1: i32, %arg2: memref<64x512xi32, #tpu.memory_space<hbm>>, %arg3: memref<100000x768xf32, #tpu.memory_space<hbm>>, %arg4: memref<32x512x768xf32, #tpu.memory_space<hbm>>, %arg5: memref<32x512xi32, #tpu.memory_space<vmem>>, %arg6: memref<16x768xf32, #tpu.memory_space<vmem>>, %arg7: memref<16x768xf32, #tpu.memory_space<vmem>>, %arg8: memref<16x768xf32, #tpu.memory_space<vmem>>, %arg9: memref<16x768xf32, #tpu.memory_space<vmem>>, %arg10: memref<16x768xf32, #tpu.memory_space<vmem>>, %arg11: memref<16x768xf32, #tpu.memory_space<vmem>>, %arg12: memref<16x768xf32, #tpu.memory_space<vmem>>, %arg13: memref<16x768xf32, #tpu.memory_space<vmem>>, %arg14: memref<!tpu.dma_semaphore, #tpu.memory_space<semaphore_mem>>, %arg15: memref<!tpu.dma_semaphore, #tpu.memory_space<semaphore_mem>>, %arg16: memref<!tpu.dma_semaphore, #tpu.memory_space<semaphore_mem>>, %arg17: memref<!tpu.dma_semaphore, #tpu.memory_space<semaphore_mem>>, %arg18: memref<!tpu.dma_semaphore, #tpu.memory_space<semaphore_mem>>, %arg19: memref<!tpu.dma_semaphore, #tpu.memory_space<semaphore_mem>>, %arg20: memref<!tpu.dma_semaphore, #tpu.memory_space<semaphore_mem>>, %arg21: memref<!tpu.dma_semaphore, #tpu.memory_space<semaphore_mem>>, %arg22: memref<!tpu.dma_semaphore, #tpu.memory_space<semaphore_mem>>, %arg23: memref<!tpu.dma_semaphore, #tpu.memory_space<semaphore_mem>>, %arg24: memref<!tpu.dma_semaphore, #tpu.memory_space<semaphore_mem>>, %arg25: memref<!tpu.dma_semaphore, #tpu.memory_space<semaphore_mem>>, %arg26: memref<!tpu.dma_semaphore, #tpu.memory_space<semaphore_mem>>, %arg27: memref<!tpu.dma_semaphore, #tpu.memory_space<semaphore_mem>>, %arg28: memref<!tpu.dma_semaphore, #tpu.memory_space<semaphore_mem>>, %arg29: memref<!tpu.dma_semaphore, #tpu.memory_space<semaphore_mem>>) attributes {dimension_semantics = [#tpu.dimension_semantics<core_parallel>, #tpu.dimension_semantics<subcore_parallel>], iteration_bounds = array<i64: 2, 16>, scalar_prefetch = 0 : i64, scratch_operands = 25 : i64, tpu.core_type = #tpu.core_type<sc_vector_subcore>, window_params = [{transform_indices = #map}, {transform_indices = #map}, {transform_indices = #map1}]} {
    %mul3A = arith.constant 2 : i32
    %mul3A_0 = arith.muli %arg1, %mul3A : i32
    %add3A = arith.addi %mul3A_0, %arg0 : i32
    %mul3A_1 = arith.constant 16 : i32
    %mul3A_2 = arith.muli %add3A, %mul3A_1 : i32
    "tpu.region"() ({
      %run_scoped3A = tpu.sem_alloc : memref<!tpu.dma_semaphore, #tpu.memory_space<semaphore_mem>>
      %dma_start3A_56 = arith.constant 32 : i32
      %dma_start3A_57 = arith.constant 0 : i32
      %dma_start3A_58 = tpu.memref_slice %arg2[%dma_start3A_56, %dma_start3A_57] : memref<64x512xi32, #tpu.memory_space<hbm>> -> memref<32x512xi32, #tpu.memory_space<hbm>>
      %dma_start3A_59 = arith.constant 32 : i32
      %dma_start3A_60 = arith.constant 0 : i32
      %dma_start3A_61 = tpu.memref_slice %arg2[%dma_start3A_59, %dma_start3A_60] : memref<64x512xi32, #tpu.memory_space<hbm>> -> memref<32x512xi32, #tpu.memory_space<hbm>>
      tpu.enqueue_dma source(%dma_start3A_61 : memref<32x512xi32, #tpu.memory_space<hbm>>) target(%arg5 : memref<32x512xi32, #tpu.memory_space<vmem>>) target_semaphore(%run_scoped3A : memref<!tpu.dma_semaphore, #tpu.memory_space<semaphore_mem>>)
      %dma_wait3A = arith.constant 32 : i32
      %dma_wait3A_62 = arith.constant 0 : i32
      %dma_wait3A_63 = tpu.memref_slice %arg2[%dma_wait3A, %dma_wait3A_62] : memref<64x512xi32, #tpu.memory_space<hbm>> -> memref<32x512xi32, #tpu.memory_space<hbm>>
      %dma_wait3A_64 = arith.constant 32 : i32
      %dma_wait3A_65 = arith.constant 0 : i32
      %dma_wait3A_66 = tpu.memref_slice %arg2[%dma_wait3A_64, %dma_wait3A_65] : memref<64x512xi32, #tpu.memory_space<hbm>> -> memref<32x512xi32, #tpu.memory_space<hbm>>
      tpu.wait_dma2 semaphore(%run_scoped3A : memref<!tpu.dma_semaphore, #tpu.memory_space<semaphore_mem>>) src(%dma_wait3A_66 : memref<32x512xi32, #tpu.memory_space<hbm>>) dst(%arg5 : memref<32x512xi32, #tpu.memory_space<vmem>>)
      tpu.yield
    }) : () -> ()
    %dma_start3A = arith.constant 0 : i32
    %dma_start3A_3 = tpu.memref_slice %arg5[%dma_start3A, %mul3A_2] : memref<32x512xi32, #tpu.memory_space<vmem>> -> memref<1x16xi32, #tpu.memory_space<vmem>>
    %dma_start3A_4 = tpu.memref_squeeze %dma_start3A_3 : memref<1x16xi32, #tpu.memory_space<vmem>> -> memref<16xi32, #tpu.memory_space<vmem>>
    %dma_start3A_5 = arith.constant 0 : i32
    %dma_start3A_6 = arith.constant 0 : i32
    %dma_start3A_7 = tpu.memref_slice %arg3[%dma_start3A_5, %dma_start3A_6] : memref<100000x768xf32, #tpu.memory_space<hbm>> -> memref<100000x768xf32, #tpu.memory_space<hbm>>
    tpu.enqueue_indirect_dma source(%dma_start3A_7 : memref<100000x768xf32, #tpu.memory_space<hbm>>) target(%arg6 : memref<16x768xf32, #tpu.memory_space<vmem>>) offsets(%dma_start3A_4 : memref<16xi32, #tpu.memory_space<vmem>>) semaphore(%arg14 : memref<!tpu.dma_semaphore, #tpu.memory_space<semaphore_mem>>)
    %dma_start3A_8 = arith.constant 1 : i32
    %dma_start3A_9 = tpu.memref_slice %arg5[%dma_start3A_8, %mul3A_2] : memref<32x512xi32, #tpu.memory_space<vmem>> -> memref<1x16xi32, #tpu.memory_space<vmem>>
    %dma_start3A_10 = tpu.memref_squeeze %dma_start3A_9 : memref<1x16xi32, #tpu.memory_space<vmem>> -> memref<16xi32, #tpu.memory_space<vmem>>
    %dma_start3A_11 = arith.constant 0 : i32
    %dma_start3A_12 = arith.constant 0 : i32
    %dma_start3A_13 = tpu.memref_slice %arg3[%dma_start3A_11, %dma_start3A_12] : memref<100000x768xf32, #tpu.memory_space<hbm>> -> memref<100000x768xf32, #tpu.memory_space<hbm>>
    tpu.enqueue_indirect_dma source(%dma_start3A_13 : memref<100000x768xf32, #tpu.memory_space<hbm>>) target(%arg7 : memref<16x768xf32, #tpu.memory_space<vmem>>) offsets(%dma_start3A_10 : memref<16xi32, #tpu.memory_space<vmem>>) semaphore(%arg15 : memref<!tpu.dma_semaphore, #tpu.memory_space<semaphore_mem>>)
    %dma_start3A_14 = arith.constant 2 : i32
    %dma_start3A_15 = tpu.memref_slice %arg5[%dma_start3A_14, %mul3A_2] : memref<32x512xi32, #tpu.memory_space<vmem>> -> memref<1x16xi32, #tpu.memory_space<vmem>>
    %dma_start3A_16 = tpu.memref_squeeze %dma_start3A_15 : memref<1x16xi32, #tpu.memory_space<vmem>> -> memref<16xi32, #tpu.memory_space<vmem>>
    %dma_start3A_17 = arith.constant 0 : i32
    %dma_start3A_18 = arith.constant 0 : i32
    %dma_start3A_19 = tpu.memref_slice %arg3[%dma_start3A_17, %dma_start3A_18] : memref<100000x768xf32, #tpu.memory_space<hbm>> -> memref<100000x768xf32, #tpu.memory_space<hbm>>
    tpu.enqueue_indirect_dma source(%dma_start3A_19 : memref<100000x768xf32, #tpu.memory_space<hbm>>) target(%arg8 : memref<16x768xf32, #tpu.memory_space<vmem>>) offsets(%dma_start3A_16 : memref<16xi32, #tpu.memory_space<vmem>>) semaphore(%arg16 : memref<!tpu.dma_semaphore, #tpu.memory_space<semaphore_mem>>)
    %dma_start3A_20 = arith.constant 3 : i32
    %dma_start3A_21 = tpu.memref_slice %arg5[%dma_start3A_20, %mul3A_2] : memref<32x512xi32, #tpu.memory_space<vmem>> -> memref<1x16xi32, #tpu.memory_space<vmem>>
    %dma_start3A_22 = tpu.memref_squeeze %dma_start3A_21 : memref<1x16xi32, #tpu.memory_space<vmem>> -> memref<16xi32, #tpu.memory_space<vmem>>
    %dma_start3A_23 = arith.constant 0 : i32
    %dma_start3A_24 = arith.constant 0 : i32
    %dma_start3A_25 = tpu.memref_slice %arg3[%dma_start3A_23, %dma_start3A_24] : memref<100000x768xf32, #tpu.memory_space<hbm>> -> memref<100000x768xf32, #tpu.memory_space<hbm>>
    tpu.enqueue_indirect_dma source(%dma_start3A_25 : memref<100000x768xf32, #tpu.memory_space<hbm>>) target(%arg9 : memref<16x768xf32, #tpu.memory_space<vmem>>) offsets(%dma_start3A_22 : memref<16xi32, #tpu.memory_space<vmem>>) semaphore(%arg17 : memref<!tpu.dma_semaphore, #tpu.memory_space<semaphore_mem>>)
    %dma_start3A_26 = arith.constant 4 : i32
    %dma_start3A_27 = tpu.memref_slice %arg5[%dma_start3A_26, %mul3A_2] : memref<32x512xi32, #tpu.memory_space<vmem>> -> memref<1x16xi32, #tpu.memory_space<vmem>>
    %dma_start3A_28 = tpu.memref_squeeze %dma_start3A_27 : memref<1x16xi32, #tpu.memory_space<vmem>> -> memref<16xi32, #tpu.memory_space<vmem>>
    %dma_start3A_29 = arith.constant 0 : i32
    %dma_start3A_30 = arith.constant 0 : i32
    %dma_start3A_31 = tpu.memref_slice %arg3[%dma_start3A_29, %dma_start3A_30] : memref<100000x768xf32, #tpu.memory_space<hbm>> -> memref<100000x768xf32, #tpu.memory_space<hbm>>
    tpu.enqueue_indirect_dma source(%dma_start3A_31 : memref<100000x768xf32, #tpu.memory_space<hbm>>) target(%arg10 : memref<16x768xf32, #tpu.memory_space<vmem>>) offsets(%dma_start3A_28 : memref<16xi32, #tpu.memory_space<vmem>>) semaphore(%arg18 : memref<!tpu.dma_semaphore, #tpu.memory_space<semaphore_mem>>)
    %dma_start3A_32 = arith.constant 5 : i32
    %dma_start3A_33 = tpu.memref_slice %arg5[%dma_start3A_32, %mul3A_2] : memref<32x512xi32, #tpu.memory_space<vmem>> -> memref<1x16xi32, #tpu.memory_space<vmem>>
    %dma_start3A_34 = tpu.memref_squeeze %dma_start3A_33 : memref<1x16xi32, #tpu.memory_space<vmem>> -> memref<16xi32, #tpu.memory_space<vmem>>
    %dma_start3A_35 = arith.constant 0 : i32
    %dma_start3A_36 = arith.constant 0 : i32
    %dma_start3A_37 = tpu.memref_slice %arg3[%dma_start3A_35, %dma_start3A_36] : memref<100000x768xf32, #tpu.memory_space<hbm>> -> memref<100000x768xf32, #tpu.memory_space<hbm>>
    tpu.enqueue_indirect_dma source(%dma_start3A_37 : memref<100000x768xf32, #tpu.memory_space<hbm>>) target(%arg11 : memref<16x768xf32, #tpu.memory_space<vmem>>) offsets(%dma_start3A_34 : memref<16xi32, #tpu.memory_space<vmem>>) semaphore(%arg19 : memref<!tpu.dma_semaphore, #tpu.memory_space<semaphore_mem>>)
    %dma_start3A_38 = arith.constant 6 : i32
    %dma_start3A_39 = tpu.memref_slice %arg5[%dma_start3A_38, %mul3A_2] : memref<32x512xi32, #tpu.memory_space<vmem>> -> memref<1x16xi32, #tpu.memory_space<vmem>>
    %dma_start3A_40 = tpu.memref_squeeze %dma_start3A_39 : memref<1x16xi32, #tpu.memory_space<vmem>> -> memref<16xi32, #tpu.memory_space<vmem>>
    %dma_start3A_41 = arith.constant 0 : i32
    %dma_start3A_42 = arith.constant 0 : i32
    %dma_start3A_43 = tpu.memref_slice %arg3[%dma_start3A_41, %dma_start3A_42] : memref<100000x768xf32, #tpu.memory_space<hbm>> -> memref<100000x768xf32, #tpu.memory_space<hbm>>
    tpu.enqueue_indirect_dma source(%dma_start3A_43 : memref<100000x768xf32, #tpu.memory_space<hbm>>) target(%arg12 : memref<16x768xf32, #tpu.memory_space<vmem>>) offsets(%dma_start3A_40 : memref<16xi32, #tpu.memory_space<vmem>>) semaphore(%arg20 : memref<!tpu.dma_semaphore, #tpu.memory_space<semaphore_mem>>)
    %dma_start3A_44 = arith.constant 7 : i32
    %dma_start3A_45 = tpu.memref_slice %arg5[%dma_start3A_44, %mul3A_2] : memref<32x512xi32, #tpu.memory_space<vmem>> -> memref<1x16xi32, #tpu.memory_space<vmem>>
    %dma_start3A_46 = tpu.memref_squeeze %dma_start3A_45 : memref<1x16xi32, #tpu.memory_space<vmem>> -> memref<16xi32, #tpu.memory_space<vmem>>
    %dma_start3A_47 = arith.constant 0 : i32
    %dma_start3A_48 = arith.constant 0 : i32
    %dma_start3A_49 = tpu.memref_slice %arg3[%dma_start3A_47, %dma_start3A_48] : memref<100000x768xf32, #tpu.memory_space<hbm>> -> memref<100000x768xf32, #tpu.memory_space<hbm>>
    tpu.enqueue_indirect_dma source(%dma_start3A_49 : memref<100000x768xf32, #tpu.memory_space<hbm>>) target(%arg13 : memref<16x768xf32, #tpu.memory_space<vmem>>) offsets(%dma_start3A_46 : memref<16xi32, #tpu.memory_space<vmem>>) semaphore(%arg21 : memref<!tpu.dma_semaphore, #tpu.memory_space<semaphore_mem>>)
    %scan3A = arith.constant 0 : i32
    %scan3A_50 = arith.constant 0 : i32
    %scan3A_51 = arith.constant 4 : i32
    %scan3A_52 = arith.addi %scan3A_50, %scan3A_51 : i32
    %scan3A_53 = arith.constant 1 : i32
    %scan3A_54 = scf.for %scan3A_56 = %scan3A_50 to %scan3A_52 step %scan3A_53 iter_args(%scan3A_57 = %scan3A) -> (i32)  : i32 {
      %mul3A_58 = arith.constant 8 : i32
      %mul3A_59 = arith.muli %scan3A_56, %mul3A_58 : i32
      %add3A_60 = arith.constant 0 : i32
      %add3A_61 = arith.addi %mul3A_59, %add3A_60 : i32
      %dma_wait3A = tpu.memref_slice %arg5[%add3A_61, %mul3A_2] : memref<32x512xi32, #tpu.memory_space<vmem>> -> memref<1x16xi32, #tpu.memory_space<vmem>>
      %dma_wait3A_62 = tpu.memref_squeeze %dma_wait3A : memref<1x16xi32, #tpu.memory_space<vmem>> -> memref<16xi32, #tpu.memory_space<vmem>>
      %dma_wait3A_63 = arith.constant 0 : i32
      %dma_wait3A_64 = arith.constant 0 : i32
      %dma_wait3A_65 = tpu.memref_slice %arg3[%dma_wait3A_63, %dma_wait3A_64] : memref<100000x768xf32, #tpu.memory_space<hbm>> -> memref<100000x768xf32, #tpu.memory_space<hbm>>
      tpu.wait_indirect_dma semaphore(%arg14 : memref<!tpu.dma_semaphore, #tpu.memory_space<semaphore_mem>>) src(%dma_wait3A_65 : memref<100000x768xf32, #tpu.memory_space<hbm>>) dst(%arg6 : memref<16x768xf32, #tpu.memory_space<vmem>>)
      %dma_start3A_66 = arith.constant 0 : i32
      %dma_start3A_67 = tpu.memref_slice %arg4[%add3A_61, %mul3A_2, %dma_start3A_66] : memref<32x512x768xf32, #tpu.memory_space<hbm>> -> memref<1x16x768xf32, #tpu.memory_space<hbm>>
      %dma_start3A_68 = tpu.memref_squeeze %dma_start3A_67 : memref<1x16x768xf32, #tpu.memory_space<hbm>> -> memref<16x768xf32, #tpu.memory_space<hbm>>
      %dma_start3A_69 = arith.constant 0 : i32
      %dma_start3A_70 = tpu.memref_slice %arg4[%add3A_61, %mul3A_2, %dma_start3A_69] : memref<32x512x768xf32, #tpu.memory_space<hbm>> -> memref<1x16x768xf32, #tpu.memory_space<hbm>>
      %dma_start3A_71 = tpu.memref_squeeze %dma_start3A_70 : memref<1x16x768xf32, #tpu.memory_space<hbm>> -> memref<16x768xf32, #tpu.memory_space<hbm>>
      tpu.enqueue_dma source(%arg6 : memref<16x768xf32, #tpu.memory_space<vmem>>) target(%dma_start3A_71 : memref<16x768xf32, #tpu.memory_space<hbm>>) target_semaphore(%arg22 : memref<!tpu.dma_semaphore, #tpu.memory_space<semaphore_mem>>)
      %mul3A_72 = arith.constant 8 : i32
      %mul3A_73 = arith.muli %scan3A_56, %mul3A_72 : i32
      %add3A_74 = arith.constant 1 : i32
      %add3A_75 = arith.addi %mul3A_73, %add3A_74 : i32
      %dma_wait3A_76 = tpu.memref_slice %arg5[%add3A_75, %mul3A_2] : memref<32x512xi32, #tpu.memory_space<vmem>> -> memref<1x16xi32, #tpu.memory_space<vmem>>
      %dma_wait3A_77 = tpu.memref_squeeze %dma_wait3A_76 : memref<1x16xi32, #tpu.memory_space<vmem>> -> memref<16xi32, #tpu.memory_space<vmem>>
      %dma_wait3A_78 = arith.constant 0 : i32
      %dma_wait3A_79 = arith.constant 0 : i32
      %dma_wait3A_80 = tpu.memref_slice %arg3[%dma_wait3A_78, %dma_wait3A_79] : memref<100000x768xf32, #tpu.memory_space<hbm>> -> memref<100000x768xf32, #tpu.memory_space<hbm>>
      tpu.wait_indirect_dma semaphore(%arg15 : memref<!tpu.dma_semaphore, #tpu.memory_space<semaphore_mem>>) src(%dma_wait3A_80 : memref<100000x768xf32, #tpu.memory_space<hbm>>) dst(%arg7 : memref<16x768xf32, #tpu.memory_space<vmem>>)
      %dma_start3A_81 = arith.constant 0 : i32
      %dma_start3A_82 = tpu.memref_slice %arg4[%add3A_75, %mul3A_2, %dma_start3A_81] : memref<32x512x768xf32, #tpu.memory_space<hbm>> -> memref<1x16x768xf32, #tpu.memory_space<hbm>>
      %dma_start3A_83 = tpu.memref_squeeze %dma_start3A_82 : memref<1x16x768xf32, #tpu.memory_space<hbm>> -> memref<16x768xf32, #tpu.memory_space<hbm>>
      %dma_start3A_84 = arith.constant 0 : i32
      %dma_start3A_85 = tpu.memref_slice %arg4[%add3A_75, %mul3A_2, %dma_start3A_84] : memref<32x512x768xf32, #tpu.memory_space<hbm>> -> memref<1x16x768xf32, #tpu.memory_space<hbm>>
      %dma_start3A_86 = tpu.memref_squeeze %dma_start3A_85 : memref<1x16x768xf32, #tpu.memory_space<hbm>> -> memref<16x768xf32, #tpu.memory_space<hbm>>
      tpu.enqueue_dma source(%arg7 : memref<16x768xf32, #tpu.memory_space<vmem>>) target(%dma_start3A_86 : memref<16x768xf32, #tpu.memory_space<hbm>>) target_semaphore(%arg23 : memref<!tpu.dma_semaphore, #tpu.memory_space<semaphore_mem>>)
      %mul3A_87 = arith.constant 8 : i32
      %mul3A_88 = arith.muli %scan3A_56, %mul3A_87 : i32
      %add3A_89 = arith.constant 2 : i32
      %add3A_90 = arith.addi %mul3A_88, %add3A_89 : i32
      %dma_wait3A_91 = tpu.memref_slice %arg5[%add3A_90, %mul3A_2] : memref<32x512xi32, #tpu.memory_space<vmem>> -> memref<1x16xi32, #tpu.memory_space<vmem>>
      %dma_wait3A_92 = tpu.memref_squeeze %dma_wait3A_91 : memref<1x16xi32, #tpu.memory_space<vmem>> -> memref<16xi32, #tpu.memory_space<vmem>>
      %dma_wait3A_93 = arith.constant 0 : i32
      %dma_wait3A_94 = arith.constant 0 : i32
      %dma_wait3A_95 = tpu.memref_slice %arg3[%dma_wait3A_93, %dma_wait3A_94] : memref<100000x768xf32, #tpu.memory_space<hbm>> -> memref<100000x768xf32, #tpu.memory_space<hbm>>
      tpu.wait_indirect_dma semaphore(%arg16 : memref<!tpu.dma_semaphore, #tpu.memory_space<semaphore_mem>>) src(%dma_wait3A_95 : memref<100000x768xf32, #tpu.memory_space<hbm>>) dst(%arg8 : memref<16x768xf32, #tpu.memory_space<vmem>>)
      %dma_start3A_96 = arith.constant 0 : i32
      %dma_start3A_97 = tpu.memref_slice %arg4[%add3A_90, %mul3A_2, %dma_start3A_96] : memref<32x512x768xf32, #tpu.memory_space<hbm>> -> memref<1x16x768xf32, #tpu.memory_space<hbm>>
      %dma_start3A_98 = tpu.memref_squeeze %dma_start3A_97 : memref<1x16x768xf32, #tpu.memory_space<hbm>> -> memref<16x768xf32, #tpu.memory_space<hbm>>
      %dma_start3A_99 = arith.constant 0 : i32
      %dma_start3A_100 = tpu.memref_slice %arg4[%add3A_90, %mul3A_2, %dma_start3A_99] : memref<32x512x768xf32, #tpu.memory_space<hbm>> -> memref<1x16x768xf32, #tpu.memory_space<hbm>>
      %dma_start3A_101 = tpu.memref_squeeze %dma_start3A_100 : memref<1x16x768xf32, #tpu.memory_space<hbm>> -> memref<16x768xf32, #tpu.memory_space<hbm>>
      tpu.enqueue_dma source(%arg8 : memref<16x768xf32, #tpu.memory_space<vmem>>) target(%dma_start3A_101 : memref<16x768xf32, #tpu.memory_space<hbm>>) target_semaphore(%arg24 : memref<!tpu.dma_semaphore, #tpu.memory_space<semaphore_mem>>)
      %mul3A_102 = arith.constant 8 : i32
      %mul3A_103 = arith.muli %scan3A_56, %mul3A_102 : i32
      %add3A_104 = arith.constant 3 : i32
      %add3A_105 = arith.addi %mul3A_103, %add3A_104 : i32
      %dma_wait3A_106 = tpu.memref_slice %arg5[%add3A_105, %mul3A_2] : memref<32x512xi32, #tpu.memory_space<vmem>> -> memref<1x16xi32, #tpu.memory_space<vmem>>
      %dma_wait3A_107 = tpu.memref_squeeze %dma_wait3A_106 : memref<1x16xi32, #tpu.memory_space<vmem>> -> memref<16xi32, #tpu.memory_space<vmem>>
      %dma_wait3A_108 = arith.constant 0 : i32
      %dma_wait3A_109 = arith.constant 0 : i32
      %dma_wait3A_110 = tpu.memref_slice %arg3[%dma_wait3A_108, %dma_wait3A_109] : memref<100000x768xf32, #tpu.memory_space<hbm>> -> memref<100000x768xf32, #tpu.memory_space<hbm>>
      tpu.wait_indirect_dma semaphore(%arg17 : memref<!tpu.dma_semaphore, #tpu.memory_space<semaphore_mem>>) src(%dma_wait3A_110 : memref<100000x768xf32, #tpu.memory_space<hbm>>) dst(%arg9 : memref<16x768xf32, #tpu.memory_space<vmem>>)
      %dma_start3A_111 = arith.constant 0 : i32
      %dma_start3A_112 = tpu.memref_slice %arg4[%add3A_105, %mul3A_2, %dma_start3A_111] : memref<32x512x768xf32, #tpu.memory_space<hbm>> -> memref<1x16x768xf32, #tpu.memory_space<hbm>>
      %dma_start3A_113 = tpu.memref_squeeze %dma_start3A_112 : memref<1x16x768xf32, #tpu.memory_space<hbm>> -> memref<16x768xf32, #tpu.memory_space<hbm>>
      %dma_start3A_114 = arith.constant 0 : i32
      %dma_start3A_115 = tpu.memref_slice %arg4[%add3A_105, %mul3A_2, %dma_start3A_114] : memref<32x512x768xf32, #tpu.memory_space<hbm>> -> memref<1x16x768xf32, #tpu.memory_space<hbm>>
      %dma_start3A_116 = tpu.memref_squeeze %dma_start3A_115 : memref<1x16x768xf32, #tpu.memory_space<hbm>> -> memref<16x768xf32, #tpu.memory_space<hbm>>
      tpu.enqueue_dma source(%arg9 : memref<16x768xf32, #tpu.memory_space<vmem>>) target(%dma_start3A_116 : memref<16x768xf32, #tpu.memory_space<hbm>>) target_semaphore(%arg25 : memref<!tpu.dma_semaphore, #tpu.memory_space<semaphore_mem>>)
      %mul3A_117 = arith.constant 8 : i32
      %mul3A_118 = arith.muli %scan3A_56, %mul3A_117 : i32
      %add3A_119 = arith.constant 4 : i32
      %add3A_120 = arith.addi %mul3A_118, %add3A_119 : i32
      %dma_wait3A_121 = tpu.memref_slice %arg5[%add3A_120, %mul3A_2] : memref<32x512xi32, #tpu.memory_space<vmem>> -> memref<1x16xi32, #tpu.memory_space<vmem>>
      %dma_wait3A_122 = tpu.memref_squeeze %dma_wait3A_121 : memref<1x16xi32, #tpu.memory_space<vmem>> -> memref<16xi32, #tpu.memory_space<vmem>>
      %dma_wait3A_123 = arith.constant 0 : i32
      %dma_wait3A_124 = arith.constant 0 : i32
      %dma_wait3A_125 = tpu.memref_slice %arg3[%dma_wait3A_123, %dma_wait3A_124] : memref<100000x768xf32, #tpu.memory_space<hbm>> -> memref<100000x768xf32, #tpu.memory_space<hbm>>
      tpu.wait_indirect_dma semaphore(%arg18 : memref<!tpu.dma_semaphore, #tpu.memory_space<semaphore_mem>>) src(%dma_wait3A_125 : memref<100000x768xf32, #tpu.memory_space<hbm>>) dst(%arg10 : memref<16x768xf32, #tpu.memory_space<vmem>>)
      %dma_start3A_126 = arith.constant 0 : i32
      %dma_start3A_127 = tpu.memref_slice %arg4[%add3A_120, %mul3A_2, %dma_start3A_126] : memref<32x512x768xf32, #tpu.memory_space<hbm>> -> memref<1x16x768xf32, #tpu.memory_space<hbm>>
      %dma_start3A_128 = tpu.memref_squeeze %dma_start3A_127 : memref<1x16x768xf32, #tpu.memory_space<hbm>> -> memref<16x768xf32, #tpu.memory_space<hbm>>
      %dma_start3A_129 = arith.constant 0 : i32
      %dma_start3A_130 = tpu.memref_slice %arg4[%add3A_120, %mul3A_2, %dma_start3A_129] : memref<32x512x768xf32, #tpu.memory_space<hbm>> -> memref<1x16x768xf32, #tpu.memory_space<hbm>>
      %dma_start3A_131 = tpu.memref_squeeze %dma_start3A_130 : memref<1x16x768xf32, #tpu.memory_space<hbm>> -> memref<16x768xf32, #tpu.memory_space<hbm>>
      tpu.enqueue_dma source(%arg10 : memref<16x768xf32, #tpu.memory_space<vmem>>) target(%dma_start3A_131 : memref<16x768xf32, #tpu.memory_space<hbm>>) target_semaphore(%arg26 : memref<!tpu.dma_semaphore, #tpu.memory_space<semaphore_mem>>)
      %mul3A_132 = arith.constant 8 : i32
      %mul3A_133 = arith.muli %scan3A_56, %mul3A_132 : i32
      %add3A_134 = arith.constant 5 : i32
      %add3A_135 = arith.addi %mul3A_133, %add3A_134 : i32
      %dma_wait3A_136 = tpu.memref_slice %arg5[%add3A_135, %mul3A_2] : memref<32x512xi32, #tpu.memory_space<vmem>> -> memref<1x16xi32, #tpu.memory_space<vmem>>
      %dma_wait3A_137 = tpu.memref_squeeze %dma_wait3A_136 : memref<1x16xi32, #tpu.memory_space<vmem>> -> memref<16xi32, #tpu.memory_space<vmem>>
      %dma_wait3A_138 = arith.constant 0 : i32
      %dma_wait3A_139 = arith.constant 0 : i32
      %dma_wait3A_140 = tpu.memref_slice %arg3[%dma_wait3A_138, %dma_wait3A_139] : memref<100000x768xf32, #tpu.memory_space<hbm>> -> memref<100000x768xf32, #tpu.memory_space<hbm>>
      tpu.wait_indirect_dma semaphore(%arg19 : memref<!tpu.dma_semaphore, #tpu.memory_space<semaphore_mem>>) src(%dma_wait3A_140 : memref<100000x768xf32, #tpu.memory_space<hbm>>) dst(%arg11 : memref<16x768xf32, #tpu.memory_space<vmem>>)
      %dma_start3A_141 = arith.constant 0 : i32
      %dma_start3A_142 = tpu.memref_slice %arg4[%add3A_135, %mul3A_2, %dma_start3A_141] : memref<32x512x768xf32, #tpu.memory_space<hbm>> -> memref<1x16x768xf32, #tpu.memory_space<hbm>>
      %dma_start3A_143 = tpu.memref_squeeze %dma_start3A_142 : memref<1x16x768xf32, #tpu.memory_space<hbm>> -> memref<16x768xf32, #tpu.memory_space<hbm>>
      %dma_start3A_144 = arith.constant 0 : i32
      %dma_start3A_145 = tpu.memref_slice %arg4[%add3A_135, %mul3A_2, %dma_start3A_144] : memref<32x512x768xf32, #tpu.memory_space<hbm>> -> memref<1x16x768xf32, #tpu.memory_space<hbm>>
      %dma_start3A_146 = tpu.memref_squeeze %dma_start3A_145 : memref<1x16x768xf32, #tpu.memory_space<hbm>> -> memref<16x768xf32, #tpu.memory_space<hbm>>
      tpu.enqueue_dma source(%arg11 : memref<16x768xf32, #tpu.memory_space<vmem>>) target(%dma_start3A_146 : memref<16x768xf32, #tpu.memory_space<hbm>>) target_semaphore(%arg27 : memref<!tpu.dma_semaphore, #tpu.memory_space<semaphore_mem>>)
      %mul3A_147 = arith.constant 8 : i32
      %mul3A_148 = arith.muli %scan3A_56, %mul3A_147 : i32
      %add3A_149 = arith.constant 6 : i32
      %add3A_150 = arith.addi %mul3A_148, %add3A_149 : i32
      %dma_wait3A_151 = tpu.memref_slice %arg5[%add3A_150, %mul3A_2] : memref<32x512xi32, #tpu.memory_space<vmem>> -> memref<1x16xi32, #tpu.memory_space<vmem>>
      %dma_wait3A_152 = tpu.memref_squeeze %dma_wait3A_151 : memref<1x16xi32, #tpu.memory_space<vmem>> -> memref<16xi32, #tpu.memory_space<vmem>>
      %dma_wait3A_153 = arith.constant 0 : i32
      %dma_wait3A_154 = arith.constant 0 : i32
      %dma_wait3A_155 = tpu.memref_slice %arg3[%dma_wait3A_153, %dma_wait3A_154] : memref<100000x768xf32, #tpu.memory_space<hbm>> -> memref<100000x768xf32, #tpu.memory_space<hbm>>
      tpu.wait_indirect_dma semaphore(%arg20 : memref<!tpu.dma_semaphore, #tpu.memory_space<semaphore_mem>>) src(%dma_wait3A_155 : memref<100000x768xf32, #tpu.memory_space<hbm>>) dst(%arg12 : memref<16x768xf32, #tpu.memory_space<vmem>>)
      %dma_start3A_156 = arith.constant 0 : i32
      %dma_start3A_157 = tpu.memref_slice %arg4[%add3A_150, %mul3A_2, %dma_start3A_156] : memref<32x512x768xf32, #tpu.memory_space<hbm>> -> memref<1x16x768xf32, #tpu.memory_space<hbm>>
      %dma_start3A_158 = tpu.memref_squeeze %dma_start3A_157 : memref<1x16x768xf32, #tpu.memory_space<hbm>> -> memref<16x768xf32, #tpu.memory_space<hbm>>
      %dma_start3A_159 = arith.constant 0 : i32
      %dma_start3A_160 = tpu.memref_slice %arg4[%add3A_150, %mul3A_2, %dma_start3A_159] : memref<32x512x768xf32, #tpu.memory_space<hbm>> -> memref<1x16x768xf32, #tpu.memory_space<hbm>>
      %dma_start3A_161 = tpu.memref_squeeze %dma_start3A_160 : memref<1x16x768xf32, #tpu.memory_space<hbm>> -> memref<16x768xf32, #tpu.memory_space<hbm>>
      tpu.enqueue_dma source(%arg12 : memref<16x768xf32, #tpu.memory_space<vmem>>) target(%dma_start3A_161 : memref<16x768xf32, #tpu.memory_space<hbm>>) target_semaphore(%arg28 : memref<!tpu.dma_semaphore, #tpu.memory_space<semaphore_mem>>)
      %mul3A_162 = arith.constant 8 : i32
      %mul3A_163 = arith.muli %scan3A_56, %mul3A_162 : i32
      %add3A_164 = arith.constant 7 : i32
      %add3A_165 = arith.addi %mul3A_163, %add3A_164 : i32
      %dma_wait3A_166 = tpu.memref_slice %arg5[%add3A_165, %mul3A_2] : memref<32x512xi32, #tpu.memory_space<vmem>> -> memref<1x16xi32, #tpu.memory_space<vmem>>
      %dma_wait3A_167 = tpu.memref_squeeze %dma_wait3A_166 : memref<1x16xi32, #tpu.memory_space<vmem>> -> memref<16xi32, #tpu.memory_space<vmem>>
      %dma_wait3A_168 = arith.constant 0 : i32
      %dma_wait3A_169 = arith.constant 0 : i32
      %dma_wait3A_170 = tpu.memref_slice %arg3[%dma_wait3A_168, %dma_wait3A_169] : memref<100000x768xf32, #tpu.memory_space<hbm>> -> memref<100000x768xf32, #tpu.memory_space<hbm>>
      tpu.wait_indirect_dma semaphore(%arg21 : memref<!tpu.dma_semaphore, #tpu.memory_space<semaphore_mem>>) src(%dma_wait3A_170 : memref<100000x768xf32, #tpu.memory_space<hbm>>) dst(%arg13 : memref<16x768xf32, #tpu.memory_space<vmem>>)
      %dma_start3A_171 = arith.constant 0 : i32
      %dma_start3A_172 = tpu.memref_slice %arg4[%add3A_165, %mul3A_2, %dma_start3A_171] : memref<32x512x768xf32, #tpu.memory_space<hbm>> -> memref<1x16x768xf32, #tpu.memory_space<hbm>>
      %dma_start3A_173 = tpu.memref_squeeze %dma_start3A_172 : memref<1x16x768xf32, #tpu.memory_space<hbm>> -> memref<16x768xf32, #tpu.memory_space<hbm>>
      %dma_start3A_174 = arith.constant 0 : i32
      %dma_start3A_175 = tpu.memref_slice %arg4[%add3A_165, %mul3A_2, %dma_start3A_174] : memref<32x512x768xf32, #tpu.memory_space<hbm>> -> memref<1x16x768xf32, #tpu.memory_space<hbm>>
      %dma_start3A_176 = tpu.memref_squeeze %dma_start3A_175 : memref<1x16x768xf32, #tpu.memory_space<hbm>> -> memref<16x768xf32, #tpu.memory_space<hbm>>
      tpu.enqueue_dma source(%arg13 : memref<16x768xf32, #tpu.memory_space<vmem>>) target(%dma_start3A_176 : memref<16x768xf32, #tpu.memory_space<hbm>>) target_semaphore(%arg29 : memref<!tpu.dma_semaphore, #tpu.memory_space<semaphore_mem>>)
      %mul3A_177 = arith.constant 8 : i32
      %mul3A_178 = arith.muli %scan3A_56, %mul3A_177 : i32
      %add3A_179 = arith.constant 0 : i32
      %add3A_180 = arith.addi %mul3A_178, %add3A_179 : i32
      %dma_wait3A_181 = arith.constant 0 : i32
      %dma_wait3A_182 = tpu.memref_slice %arg4[%add3A_180, %mul3A_2, %dma_wait3A_181] : memref<32x512x768xf32, #tpu.memory_space<hbm>> -> memref<1x16x768xf32, #tpu.memory_space<hbm>>
      %dma_wait3A_183 = tpu.memref_squeeze %dma_wait3A_182 : memref<1x16x768xf32, #tpu.memory_space<hbm>> -> memref<16x768xf32, #tpu.memory_space<hbm>>
      %dma_wait3A_184 = arith.constant 0 : i32
      %dma_wait3A_185 = tpu.memref_slice %arg4[%add3A_180, %mul3A_2, %dma_wait3A_184] : memref<32x512x768xf32, #tpu.memory_space<hbm>> -> memref<1x16x768xf32, #tpu.memory_space<hbm>>
      %dma_wait3A_186 = tpu.memref_squeeze %dma_wait3A_185 : memref<1x16x768xf32, #tpu.memory_space<hbm>> -> memref<16x768xf32, #tpu.memory_space<hbm>>
      tpu.wait_dma2 semaphore(%arg22 : memref<!tpu.dma_semaphore, #tpu.memory_space<semaphore_mem>>) src(%arg6 : memref<16x768xf32, #tpu.memory_space<vmem>>) dst(%dma_wait3A_186 : memref<16x768xf32, #tpu.memory_space<hbm>>)
      %add3A_187 = arith.constant 8 : i32
      %add3A_188 = arith.addi %add3A_180, %add3A_187 : i32
      %lt3A = arith.constant 32 : i32
      %lt3A_189 = arith.cmpi slt, %add3A_188, %lt3A : i32
      %convert_element_type3A = arith.extui %lt3A_189 : i1 to i32
      %cond3A = arith.constant 0 : i32
      %cond3A_190 = arith.cmpi ne, %convert_element_type3A, %cond3A : i32
      scf.if %cond3A_190 {
        %add3A_311 = arith.constant 8 : i32
        %add3A_312 = arith.addi %add3A_180, %add3A_311 : i32
        %dma_start3A_313 = tpu.memref_slice %arg5[%add3A_312, %mul3A_2] : memref<32x512xi32, #tpu.memory_space<vmem>> -> memref<1x16xi32, #tpu.memory_space<vmem>>
        %dma_start3A_314 = tpu.memref_squeeze %dma_start3A_313 : memref<1x16xi32, #tpu.memory_space<vmem>> -> memref<16xi32, #tpu.memory_space<vmem>>
        %dma_start3A_315 = arith.constant 0 : i32
        %dma_start3A_316 = arith.constant 0 : i32
        %dma_start3A_317 = tpu.memref_slice %arg3[%dma_start3A_315, %dma_start3A_316] : memref<100000x768xf32, #tpu.memory_space<hbm>> -> memref<100000x768xf32, #tpu.memory_space<hbm>>
        tpu.enqueue_indirect_dma source(%dma_start3A_317 : memref<100000x768xf32, #tpu.memory_space<hbm>>) target(%arg6 : memref<16x768xf32, #tpu.memory_space<vmem>>) offsets(%dma_start3A_314 : memref<16xi32, #tpu.memory_space<vmem>>) semaphore(%arg14 : memref<!tpu.dma_semaphore, #tpu.memory_space<semaphore_mem>>)
      } else {
      }
      %mul3A_191 = arith.constant 8 : i32
      %mul3A_192 = arith.muli %scan3A_56, %mul3A_191 : i32
      %add3A_193 = arith.constant 1 : i32
      %add3A_194 = arith.addi %mul3A_192, %add3A_193 : i32
      %dma_wait3A_195 = arith.constant 0 : i32
      %dma_wait3A_196 = tpu.memref_slice %arg4[%add3A_194, %mul3A_2, %dma_wait3A_195] : memref<32x512x768xf32, #tpu.memory_space<hbm>> -> memref<1x16x768xf32, #tpu.memory_space<hbm>>
      %dma_wait3A_197 = tpu.memref_squeeze %dma_wait3A_196 : memref<1x16x768xf32, #tpu.memory_space<hbm>> -> memref<16x768xf32, #tpu.memory_space<hbm>>
      %dma_wait3A_198 = arith.constant 0 : i32
      %dma_wait3A_199 = tpu.memref_slice %arg4[%add3A_194, %mul3A_2, %dma_wait3A_198] : memref<32x512x768xf32, #tpu.memory_space<hbm>> -> memref<1x16x768xf32, #tpu.memory_space<hbm>>
      %dma_wait3A_200 = tpu.memref_squeeze %dma_wait3A_199 : memref<1x16x768xf32, #tpu.memory_space<hbm>> -> memref<16x768xf32, #tpu.memory_space<hbm>>
      tpu.wait_dma2 semaphore(%arg23 : memref<!tpu.dma_semaphore, #tpu.memory_space<semaphore_mem>>) src(%arg7 : memref<16x768xf32, #tpu.memory_space<vmem>>) dst(%dma_wait3A_200 : memref<16x768xf32, #tpu.memory_space<hbm>>)
      %add3A_201 = arith.constant 8 : i32
      %add3A_202 = arith.addi %add3A_194, %add3A_201 : i32
      %lt3A_203 = arith.constant 32 : i32
      %lt3A_204 = arith.cmpi slt, %add3A_202, %lt3A_203 : i32
      %convert_element_type3A_205 = arith.extui %lt3A_204 : i1 to i32
      %cond3A_206 = arith.constant 0 : i32
      %cond3A_207 = arith.cmpi ne, %convert_element_type3A_205, %cond3A_206 : i32
      scf.if %cond3A_207 {
        %add3A_311 = arith.constant 8 : i32
        %add3A_312 = arith.addi %add3A_194, %add3A_311 : i32
        %dma_start3A_313 = tpu.memref_slice %arg5[%add3A_312, %mul3A_2] : memref<32x512xi32, #tpu.memory_space<vmem>> -> memref<1x16xi32, #tpu.memory_space<vmem>>
        %dma_start3A_314 = tpu.memref_squeeze %dma_start3A_313 : memref<1x16xi32, #tpu.memory_space<vmem>> -> memref<16xi32, #tpu.memory_space<vmem>>
        %dma_start3A_315 = arith.constant 0 : i32
        %dma_start3A_316 = arith.constant 0 : i32
        %dma_start3A_317 = tpu.memref_slice %arg3[%dma_start3A_315, %dma_start3A_316] : memref<100000x768xf32, #tpu.memory_space<hbm>> -> memref<100000x768xf32, #tpu.memory_space<hbm>>
        tpu.enqueue_indirect_dma source(%dma_start3A_317 : memref<100000x768xf32, #tpu.memory_space<hbm>>) target(%arg7 : memref<16x768xf32, #tpu.memory_space<vmem>>) offsets(%dma_start3A_314 : memref<16xi32, #tpu.memory_space<vmem>>) semaphore(%arg15 : memref<!tpu.dma_semaphore, #tpu.memory_space<semaphore_mem>>)
      } else {
      }
      %mul3A_208 = arith.constant 8 : i32
      %mul3A_209 = arith.muli %scan3A_56, %mul3A_208 : i32
      %add3A_210 = arith.constant 2 : i32
      %add3A_211 = arith.addi %mul3A_209, %add3A_210 : i32
      %dma_wait3A_212 = arith.constant 0 : i32
      %dma_wait3A_213 = tpu.memref_slice %arg4[%add3A_211, %mul3A_2, %dma_wait3A_212] : memref<32x512x768xf32, #tpu.memory_space<hbm>> -> memref<1x16x768xf32, #tpu.memory_space<hbm>>
      %dma_wait3A_214 = tpu.memref_squeeze %dma_wait3A_213 : memref<1x16x768xf32, #tpu.memory_space<hbm>> -> memref<16x768xf32, #tpu.memory_space<hbm>>
      %dma_wait3A_215 = arith.constant 0 : i32
      %dma_wait3A_216 = tpu.memref_slice %arg4[%add3A_211, %mul3A_2, %dma_wait3A_215] : memref<32x512x768xf32, #tpu.memory_space<hbm>> -> memref<1x16x768xf32, #tpu.memory_space<hbm>>
      %dma_wait3A_217 = tpu.memref_squeeze %dma_wait3A_216 : memref<1x16x768xf32, #tpu.memory_space<hbm>> -> memref<16x768xf32, #tpu.memory_space<hbm>>
      tpu.wait_dma2 semaphore(%arg24 : memref<!tpu.dma_semaphore, #tpu.memory_space<semaphore_mem>>) src(%arg8 : memref<16x768xf32, #tpu.memory_space<vmem>>) dst(%dma_wait3A_217 : memref<16x768xf32, #tpu.memory_space<hbm>>)
      %add3A_218 = arith.constant 8 : i32
      %add3A_219 = arith.addi %add3A_211, %add3A_218 : i32
      %lt3A_220 = arith.constant 32 : i32
      %lt3A_221 = arith.cmpi slt, %add3A_219, %lt3A_220 : i32
      %convert_element_type3A_222 = arith.extui %lt3A_221 : i1 to i32
      %cond3A_223 = arith.constant 0 : i32
      %cond3A_224 = arith.cmpi ne, %convert_element_type3A_222, %cond3A_223 : i32
      scf.if %cond3A_224 {
        %add3A_311 = arith.constant 8 : i32
        %add3A_312 = arith.addi %add3A_211, %add3A_311 : i32
        %dma_start3A_313 = tpu.memref_slice %arg5[%add3A_312, %mul3A_2] : memref<32x512xi32, #tpu.memory_space<vmem>> -> memref<1x16xi32, #tpu.memory_space<vmem>>
        %dma_start3A_314 = tpu.memref_squeeze %dma_start3A_313 : memref<1x16xi32, #tpu.memory_space<vmem>> -> memref<16xi32, #tpu.memory_space<vmem>>
        %dma_start3A_315 = arith.constant 0 : i32
        %dma_start3A_316 = arith.constant 0 : i32
        %dma_start3A_317 = tpu.memref_slice %arg3[%dma_start3A_315, %dma_start3A_316] : memref<100000x768xf32, #tpu.memory_space<hbm>> -> memref<100000x768xf32, #tpu.memory_space<hbm>>
        tpu.enqueue_indirect_dma source(%dma_start3A_317 : memref<100000x768xf32, #tpu.memory_space<hbm>>) target(%arg8 : memref<16x768xf32, #tpu.memory_space<vmem>>) offsets(%dma_start3A_314 : memref<16xi32, #tpu.memory_space<vmem>>) semaphore(%arg16 : memref<!tpu.dma_semaphore, #tpu.memory_space<semaphore_mem>>)
      } else {
      }
      %mul3A_225 = arith.constant 8 : i32
      %mul3A_226 = arith.muli %scan3A_56, %mul3A_225 : i32
      %add3A_227 = arith.constant 3 : i32
      %add3A_228 = arith.addi %mul3A_226, %add3A_227 : i32
      %dma_wait3A_229 = arith.constant 0 : i32
      %dma_wait3A_230 = tpu.memref_slice %arg4[%add3A_228, %mul3A_2, %dma_wait3A_229] : memref<32x512x768xf32, #tpu.memory_space<hbm>> -> memref<1x16x768xf32, #tpu.memory_space<hbm>>
      %dma_wait3A_231 = tpu.memref_squeeze %dma_wait3A_230 : memref<1x16x768xf32, #tpu.memory_space<hbm>> -> memref<16x768xf32, #tpu.memory_space<hbm>>
      %dma_wait3A_232 = arith.constant 0 : i32
      %dma_wait3A_233 = tpu.memref_slice %arg4[%add3A_228, %mul3A_2, %dma_wait3A_232] : memref<32x512x768xf32, #tpu.memory_space<hbm>> -> memref<1x16x768xf32, #tpu.memory_space<hbm>>
      %dma_wait3A_234 = tpu.memref_squeeze %dma_wait3A_233 : memref<1x16x768xf32, #tpu.memory_space<hbm>> -> memref<16x768xf32, #tpu.memory_space<hbm>>
      tpu.wait_dma2 semaphore(%arg25 : memref<!tpu.dma_semaphore, #tpu.memory_space<semaphore_mem>>) src(%arg9 : memref<16x768xf32, #tpu.memory_space<vmem>>) dst(%dma_wait3A_234 : memref<16x768xf32, #tpu.memory_space<hbm>>)
      %add3A_235 = arith.constant 8 : i32
      %add3A_236 = arith.addi %add3A_228, %add3A_235 : i32
      %lt3A_237 = arith.constant 32 : i32
      %lt3A_238 = arith.cmpi slt, %add3A_236, %lt3A_237 : i32
      %convert_element_type3A_239 = arith.extui %lt3A_238 : i1 to i32
      %cond3A_240 = arith.constant 0 : i32
      %cond3A_241 = arith.cmpi ne, %convert_element_type3A_239, %cond3A_240 : i32
      scf.if %cond3A_241 {
        %add3A_311 = arith.constant 8 : i32
        %add3A_312 = arith.addi %add3A_228, %add3A_311 : i32
        %dma_start3A_313 = tpu.memref_slice %arg5[%add3A_312, %mul3A_2] : memref<32x512xi32, #tpu.memory_space<vmem>> -> memref<1x16xi32, #tpu.memory_space<vmem>>
        %dma_start3A_314 = tpu.memref_squeeze %dma_start3A_313 : memref<1x16xi32, #tpu.memory_space<vmem>> -> memref<16xi32, #tpu.memory_space<vmem>>
        %dma_start3A_315 = arith.constant 0 : i32
        %dma_start3A_316 = arith.constant 0 : i32
        %dma_start3A_317 = tpu.memref_slice %arg3[%dma_start3A_315, %dma_start3A_316] : memref<100000x768xf32, #tpu.memory_space<hbm>> -> memref<100000x768xf32, #tpu.memory_space<hbm>>
        tpu.enqueue_indirect_dma source(%dma_start3A_317 : memref<100000x768xf32, #tpu.memory_space<hbm>>) target(%arg9 : memref<16x768xf32, #tpu.memory_space<vmem>>) offsets(%dma_start3A_314 : memref<16xi32, #tpu.memory_space<vmem>>) semaphore(%arg17 : memref<!tpu.dma_semaphore, #tpu.memory_space<semaphore_mem>>)
      } else {
      }
      %mul3A_242 = arith.constant 8 : i32
      %mul3A_243 = arith.muli %scan3A_56, %mul3A_242 : i32
      %add3A_244 = arith.constant 4 : i32
      %add3A_245 = arith.addi %mul3A_243, %add3A_244 : i32
      %dma_wait3A_246 = arith.constant 0 : i32
      %dma_wait3A_247 = tpu.memref_slice %arg4[%add3A_245, %mul3A_2, %dma_wait3A_246] : memref<32x512x768xf32, #tpu.memory_space<hbm>> -> memref<1x16x768xf32, #tpu.memory_space<hbm>>
      %dma_wait3A_248 = tpu.memref_squeeze %dma_wait3A_247 : memref<1x16x768xf32, #tpu.memory_space<hbm>> -> memref<16x768xf32, #tpu.memory_space<hbm>>
      %dma_wait3A_249 = arith.constant 0 : i32
      %dma_wait3A_250 = tpu.memref_slice %arg4[%add3A_245, %mul3A_2, %dma_wait3A_249] : memref<32x512x768xf32, #tpu.memory_space<hbm>> -> memref<1x16x768xf32, #tpu.memory_space<hbm>>
      %dma_wait3A_251 = tpu.memref_squeeze %dma_wait3A_250 : memref<1x16x768xf32, #tpu.memory_space<hbm>> -> memref<16x768xf32, #tpu.memory_space<hbm>>
      tpu.wait_dma2 semaphore(%arg26 : memref<!tpu.dma_semaphore, #tpu.memory_space<semaphore_mem>>) src(%arg10 : memref<16x768xf32, #tpu.memory_space<vmem>>) dst(%dma_wait3A_251 : memref<16x768xf32, #tpu.memory_space<hbm>>)
      %add3A_252 = arith.constant 8 : i32
      %add3A_253 = arith.addi %add3A_245, %add3A_252 : i32
      %lt3A_254 = arith.constant 32 : i32
      %lt3A_255 = arith.cmpi slt, %add3A_253, %lt3A_254 : i32
      %convert_element_type3A_256 = arith.extui %lt3A_255 : i1 to i32
      %cond3A_257 = arith.constant 0 : i32
      %cond3A_258 = arith.cmpi ne, %convert_element_type3A_256, %cond3A_257 : i32
      scf.if %cond3A_258 {
        %add3A_311 = arith.constant 8 : i32
        %add3A_312 = arith.addi %add3A_245, %add3A_311 : i32
        %dma_start3A_313 = tpu.memref_slice %arg5[%add3A_312, %mul3A_2] : memref<32x512xi32, #tpu.memory_space<vmem>> -> memref<1x16xi32, #tpu.memory_space<vmem>>
        %dma_start3A_314 = tpu.memref_squeeze %dma_start3A_313 : memref<1x16xi32, #tpu.memory_space<vmem>> -> memref<16xi32, #tpu.memory_space<vmem>>
        %dma_start3A_315 = arith.constant 0 : i32
        %dma_start3A_316 = arith.constant 0 : i32
        %dma_start3A_317 = tpu.memref_slice %arg3[%dma_start3A_315, %dma_start3A_316] : memref<100000x768xf32, #tpu.memory_space<hbm>> -> memref<100000x768xf32, #tpu.memory_space<hbm>>
        tpu.enqueue_indirect_dma source(%dma_start3A_317 : memref<100000x768xf32, #tpu.memory_space<hbm>>) target(%arg10 : memref<16x768xf32, #tpu.memory_space<vmem>>) offsets(%dma_start3A_314 : memref<16xi32, #tpu.memory_space<vmem>>) semaphore(%arg18 : memref<!tpu.dma_semaphore, #tpu.memory_space<semaphore_mem>>)
      } else {
      }
      %mul3A_259 = arith.constant 8 : i32
      %mul3A_260 = arith.muli %scan3A_56, %mul3A_259 : i32
      %add3A_261 = arith.constant 5 : i32
      %add3A_262 = arith.addi %mul3A_260, %add3A_261 : i32
      %dma_wait3A_263 = arith.constant 0 : i32
      %dma_wait3A_264 = tpu.memref_slice %arg4[%add3A_262, %mul3A_2, %dma_wait3A_263] : memref<32x512x768xf32, #tpu.memory_space<hbm>> -> memref<1x16x768xf32, #tpu.memory_space<hbm>>
      %dma_wait3A_265 = tpu.memref_squeeze %dma_wait3A_264 : memref<1x16x768xf32, #tpu.memory_space<hbm>> -> memref<16x768xf32, #tpu.memory_space<hbm>>
      %dma_wait3A_266 = arith.constant 0 : i32
      %dma_wait3A_267 = tpu.memref_slice %arg4[%add3A_262, %mul3A_2, %dma_wait3A_266] : memref<32x512x768xf32, #tpu.memory_space<hbm>> -> memref<1x16x768xf32, #tpu.memory_space<hbm>>
      %dma_wait3A_268 = tpu.memref_squeeze %dma_wait3A_267 : memref<1x16x768xf32, #tpu.memory_space<hbm>> -> memref<16x768xf32, #tpu.memory_space<hbm>>
      tpu.wait_dma2 semaphore(%arg27 : memref<!tpu.dma_semaphore, #tpu.memory_space<semaphore_mem>>) src(%arg11 : memref<16x768xf32, #tpu.memory_space<vmem>>) dst(%dma_wait3A_268 : memref<16x768xf32, #tpu.memory_space<hbm>>)
      %add3A_269 = arith.constant 8 : i32
      %add3A_270 = arith.addi %add3A_262, %add3A_269 : i32
      %lt3A_271 = arith.constant 32 : i32
      %lt3A_272 = arith.cmpi slt, %add3A_270, %lt3A_271 : i32
      %convert_element_type3A_273 = arith.extui %lt3A_272 : i1 to i32
      %cond3A_274 = arith.constant 0 : i32
      %cond3A_275 = arith.cmpi ne, %convert_element_type3A_273, %cond3A_274 : i32
      scf.if %cond3A_275 {
        %add3A_311 = arith.constant 8 : i32
        %add3A_312 = arith.addi %add3A_262, %add3A_311 : i32
        %dma_start3A_313 = tpu.memref_slice %arg5[%add3A_312, %mul3A_2] : memref<32x512xi32, #tpu.memory_space<vmem>> -> memref<1x16xi32, #tpu.memory_space<vmem>>
        %dma_start3A_314 = tpu.memref_squeeze %dma_start3A_313 : memref<1x16xi32, #tpu.memory_space<vmem>> -> memref<16xi32, #tpu.memory_space<vmem>>
        %dma_start3A_315 = arith.constant 0 : i32
        %dma_start3A_316 = arith.constant 0 : i32
        %dma_start3A_317 = tpu.memref_slice %arg3[%dma_start3A_315, %dma_start3A_316] : memref<100000x768xf32, #tpu.memory_space<hbm>> -> memref<100000x768xf32, #tpu.memory_space<hbm>>
        tpu.enqueue_indirect_dma source(%dma_start3A_317 : memref<100000x768xf32, #tpu.memory_space<hbm>>) target(%arg11 : memref<16x768xf32, #tpu.memory_space<vmem>>) offsets(%dma_start3A_314 : memref<16xi32, #tpu.memory_space<vmem>>) semaphore(%arg19 : memref<!tpu.dma_semaphore, #tpu.memory_space<semaphore_mem>>)
      } else {
      }
      %mul3A_276 = arith.constant 8 : i32
      %mul3A_277 = arith.muli %scan3A_56, %mul3A_276 : i32
      %add3A_278 = arith.constant 6 : i32
      %add3A_279 = arith.addi %mul3A_277, %add3A_278 : i32
      %dma_wait3A_280 = arith.constant 0 : i32
      %dma_wait3A_281 = tpu.memref_slice %arg4[%add3A_279, %mul3A_2, %dma_wait3A_280] : memref<32x512x768xf32, #tpu.memory_space<hbm>> -> memref<1x16x768xf32, #tpu.memory_space<hbm>>
      %dma_wait3A_282 = tpu.memref_squeeze %dma_wait3A_281 : memref<1x16x768xf32, #tpu.memory_space<hbm>> -> memref<16x768xf32, #tpu.memory_space<hbm>>
      %dma_wait3A_283 = arith.constant 0 : i32
      %dma_wait3A_284 = tpu.memref_slice %arg4[%add3A_279, %mul3A_2, %dma_wait3A_283] : memref<32x512x768xf32, #tpu.memory_space<hbm>> -> memref<1x16x768xf32, #tpu.memory_space<hbm>>
      %dma_wait3A_285 = tpu.memref_squeeze %dma_wait3A_284 : memref<1x16x768xf32, #tpu.memory_space<hbm>> -> memref<16x768xf32, #tpu.memory_space<hbm>>
      tpu.wait_dma2 semaphore(%arg28 : memref<!tpu.dma_semaphore, #tpu.memory_space<semaphore_mem>>) src(%arg12 : memref<16x768xf32, #tpu.memory_space<vmem>>) dst(%dma_wait3A_285 : memref<16x768xf32, #tpu.memory_space<hbm>>)
      %add3A_286 = arith.constant 8 : i32
      %add3A_287 = arith.addi %add3A_279, %add3A_286 : i32
      %lt3A_288 = arith.constant 32 : i32
      %lt3A_289 = arith.cmpi slt, %add3A_287, %lt3A_288 : i32
      %convert_element_type3A_290 = arith.extui %lt3A_289 : i1 to i32
      %cond3A_291 = arith.constant 0 : i32
      %cond3A_292 = arith.cmpi ne, %convert_element_type3A_290, %cond3A_291 : i32
      scf.if %cond3A_292 {
        %add3A_311 = arith.constant 8 : i32
        %add3A_312 = arith.addi %add3A_279, %add3A_311 : i32
        %dma_start3A_313 = tpu.memref_slice %arg5[%add3A_312, %mul3A_2] : memref<32x512xi32, #tpu.memory_space<vmem>> -> memref<1x16xi32, #tpu.memory_space<vmem>>
        %dma_start3A_314 = tpu.memref_squeeze %dma_start3A_313 : memref<1x16xi32, #tpu.memory_space<vmem>> -> memref<16xi32, #tpu.memory_space<vmem>>
        %dma_start3A_315 = arith.constant 0 : i32
        %dma_start3A_316 = arith.constant 0 : i32
        %dma_start3A_317 = tpu.memref_slice %arg3[%dma_start3A_315, %dma_start3A_316] : memref<100000x768xf32, #tpu.memory_space<hbm>> -> memref<100000x768xf32, #tpu.memory_space<hbm>>
        tpu.enqueue_indirect_dma source(%dma_start3A_317 : memref<100000x768xf32, #tpu.memory_space<hbm>>) target(%arg12 : memref<16x768xf32, #tpu.memory_space<vmem>>) offsets(%dma_start3A_314 : memref<16xi32, #tpu.memory_space<vmem>>) semaphore(%arg20 : memref<!tpu.dma_semaphore, #tpu.memory_space<semaphore_mem>>)
      } else {
      }
      %mul3A_293 = arith.constant 8 : i32
      %mul3A_294 = arith.muli %scan3A_56, %mul3A_293 : i32
      %add3A_295 = arith.constant 7 : i32
      %add3A_296 = arith.addi %mul3A_294, %add3A_295 : i32
      %dma_wait3A_297 = arith.constant 0 : i32
      %dma_wait3A_298 = tpu.memref_slice %arg4[%add3A_296, %mul3A_2, %dma_wait3A_297] : memref<32x512x768xf32, #tpu.memory_space<hbm>> -> memref<1x16x768xf32, #tpu.memory_space<hbm>>
      %dma_wait3A_299 = tpu.memref_squeeze %dma_wait3A_298 : memref<1x16x768xf32, #tpu.memory_space<hbm>> -> memref<16x768xf32, #tpu.memory_space<hbm>>
      %dma_wait3A_300 = arith.constant 0 : i32
      %dma_wait3A_301 = tpu.memref_slice %arg4[%add3A_296, %mul3A_2, %dma_wait3A_300] : memref<32x512x768xf32, #tpu.memory_space<hbm>> -> memref<1x16x768xf32, #tpu.memory_space<hbm>>
      %dma_wait3A_302 = tpu.memref_squeeze %dma_wait3A_301 : memref<1x16x768xf32, #tpu.memory_space<hbm>> -> memref<16x768xf32, #tpu.memory_space<hbm>>
      tpu.wait_dma2 semaphore(%arg29 : memref<!tpu.dma_semaphore, #tpu.memory_space<semaphore_mem>>) src(%arg13 : memref<16x768xf32, #tpu.memory_space<vmem>>) dst(%dma_wait3A_302 : memref<16x768xf32, #tpu.memory_space<hbm>>)
      %add3A_303 = arith.constant 8 : i32
      %add3A_304 = arith.addi %add3A_296, %add3A_303 : i32
      %lt3A_305 = arith.constant 32 : i32
      %lt3A_306 = arith.cmpi slt, %add3A_304, %lt3A_305 : i32
      %convert_element_type3A_307 = arith.extui %lt3A_306 : i1 to i32
      %cond3A_308 = arith.constant 0 : i32
      %cond3A_309 = arith.cmpi ne, %convert_element_type3A_307, %cond3A_308 : i32
      scf.if %cond3A_309 {
        %add3A_311 = arith.constant 8 : i32
        %add3A_312 = arith.addi %add3A_296, %add3A_311 : i32
        %dma_start3A_313 = tpu.memref_slice %arg5[%add3A_312, %mul3A_2] : memref<32x512xi32, #tpu.memory_space<vmem>> -> memref<1x16xi32, #tpu.memory_space<vmem>>
        %dma_start3A_314 = tpu.memref_squeeze %dma_start3A_313 : memref<1x16xi32, #tpu.memory_space<vmem>> -> memref<16xi32, #tpu.memory_space<vmem>>
        %dma_start3A_315 = arith.constant 0 : i32
        %dma_start3A_316 = arith.constant 0 : i32
        %dma_start3A_317 = tpu.memref_slice %arg3[%dma_start3A_315, %dma_start3A_316] : memref<100000x768xf32, #tpu.memory_space<hbm>> -> memref<100000x768xf32, #tpu.memory_space<hbm>>
        tpu.enqueue_indirect_dma source(%dma_start3A_317 : memref<100000x768xf32, #tpu.memory_space<hbm>>) target(%arg13 : memref<16x768xf32, #tpu.memory_space<vmem>>) offsets(%dma_start3A_314 : memref<16xi32, #tpu.memory_space<vmem>>) semaphore(%arg21 : memref<!tpu.dma_semaphore, #tpu.memory_space<semaphore_mem>>)
      } else {
      }
      %scan3A_310 = arith.constant 0 : i32
      scf.yield %scan3A_310 : i32
    }
    %scan3A_55 = arith.constant 4 : i32
    return
  }
}

module attributes {stable_mosaic.version = 14 : i64} {
  func.func @_tc_ln_body_first(%arg0: i32, %arg1: memref<4x512x768xf32, #tpu.memory_space<vmem>>, %arg2: memref<512x768xf32, #tpu.memory_space<vmem>>, %arg3: memref<768xf32, #tpu.memory_space<vmem>>, %arg4: memref<768xf32, #tpu.memory_space<vmem>>, %arg5: memref<4x512x768xf32, #tpu.memory_space<vmem>>) attributes {dimension_semantics = [#tpu.dimension_semantics<arbitrary>], iteration_bounds = array<i64: 8>, scalar_prefetch = 0 : i64, scratch_operands = 0 : i64, tpu.core_type = #tpu.core_type<tc>, window_params = [{transform_indices = @transform_0, window_bounds = array<i64: 4, 512, 768>}, {pipeline_mode = #tpu.pipeline_mode<synchronous>, transform_indices = @transform_1, window_bounds = array<i64: 512, 768>}, {pipeline_mode = #tpu.pipeline_mode<synchronous>, transform_indices = @transform_2, window_bounds = array<i64: 768>}, {pipeline_mode = #tpu.pipeline_mode<synchronous>, transform_indices = @transform_3, window_bounds = array<i64: 768>}, {transform_indices = @transform_4, window_bounds = array<i64: 4, 512, 768>}]} {
    %get3A = arith.constant 0 : index
    %get3A_0 = arith.constant 0 : index
    %get3A_1 = arith.constant 0 : index
    %get3A_2 = vector.load %arg1[%get3A, %get3A_0, %get3A_1] : memref<4x512x768xf32, #tpu.memory_space<vmem>>, vector<1x512x768xf32>
    %get3A_3 = vector.shape_cast %get3A_2 : vector<1x512x768xf32> to vector<512x768xf32>
    %get3A_4 = arith.constant 0 : index
    %get3A_5 = arith.constant 0 : index
    %get3A_6 = vector.load %arg2[%get3A_4, %get3A_5] : memref<512x768xf32, #tpu.memory_space<vmem>>, vector<512x768xf32>
    %add3A = arith.addf %get3A_3, %get3A_6 : vector<512x768xf32>
    %reduce_sum3A = arith.constant dense<0.000000e+00> : vector<512xf32>
    %reduce_sum3A_7 = vector.multi_reduction <add>, %add3A, %reduce_sum3A [1] : vector<512x768xf32> to vector<512xf32>
    %broadcast_in_dim3A = vector.shape_cast %reduce_sum3A_7 : vector<512xf32> to vector<512x1xf32>
    %div3A = arith.constant 7.680000e+02 : f32
    %div3A_8 = vector.broadcast %div3A : f32 to vector<512x1xf32>
    %div3A_9 = arith.divf %broadcast_in_dim3A, %div3A_8 : vector<512x1xf32>
    %sub3A = vector.broadcast %div3A_9 : vector<512x1xf32> to vector<512x768xf32>
    %sub3A_10 = arith.subf %add3A, %sub3A : vector<512x768xf32>
    %mul3A = arith.mulf %sub3A_10, %sub3A_10 : vector<512x768xf32>
    %reduce_sum3A_11 = arith.constant dense<0.000000e+00> : vector<512xf32>
    %reduce_sum3A_12 = vector.multi_reduction <add>, %mul3A, %reduce_sum3A_11 [1] : vector<512x768xf32> to vector<512xf32>
    %broadcast_in_dim3A_13 = vector.shape_cast %reduce_sum3A_12 : vector<512xf32> to vector<512x1xf32>
    %div3A_14 = arith.constant 7.680000e+02 : f32
    %div3A_15 = vector.broadcast %div3A_14 : f32 to vector<512x1xf32>
    %div3A_16 = arith.divf %broadcast_in_dim3A_13, %div3A_15 : vector<512x1xf32>
    %add3A_17 = arith.constant 9.99999974E-6 : f32
    %add3A_18 = vector.broadcast %add3A_17 : f32 to vector<512x1xf32>
    %add3A_19 = arith.addf %div3A_16, %add3A_18 : vector<512x1xf32>
    %rsqrt3A = math.rsqrt %add3A_19 : vector<512x1xf32>
    %mul3A_20 = vector.broadcast %rsqrt3A : vector<512x1xf32> to vector<512x768xf32>
    %mul3A_21 = arith.mulf %sub3A_10, %mul3A_20 : vector<512x768xf32>
    %get3A_22 = arith.constant 0 : index
    %get3A_23 = vector.load %arg3[%get3A_22] : memref<768xf32, #tpu.memory_space<vmem>>, vector<768xf32>
    %broadcast_in_dim3A_24 = vector.shape_cast %get3A_23 : vector<768xf32> to vector<1x768xf32>
    %mul3A_25 = vector.broadcast %broadcast_in_dim3A_24 : vector<1x768xf32> to vector<512x768xf32>
    %mul3A_26 = arith.mulf %mul3A_21, %mul3A_25 : vector<512x768xf32>
    %get3A_27 = arith.constant 0 : index
    %get3A_28 = vector.load %arg4[%get3A_27] : memref<768xf32, #tpu.memory_space<vmem>>, vector<768xf32>
    %broadcast_in_dim3A_29 = vector.shape_cast %get3A_28 : vector<768xf32> to vector<1x768xf32>
    %add3A_30 = vector.broadcast %broadcast_in_dim3A_29 : vector<1x768xf32> to vector<512x768xf32>
    %add3A_31 = arith.addf %mul3A_26, %add3A_30 : vector<512x768xf32>
    %swap3A = arith.constant 0 : index
    %swap3A_32 = arith.constant 0 : index
    %swap3A_33 = arith.constant 0 : index
    %swap3A_34 = vector.load %arg5[%swap3A, %swap3A_32, %swap3A_33] : memref<4x512x768xf32, #tpu.memory_space<vmem>>, vector<1x512x768xf32>
    %swap3A_35 = vector.shape_cast %swap3A_34 : vector<1x512x768xf32> to vector<512x768xf32>
    %swap3A_36 = vector.shape_cast %add3A_31 : vector<512x768xf32> to vector<1x512x768xf32>
    tpu.vector_store %arg5[%swap3A, %swap3A_32, %swap3A_33], %swap3A_36 {strides = array<i32>} : memref<4x512x768xf32, #tpu.memory_space<vmem>>, vector<1x512x768xf32>,
    %get3A_37 = arith.constant 1 : index
    %get3A_38 = arith.constant 0 : index
    %get3A_39 = arith.constant 0 : index
    %get3A_40 = vector.load %arg1[%get3A_37, %get3A_38, %get3A_39] : memref<4x512x768xf32, #tpu.memory_space<vmem>>, vector<1x512x768xf32>
    %get3A_41 = vector.shape_cast %get3A_40 : vector<1x512x768xf32> to vector<512x768xf32>
    %get3A_42 = arith.constant 0 : index
    %get3A_43 = arith.constant 0 : index
    %get3A_44 = vector.load %arg2[%get3A_42, %get3A_43] : memref<512x768xf32, #tpu.memory_space<vmem>>, vector<512x768xf32>
    %add3A_45 = arith.addf %get3A_41, %get3A_44 : vector<512x768xf32>
    %reduce_sum3A_46 = arith.constant dense<0.000000e+00> : vector<512xf32>
    %reduce_sum3A_47 = vector.multi_reduction <add>, %add3A_45, %reduce_sum3A_46 [1] : vector<512x768xf32> to vector<512xf32>
    %broadcast_in_dim3A_48 = vector.shape_cast %reduce_sum3A_47 : vector<512xf32> to vector<512x1xf32>
    %div3A_49 = arith.constant 7.680000e+02 : f32
    %div3A_50 = vector.broadcast %div3A_49 : f32 to vector<512x1xf32>
    %div3A_51 = arith.divf %broadcast_in_dim3A_48, %div3A_50 : vector<512x1xf32>
    %sub3A_52 = vector.broadcast %div3A_51 : vector<512x1xf32> to vector<512x768xf32>
    %sub3A_53 = arith.subf %add3A_45, %sub3A_52 : vector<512x768xf32>
    %mul3A_54 = arith.mulf %sub3A_53, %sub3A_53 : vector<512x768xf32>
    %reduce_sum3A_55 = arith.constant dense<0.000000e+00> : vector<512xf32>
    %reduce_sum3A_56 = vector.multi_reduction <add>, %mul3A_54, %reduce_sum3A_55 [1] : vector<512x768xf32> to vector<512xf32>
    %broadcast_in_dim3A_57 = vector.shape_cast %reduce_sum3A_56 : vector<512xf32> to vector<512x1xf32>
    %div3A_58 = arith.constant 7.680000e+02 : f32
    %div3A_59 = vector.broadcast %div3A_58 : f32 to vector<512x1xf32>
    %div3A_60 = arith.divf %broadcast_in_dim3A_57, %div3A_59 : vector<512x1xf32>
    %add3A_61 = arith.constant 9.99999974E-6 : f32
    %add3A_62 = vector.broadcast %add3A_61 : f32 to vector<512x1xf32>
    %add3A_63 = arith.addf %div3A_60, %add3A_62 : vector<512x1xf32>
    %rsqrt3A_64 = math.rsqrt %add3A_63 : vector<512x1xf32>
    %mul3A_65 = vector.broadcast %rsqrt3A_64 : vector<512x1xf32> to vector<512x768xf32>
    %mul3A_66 = arith.mulf %sub3A_53, %mul3A_65 : vector<512x768xf32>
    %get3A_67 = arith.constant 0 : index
    %get3A_68 = vector.load %arg3[%get3A_67] : memref<768xf32, #tpu.memory_space<vmem>>, vector<768xf32>
    %broadcast_in_dim3A_69 = vector.shape_cast %get3A_68 : vector<768xf32> to vector<1x768xf32>
    %mul3A_70 = vector.broadcast %broadcast_in_dim3A_69 : vector<1x768xf32> to vector<512x768xf32>
    %mul3A_71 = arith.mulf %mul3A_66, %mul3A_70 : vector<512x768xf32>
    %get3A_72 = arith.constant 0 : index
    %get3A_73 = vector.load %arg4[%get3A_72] : memref<768xf32, #tpu.memory_space<vmem>>, vector<768xf32>
    %broadcast_in_dim3A_74 = vector.shape_cast %get3A_73 : vector<768xf32> to vector<1x768xf32>
    %add3A_75 = vector.broadcast %broadcast_in_dim3A_74 : vector<1x768xf32> to vector<512x768xf32>
    %add3A_76 = arith.addf %mul3A_71, %add3A_75 : vector<512x768xf32>
    %swap3A_77 = arith.constant 1 : index
    %swap3A_78 = arith.constant 0 : index
    %swap3A_79 = arith.constant 0 : index
    %swap3A_80 = vector.load %arg5[%swap3A_77, %swap3A_78, %swap3A_79] : memref<4x512x768xf32, #tpu.memory_space<vmem>>, vector<1x512x768xf32>
    %swap3A_81 = vector.shape_cast %swap3A_80 : vector<1x512x768xf32> to vector<512x768xf32>
    %swap3A_82 = vector.shape_cast %add3A_76 : vector<512x768xf32> to vector<1x512x768xf32>
    tpu.vector_store %arg5[%swap3A_77, %swap3A_78, %swap3A_79], %swap3A_82 {strides = array<i32>} : memref<4x512x768xf32, #tpu.memory_space<vmem>>, vector<1x512x768xf32>,
    %get3A_83 = arith.constant 2 : index
    %get3A_84 = arith.constant 0 : index
    %get3A_85 = arith.constant 0 : index
    %get3A_86 = vector.load %arg1[%get3A_83, %get3A_84, %get3A_85] : memref<4x512x768xf32, #tpu.memory_space<vmem>>, vector<1x512x768xf32>
    %get3A_87 = vector.shape_cast %get3A_86 : vector<1x512x768xf32> to vector<512x768xf32>
    %get3A_88 = arith.constant 0 : index
    %get3A_89 = arith.constant 0 : index
    %get3A_90 = vector.load %arg2[%get3A_88, %get3A_89] : memref<512x768xf32, #tpu.memory_space<vmem>>, vector<512x768xf32>
    %add3A_91 = arith.addf %get3A_87, %get3A_90 : vector<512x768xf32>
    %reduce_sum3A_92 = arith.constant dense<0.000000e+00> : vector<512xf32>
    %reduce_sum3A_93 = vector.multi_reduction <add>, %add3A_91, %reduce_sum3A_92 [1] : vector<512x768xf32> to vector<512xf32>
    %broadcast_in_dim3A_94 = vector.shape_cast %reduce_sum3A_93 : vector<512xf32> to vector<512x1xf32>
    %div3A_95 = arith.constant 7.680000e+02 : f32
    %div3A_96 = vector.broadcast %div3A_95 : f32 to vector<512x1xf32>
    %div3A_97 = arith.divf %broadcast_in_dim3A_94, %div3A_96 : vector<512x1xf32>
    %sub3A_98 = vector.broadcast %div3A_97 : vector<512x1xf32> to vector<512x768xf32>
    %sub3A_99 = arith.subf %add3A_91, %sub3A_98 : vector<512x768xf32>
    %mul3A_100 = arith.mulf %sub3A_99, %sub3A_99 : vector<512x768xf32>
    %reduce_sum3A_101 = arith.constant dense<0.000000e+00> : vector<512xf32>
    %reduce_sum3A_102 = vector.multi_reduction <add>, %mul3A_100, %reduce_sum3A_101 [1] : vector<512x768xf32> to vector<512xf32>
    %broadcast_in_dim3A_103 = vector.shape_cast %reduce_sum3A_102 : vector<512xf32> to vector<512x1xf32>
    %div3A_104 = arith.constant 7.680000e+02 : f32
    %div3A_105 = vector.broadcast %div3A_104 : f32 to vector<512x1xf32>
    %div3A_106 = arith.divf %broadcast_in_dim3A_103, %div3A_105 : vector<512x1xf32>
    %add3A_107 = arith.constant 9.99999974E-6 : f32
    %add3A_108 = vector.broadcast %add3A_107 : f32 to vector<512x1xf32>
    %add3A_109 = arith.addf %div3A_106, %add3A_108 : vector<512x1xf32>
    %rsqrt3A_110 = math.rsqrt %add3A_109 : vector<512x1xf32>
    %mul3A_111 = vector.broadcast %rsqrt3A_110 : vector<512x1xf32> to vector<512x768xf32>
    %mul3A_112 = arith.mulf %sub3A_99, %mul3A_111 : vector<512x768xf32>
    %get3A_113 = arith.constant 0 : index
    %get3A_114 = vector.load %arg3[%get3A_113] : memref<768xf32, #tpu.memory_space<vmem>>, vector<768xf32>
    %broadcast_in_dim3A_115 = vector.shape_cast %get3A_114 : vector<768xf32> to vector<1x768xf32>
    %mul3A_116 = vector.broadcast %broadcast_in_dim3A_115 : vector<1x768xf32> to vector<512x768xf32>
    %mul3A_117 = arith.mulf %mul3A_112, %mul3A_116 : vector<512x768xf32>
    %get3A_118 = arith.constant 0 : index
    %get3A_119 = vector.load %arg4[%get3A_118] : memref<768xf32, #tpu.memory_space<vmem>>, vector<768xf32>
    %broadcast_in_dim3A_120 = vector.shape_cast %get3A_119 : vector<768xf32> to vector<1x768xf32>
    %add3A_121 = vector.broadcast %broadcast_in_dim3A_120 : vector<1x768xf32> to vector<512x768xf32>
    %add3A_122 = arith.addf %mul3A_117, %add3A_121 : vector<512x768xf32>
    %swap3A_123 = arith.constant 2 : index
    %swap3A_124 = arith.constant 0 : index
    %swap3A_125 = arith.constant 0 : index
    %swap3A_126 = vector.load %arg5[%swap3A_123, %swap3A_124, %swap3A_125] : memref<4x512x768xf32, #tpu.memory_space<vmem>>, vector<1x512x768xf32>
    %swap3A_127 = vector.shape_cast %swap3A_126 : vector<1x512x768xf32> to vector<512x768xf32>
    %swap3A_128 = vector.shape_cast %add3A_122 : vector<512x768xf32> to vector<1x512x768xf32>
    tpu.vector_store %arg5[%swap3A_123, %swap3A_124, %swap3A_125], %swap3A_128 {strides = array<i32>} : memref<4x512x768xf32, #tpu.memory_space<vmem>>, vector<1x512x768xf32>,
    %get3A_129 = arith.constant 3 : index
    %get3A_130 = arith.constant 0 : index
    %get3A_131 = arith.constant 0 : index
    %get3A_132 = vector.load %arg1[%get3A_129, %get3A_130, %get3A_131] : memref<4x512x768xf32, #tpu.memory_space<vmem>>, vector<1x512x768xf32>
    %get3A_133 = vector.shape_cast %get3A_132 : vector<1x512x768xf32> to vector<512x768xf32>
    %get3A_134 = arith.constant 0 : index
    %get3A_135 = arith.constant 0 : index
    %get3A_136 = vector.load %arg2[%get3A_134, %get3A_135] : memref<512x768xf32, #tpu.memory_space<vmem>>, vector<512x768xf32>
    %add3A_137 = arith.addf %get3A_133, %get3A_136 : vector<512x768xf32>
    %reduce_sum3A_138 = arith.constant dense<0.000000e+00> : vector<512xf32>
    %reduce_sum3A_139 = vector.multi_reduction <add>, %add3A_137, %reduce_sum3A_138 [1] : vector<512x768xf32> to vector<512xf32>
    %broadcast_in_dim3A_140 = vector.shape_cast %reduce_sum3A_139 : vector<512xf32> to vector<512x1xf32>
    %div3A_141 = arith.constant 7.680000e+02 : f32
    %div3A_142 = vector.broadcast %div3A_141 : f32 to vector<512x1xf32>
    %div3A_143 = arith.divf %broadcast_in_dim3A_140, %div3A_142 : vector<512x1xf32>
    %sub3A_144 = vector.broadcast %div3A_143 : vector<512x1xf32> to vector<512x768xf32>
    %sub3A_145 = arith.subf %add3A_137, %sub3A_144 : vector<512x768xf32>
    %mul3A_146 = arith.mulf %sub3A_145, %sub3A_145 : vector<512x768xf32>
    %reduce_sum3A_147 = arith.constant dense<0.000000e+00> : vector<512xf32>
    %reduce_sum3A_148 = vector.multi_reduction <add>, %mul3A_146, %reduce_sum3A_147 [1] : vector<512x768xf32> to vector<512xf32>
    %broadcast_in_dim3A_149 = vector.shape_cast %reduce_sum3A_148 : vector<512xf32> to vector<512x1xf32>
    %div3A_150 = arith.constant 7.680000e+02 : f32
    %div3A_151 = vector.broadcast %div3A_150 : f32 to vector<512x1xf32>
    %div3A_152 = arith.divf %broadcast_in_dim3A_149, %div3A_151 : vector<512x1xf32>
    %add3A_153 = arith.constant 9.99999974E-6 : f32
    %add3A_154 = vector.broadcast %add3A_153 : f32 to vector<512x1xf32>
    %add3A_155 = arith.addf %div3A_152, %add3A_154 : vector<512x1xf32>
    %rsqrt3A_156 = math.rsqrt %add3A_155 : vector<512x1xf32>
    %mul3A_157 = vector.broadcast %rsqrt3A_156 : vector<512x1xf32> to vector<512x768xf32>
    %mul3A_158 = arith.mulf %sub3A_145, %mul3A_157 : vector<512x768xf32>
    %get3A_159 = arith.constant 0 : index
    %get3A_160 = vector.load %arg3[%get3A_159] : memref<768xf32, #tpu.memory_space<vmem>>, vector<768xf32>
    %broadcast_in_dim3A_161 = vector.shape_cast %get3A_160 : vector<768xf32> to vector<1x768xf32>
    %mul3A_162 = vector.broadcast %broadcast_in_dim3A_161 : vector<1x768xf32> to vector<512x768xf32>
    %mul3A_163 = arith.mulf %mul3A_158, %mul3A_162 : vector<512x768xf32>
    %get3A_164 = arith.constant 0 : index
    %get3A_165 = vector.load %arg4[%get3A_164] : memref<768xf32, #tpu.memory_space<vmem>>, vector<768xf32>
    %broadcast_in_dim3A_166 = vector.shape_cast %get3A_165 : vector<768xf32> to vector<1x768xf32>
    %add3A_167 = vector.broadcast %broadcast_in_dim3A_166 : vector<1x768xf32> to vector<512x768xf32>
    %add3A_168 = arith.addf %mul3A_163, %add3A_167 : vector<512x768xf32>
    %swap3A_169 = arith.constant 3 : index
    %swap3A_170 = arith.constant 0 : index
    %swap3A_171 = arith.constant 0 : index
    %swap3A_172 = vector.load %arg5[%swap3A_169, %swap3A_170, %swap3A_171] : memref<4x512x768xf32, #tpu.memory_space<vmem>>, vector<1x512x768xf32>
    %swap3A_173 = vector.shape_cast %swap3A_172 : vector<1x512x768xf32> to vector<512x768xf32>
    %swap3A_174 = vector.shape_cast %add3A_168 : vector<512x768xf32> to vector<1x512x768xf32>
    tpu.vector_store %arg5[%swap3A_169, %swap3A_170, %swap3A_171], %swap3A_174 {strides = array<i32>} : memref<4x512x768xf32, #tpu.memory_space<vmem>>, vector<1x512x768xf32>,
    return
  }
  func.func @transform_0(%arg0: i32) -> (i32, i32, i32) {
    %c0_i32 = arith.constant 0 : i32
    %c0_i32_0 = arith.constant 0 : i32
    %c0_i32_1 = arith.constant 0 : i32
    return %arg0, %c0_i32, %c0_i32_0 : i32, i32, i32
  }
  func.func @transform_1(%arg0: i32) -> (i32, i32) {
    %c0_i32 = arith.constant 0 : i32
    %c0_i32_0 = arith.constant 0 : i32
    %c0_i32_1 = arith.constant 0 : i32
    return %c0_i32, %c0_i32_0 : i32, i32
  }
  func.func @transform_2(%arg0: i32) -> i32 {
    %c0_i32 = arith.constant 0 : i32
    %c0_i32_0 = arith.constant 0 : i32
    return %c0_i32 : i32
  }
  func.func @transform_3(%arg0: i32) -> i32 {
    %c0_i32 = arith.constant 0 : i32
    %c0_i32_0 = arith.constant 0 : i32
    return %c0_i32 : i32
  }
  func.func @transform_4(%arg0: i32) -> (i32, i32, i32) {
    %add3A = arith.constant 0 : i32
    %add3A_0 = arith.addi %add3A, %arg0 : i32
    %c0_i32 = arith.constant 0 : i32
    %c0_i32_1 = arith.constant 0 : i32
    %c0_i32_2 = arith.constant 0 : i32
    return %add3A_0, %c0_i32, %c0_i32_1 : i32, i32, i32
  }
}

module attributes {stable_mosaic.version = 14 : i64} {
  func.func @_tc_ln_body_chain(%arg0: i32, %arg1: memref<64x512x768xf32, #tpu.memory_space<any>>, %arg2: memref<4x512x768xf32, #tpu.memory_space<vmem>>, %arg3: memref<512x768xf32, #tpu.memory_space<vmem>>, %arg4: memref<768xf32, #tpu.memory_space<vmem>>, %arg5: memref<768xf32, #tpu.memory_space<vmem>>, %arg6: memref<4x512x768xf32, #tpu.memory_space<vmem>>) attributes {dimension_semantics = [#tpu.dimension_semantics<arbitrary>], iteration_bounds = array<i64: 8>, scalar_prefetch = 0 : i64, scratch_operands = 0 : i64, tpu.core_type = #tpu.core_type<tc>, window_params = [{}, {transform_indices = @transform_1, window_bounds = array<i64: 4, 512, 768>}, {pipeline_mode = #tpu.pipeline_mode<synchronous>, transform_indices = @transform_2, window_bounds = array<i64: 512, 768>}, {pipeline_mode = #tpu.pipeline_mode<synchronous>, transform_indices = @transform_3, window_bounds = array<i64: 768>}, {pipeline_mode = #tpu.pipeline_mode<synchronous>, transform_indices = @transform_4, window_bounds = array<i64: 768>}, {transform_indices = @transform_5, window_bounds = array<i64: 4, 512, 768>}]} {
    %get3A = arith.constant 0 : index
    %get3A_0 = arith.constant 0 : index
    %get3A_1 = arith.constant 0 : index
    %get3A_2 = vector.load %arg2[%get3A, %get3A_0, %get3A_1] : memref<4x512x768xf32, #tpu.memory_space<vmem>>, vector<1x512x768xf32>
    %get3A_3 = vector.shape_cast %get3A_2 : vector<1x512x768xf32> to vector<512x768xf32>
    %get3A_4 = arith.constant 0 : index
    %get3A_5 = arith.constant 0 : index
    %get3A_6 = vector.load %arg3[%get3A_4, %get3A_5] : memref<512x768xf32, #tpu.memory_space<vmem>>, vector<512x768xf32>
    %add3A = arith.addf %get3A_3, %get3A_6 : vector<512x768xf32>
    %reduce_sum3A = arith.constant dense<0.000000e+00> : vector<512xf32>
    %reduce_sum3A_7 = vector.multi_reduction <add>, %add3A, %reduce_sum3A [1] : vector<512x768xf32> to vector<512xf32>
    %broadcast_in_dim3A = vector.shape_cast %reduce_sum3A_7 : vector<512xf32> to vector<512x1xf32>
    %div3A = arith.constant 7.680000e+02 : f32
    %div3A_8 = vector.broadcast %div3A : f32 to vector<512x1xf32>
    %div3A_9 = arith.divf %broadcast_in_dim3A, %div3A_8 : vector<512x1xf32>
    %sub3A = vector.broadcast %div3A_9 : vector<512x1xf32> to vector<512x768xf32>
    %sub3A_10 = arith.subf %add3A, %sub3A : vector<512x768xf32>
    %mul3A = arith.mulf %sub3A_10, %sub3A_10 : vector<512x768xf32>
    %reduce_sum3A_11 = arith.constant dense<0.000000e+00> : vector<512xf32>
    %reduce_sum3A_12 = vector.multi_reduction <add>, %mul3A, %reduce_sum3A_11 [1] : vector<512x768xf32> to vector<512xf32>
    %broadcast_in_dim3A_13 = vector.shape_cast %reduce_sum3A_12 : vector<512xf32> to vector<512x1xf32>
    %div3A_14 = arith.constant 7.680000e+02 : f32
    %div3A_15 = vector.broadcast %div3A_14 : f32 to vector<512x1xf32>
    %div3A_16 = arith.divf %broadcast_in_dim3A_13, %div3A_15 : vector<512x1xf32>
    %add3A_17 = arith.constant 9.99999974E-6 : f32
    %add3A_18 = vector.broadcast %add3A_17 : f32 to vector<512x1xf32>
    %add3A_19 = arith.addf %div3A_16, %add3A_18 : vector<512x1xf32>
    %rsqrt3A = math.rsqrt %add3A_19 : vector<512x1xf32>
    %mul3A_20 = vector.broadcast %rsqrt3A : vector<512x1xf32> to vector<512x768xf32>
    %mul3A_21 = arith.mulf %sub3A_10, %mul3A_20 : vector<512x768xf32>
    %get3A_22 = arith.constant 0 : index
    %get3A_23 = vector.load %arg4[%get3A_22] : memref<768xf32, #tpu.memory_space<vmem>>, vector<768xf32>
    %broadcast_in_dim3A_24 = vector.shape_cast %get3A_23 : vector<768xf32> to vector<1x768xf32>
    %mul3A_25 = vector.broadcast %broadcast_in_dim3A_24 : vector<1x768xf32> to vector<512x768xf32>
    %mul3A_26 = arith.mulf %mul3A_21, %mul3A_25 : vector<512x768xf32>
    %get3A_27 = arith.constant 0 : index
    %get3A_28 = vector.load %arg5[%get3A_27] : memref<768xf32, #tpu.memory_space<vmem>>, vector<768xf32>
    %broadcast_in_dim3A_29 = vector.shape_cast %get3A_28 : vector<768xf32> to vector<1x768xf32>
    %add3A_30 = vector.broadcast %broadcast_in_dim3A_29 : vector<1x768xf32> to vector<512x768xf32>
    %add3A_31 = arith.addf %mul3A_26, %add3A_30 : vector<512x768xf32>
    %swap3A = arith.constant 0 : index
    %swap3A_32 = arith.constant 0 : index
    %swap3A_33 = arith.constant 0 : index
    %swap3A_34 = vector.load %arg6[%swap3A, %swap3A_32, %swap3A_33] : memref<4x512x768xf32, #tpu.memory_space<vmem>>, vector<1x512x768xf32>
    %swap3A_35 = vector.shape_cast %swap3A_34 : vector<1x512x768xf32> to vector<512x768xf32>
    %swap3A_36 = vector.shape_cast %add3A_31 : vector<512x768xf32> to vector<1x512x768xf32>
    tpu.vector_store %arg6[%swap3A, %swap3A_32, %swap3A_33], %swap3A_36 {strides = array<i32>} : memref<4x512x768xf32, #tpu.memory_space<vmem>>, vector<1x512x768xf32>,
    %get3A_37 = arith.constant 1 : index
    %get3A_38 = arith.constant 0 : index
    %get3A_39 = arith.constant 0 : index
    %get3A_40 = vector.load %arg2[%get3A_37, %get3A_38, %get3A_39] : memref<4x512x768xf32, #tpu.memory_space<vmem>>, vector<1x512x768xf32>
    %get3A_41 = vector.shape_cast %get3A_40 : vector<1x512x768xf32> to vector<512x768xf32>
    %get3A_42 = arith.constant 0 : index
    %get3A_43 = arith.constant 0 : index
    %get3A_44 = vector.load %arg3[%get3A_42, %get3A_43] : memref<512x768xf32, #tpu.memory_space<vmem>>, vector<512x768xf32>
    %add3A_45 = arith.addf %get3A_41, %get3A_44 : vector<512x768xf32>
    %reduce_sum3A_46 = arith.constant dense<0.000000e+00> : vector<512xf32>
    %reduce_sum3A_47 = vector.multi_reduction <add>, %add3A_45, %reduce_sum3A_46 [1] : vector<512x768xf32> to vector<512xf32>
    %broadcast_in_dim3A_48 = vector.shape_cast %reduce_sum3A_47 : vector<512xf32> to vector<512x1xf32>
    %div3A_49 = arith.constant 7.680000e+02 : f32
    %div3A_50 = vector.broadcast %div3A_49 : f32 to vector<512x1xf32>
    %div3A_51 = arith.divf %broadcast_in_dim3A_48, %div3A_50 : vector<512x1xf32>
    %sub3A_52 = vector.broadcast %div3A_51 : vector<512x1xf32> to vector<512x768xf32>
    %sub3A_53 = arith.subf %add3A_45, %sub3A_52 : vector<512x768xf32>
    %mul3A_54 = arith.mulf %sub3A_53, %sub3A_53 : vector<512x768xf32>
    %reduce_sum3A_55 = arith.constant dense<0.000000e+00> : vector<512xf32>
    %reduce_sum3A_56 = vector.multi_reduction <add>, %mul3A_54, %reduce_sum3A_55 [1] : vector<512x768xf32> to vector<512xf32>
    %broadcast_in_dim3A_57 = vector.shape_cast %reduce_sum3A_56 : vector<512xf32> to vector<512x1xf32>
    %div3A_58 = arith.constant 7.680000e+02 : f32
    %div3A_59 = vector.broadcast %div3A_58 : f32 to vector<512x1xf32>
    %div3A_60 = arith.divf %broadcast_in_dim3A_57, %div3A_59 : vector<512x1xf32>
    %add3A_61 = arith.constant 9.99999974E-6 : f32
    %add3A_62 = vector.broadcast %add3A_61 : f32 to vector<512x1xf32>
    %add3A_63 = arith.addf %div3A_60, %add3A_62 : vector<512x1xf32>
    %rsqrt3A_64 = math.rsqrt %add3A_63 : vector<512x1xf32>
    %mul3A_65 = vector.broadcast %rsqrt3A_64 : vector<512x1xf32> to vector<512x768xf32>
    %mul3A_66 = arith.mulf %sub3A_53, %mul3A_65 : vector<512x768xf32>
    %get3A_67 = arith.constant 0 : index
    %get3A_68 = vector.load %arg4[%get3A_67] : memref<768xf32, #tpu.memory_space<vmem>>, vector<768xf32>
    %broadcast_in_dim3A_69 = vector.shape_cast %get3A_68 : vector<768xf32> to vector<1x768xf32>
    %mul3A_70 = vector.broadcast %broadcast_in_dim3A_69 : vector<1x768xf32> to vector<512x768xf32>
    %mul3A_71 = arith.mulf %mul3A_66, %mul3A_70 : vector<512x768xf32>
    %get3A_72 = arith.constant 0 : index
    %get3A_73 = vector.load %arg5[%get3A_72] : memref<768xf32, #tpu.memory_space<vmem>>, vector<768xf32>
    %broadcast_in_dim3A_74 = vector.shape_cast %get3A_73 : vector<768xf32> to vector<1x768xf32>
    %add3A_75 = vector.broadcast %broadcast_in_dim3A_74 : vector<1x768xf32> to vector<512x768xf32>
    %add3A_76 = arith.addf %mul3A_71, %add3A_75 : vector<512x768xf32>
    %swap3A_77 = arith.constant 1 : index
    %swap3A_78 = arith.constant 0 : index
    %swap3A_79 = arith.constant 0 : index
    %swap3A_80 = vector.load %arg6[%swap3A_77, %swap3A_78, %swap3A_79] : memref<4x512x768xf32, #tpu.memory_space<vmem>>, vector<1x512x768xf32>
    %swap3A_81 = vector.shape_cast %swap3A_80 : vector<1x512x768xf32> to vector<512x768xf32>
    %swap3A_82 = vector.shape_cast %add3A_76 : vector<512x768xf32> to vector<1x512x768xf32>
    tpu.vector_store %arg6[%swap3A_77, %swap3A_78, %swap3A_79], %swap3A_82 {strides = array<i32>} : memref<4x512x768xf32, #tpu.memory_space<vmem>>, vector<1x512x768xf32>,
    %get3A_83 = arith.constant 2 : index
    %get3A_84 = arith.constant 0 : index
    %get3A_85 = arith.constant 0 : index
    %get3A_86 = vector.load %arg2[%get3A_83, %get3A_84, %get3A_85] : memref<4x512x768xf32, #tpu.memory_space<vmem>>, vector<1x512x768xf32>
    %get3A_87 = vector.shape_cast %get3A_86 : vector<1x512x768xf32> to vector<512x768xf32>
    %get3A_88 = arith.constant 0 : index
    %get3A_89 = arith.constant 0 : index
    %get3A_90 = vector.load %arg3[%get3A_88, %get3A_89] : memref<512x768xf32, #tpu.memory_space<vmem>>, vector<512x768xf32>
    %add3A_91 = arith.addf %get3A_87, %get3A_90 : vector<512x768xf32>
    %reduce_sum3A_92 = arith.constant dense<0.000000e+00> : vector<512xf32>
    %reduce_sum3A_93 = vector.multi_reduction <add>, %add3A_91, %reduce_sum3A_92 [1] : vector<512x768xf32> to vector<512xf32>
    %broadcast_in_dim3A_94 = vector.shape_cast %reduce_sum3A_93 : vector<512xf32> to vector<512x1xf32>
    %div3A_95 = arith.constant 7.680000e+02 : f32
    %div3A_96 = vector.broadcast %div3A_95 : f32 to vector<512x1xf32>
    %div3A_97 = arith.divf %broadcast_in_dim3A_94, %div3A_96 : vector<512x1xf32>
    %sub3A_98 = vector.broadcast %div3A_97 : vector<512x1xf32> to vector<512x768xf32>
    %sub3A_99 = arith.subf %add3A_91, %sub3A_98 : vector<512x768xf32>
    %mul3A_100 = arith.mulf %sub3A_99, %sub3A_99 : vector<512x768xf32>
    %reduce_sum3A_101 = arith.constant dense<0.000000e+00> : vector<512xf32>
    %reduce_sum3A_102 = vector.multi_reduction <add>, %mul3A_100, %reduce_sum3A_101 [1] : vector<512x768xf32> to vector<512xf32>
    %broadcast_in_dim3A_103 = vector.shape_cast %reduce_sum3A_102 : vector<512xf32> to vector<512x1xf32>
    %div3A_104 = arith.constant 7.680000e+02 : f32
    %div3A_105 = vector.broadcast %div3A_104 : f32 to vector<512x1xf32>
    %div3A_106 = arith.divf %broadcast_in_dim3A_103, %div3A_105 : vector<512x1xf32>
    %add3A_107 = arith.constant 9.99999974E-6 : f32
    %add3A_108 = vector.broadcast %add3A_107 : f32 to vector<512x1xf32>
    %add3A_109 = arith.addf %div3A_106, %add3A_108 : vector<512x1xf32>
    %rsqrt3A_110 = math.rsqrt %add3A_109 : vector<512x1xf32>
    %mul3A_111 = vector.broadcast %rsqrt3A_110 : vector<512x1xf32> to vector<512x768xf32>
    %mul3A_112 = arith.mulf %sub3A_99, %mul3A_111 : vector<512x768xf32>
    %get3A_113 = arith.constant 0 : index
    %get3A_114 = vector.load %arg4[%get3A_113] : memref<768xf32, #tpu.memory_space<vmem>>, vector<768xf32>
    %broadcast_in_dim3A_115 = vector.shape_cast %get3A_114 : vector<768xf32> to vector<1x768xf32>
    %mul3A_116 = vector.broadcast %broadcast_in_dim3A_115 : vector<1x768xf32> to vector<512x768xf32>
    %mul3A_117 = arith.mulf %mul3A_112, %mul3A_116 : vector<512x768xf32>
    %get3A_118 = arith.constant 0 : index
    %get3A_119 = vector.load %arg5[%get3A_118] : memref<768xf32, #tpu.memory_space<vmem>>, vector<768xf32>
    %broadcast_in_dim3A_120 = vector.shape_cast %get3A_119 : vector<768xf32> to vector<1x768xf32>
    %add3A_121 = vector.broadcast %broadcast_in_dim3A_120 : vector<1x768xf32> to vector<512x768xf32>
    %add3A_122 = arith.addf %mul3A_117, %add3A_121 : vector<512x768xf32>
    %swap3A_123 = arith.constant 2 : index
    %swap3A_124 = arith.constant 0 : index
    %swap3A_125 = arith.constant 0 : index
    %swap3A_126 = vector.load %arg6[%swap3A_123, %swap3A_124, %swap3A_125] : memref<4x512x768xf32, #tpu.memory_space<vmem>>, vector<1x512x768xf32>
    %swap3A_127 = vector.shape_cast %swap3A_126 : vector<1x512x768xf32> to vector<512x768xf32>
    %swap3A_128 = vector.shape_cast %add3A_122 : vector<512x768xf32> to vector<1x512x768xf32>
    tpu.vector_store %arg6[%swap3A_123, %swap3A_124, %swap3A_125], %swap3A_128 {strides = array<i32>} : memref<4x512x768xf32, #tpu.memory_space<vmem>>, vector<1x512x768xf32>,
    %get3A_129 = arith.constant 3 : index
    %get3A_130 = arith.constant 0 : index
    %get3A_131 = arith.constant 0 : index
    %get3A_132 = vector.load %arg2[%get3A_129, %get3A_130, %get3A_131] : memref<4x512x768xf32, #tpu.memory_space<vmem>>, vector<1x512x768xf32>
    %get3A_133 = vector.shape_cast %get3A_132 : vector<1x512x768xf32> to vector<512x768xf32>
    %get3A_134 = arith.constant 0 : index
    %get3A_135 = arith.constant 0 : index
    %get3A_136 = vector.load %arg3[%get3A_134, %get3A_135] : memref<512x768xf32, #tpu.memory_space<vmem>>, vector<512x768xf32>
    %add3A_137 = arith.addf %get3A_133, %get3A_136 : vector<512x768xf32>
    %reduce_sum3A_138 = arith.constant dense<0.000000e+00> : vector<512xf32>
    %reduce_sum3A_139 = vector.multi_reduction <add>, %add3A_137, %reduce_sum3A_138 [1] : vector<512x768xf32> to vector<512xf32>
    %broadcast_in_dim3A_140 = vector.shape_cast %reduce_sum3A_139 : vector<512xf32> to vector<512x1xf32>
    %div3A_141 = arith.constant 7.680000e+02 : f32
    %div3A_142 = vector.broadcast %div3A_141 : f32 to vector<512x1xf32>
    %div3A_143 = arith.divf %broadcast_in_dim3A_140, %div3A_142 : vector<512x1xf32>
    %sub3A_144 = vector.broadcast %div3A_143 : vector<512x1xf32> to vector<512x768xf32>
    %sub3A_145 = arith.subf %add3A_137, %sub3A_144 : vector<512x768xf32>
    %mul3A_146 = arith.mulf %sub3A_145, %sub3A_145 : vector<512x768xf32>
    %reduce_sum3A_147 = arith.constant dense<0.000000e+00> : vector<512xf32>
    %reduce_sum3A_148 = vector.multi_reduction <add>, %mul3A_146, %reduce_sum3A_147 [1] : vector<512x768xf32> to vector<512xf32>
    %broadcast_in_dim3A_149 = vector.shape_cast %reduce_sum3A_148 : vector<512xf32> to vector<512x1xf32>
    %div3A_150 = arith.constant 7.680000e+02 : f32
    %div3A_151 = vector.broadcast %div3A_150 : f32 to vector<512x1xf32>
    %div3A_152 = arith.divf %broadcast_in_dim3A_149, %div3A_151 : vector<512x1xf32>
    %add3A_153 = arith.constant 9.99999974E-6 : f32
    %add3A_154 = vector.broadcast %add3A_153 : f32 to vector<512x1xf32>
    %add3A_155 = arith.addf %div3A_152, %add3A_154 : vector<512x1xf32>
    %rsqrt3A_156 = math.rsqrt %add3A_155 : vector<512x1xf32>
    %mul3A_157 = vector.broadcast %rsqrt3A_156 : vector<512x1xf32> to vector<512x768xf32>
    %mul3A_158 = arith.mulf %sub3A_145, %mul3A_157 : vector<512x768xf32>
    %get3A_159 = arith.constant 0 : index
    %get3A_160 = vector.load %arg4[%get3A_159] : memref<768xf32, #tpu.memory_space<vmem>>, vector<768xf32>
    %broadcast_in_dim3A_161 = vector.shape_cast %get3A_160 : vector<768xf32> to vector<1x768xf32>
    %mul3A_162 = vector.broadcast %broadcast_in_dim3A_161 : vector<1x768xf32> to vector<512x768xf32>
    %mul3A_163 = arith.mulf %mul3A_158, %mul3A_162 : vector<512x768xf32>
    %get3A_164 = arith.constant 0 : index
    %get3A_165 = vector.load %arg5[%get3A_164] : memref<768xf32, #tpu.memory_space<vmem>>, vector<768xf32>
    %broadcast_in_dim3A_166 = vector.shape_cast %get3A_165 : vector<768xf32> to vector<1x768xf32>
    %add3A_167 = vector.broadcast %broadcast_in_dim3A_166 : vector<1x768xf32> to vector<512x768xf32>
    %add3A_168 = arith.addf %mul3A_163, %add3A_167 : vector<512x768xf32>
    %swap3A_169 = arith.constant 3 : index
    %swap3A_170 = arith.constant 0 : index
    %swap3A_171 = arith.constant 0 : index
    %swap3A_172 = vector.load %arg6[%swap3A_169, %swap3A_170, %swap3A_171] : memref<4x512x768xf32, #tpu.memory_space<vmem>>, vector<1x512x768xf32>
    %swap3A_173 = vector.shape_cast %swap3A_172 : vector<1x512x768xf32> to vector<512x768xf32>
    %swap3A_174 = vector.shape_cast %add3A_168 : vector<512x768xf32> to vector<1x512x768xf32>
    tpu.vector_store %arg6[%swap3A_169, %swap3A_170, %swap3A_171], %swap3A_174 {strides = array<i32>} : memref<4x512x768xf32, #tpu.memory_space<vmem>>, vector<1x512x768xf32>,
    return
  }
  func.func @transform_1(%arg0: i32) -> (i32, i32, i32) {
    %c0_i32 = arith.constant 0 : i32
    %c0_i32_0 = arith.constant 0 : i32
    %c0_i32_1 = arith.constant 0 : i32
    return %arg0, %c0_i32, %c0_i32_0 : i32, i32, i32
  }
  func.func @transform_2(%arg0: i32) -> (i32, i32) {
    %c0_i32 = arith.constant 0 : i32
    %c0_i32_0 = arith.constant 0 : i32
    %c0_i32_1 = arith.constant 0 : i32
    return %c0_i32, %c0_i32_0 : i32, i32
  }
  func.func @transform_3(%arg0: i32) -> i32 {
    %c0_i32 = arith.constant 0 : i32
    %c0_i32_0 = arith.constant 0 : i32
    return %c0_i32 : i32
  }
  func.func @transform_4(%arg0: i32) -> i32 {
    %c0_i32 = arith.constant 0 : i32
    %c0_i32_0 = arith.constant 0 : i32
    return %c0_i32 : i32
  }
  func.func @transform_5(%arg0: i32) -> (i32, i32, i32) {
    %add3A = arith.constant 8 : i32
    %add3A_0 = arith.addi %add3A, %arg0 : i32
    %c0_i32 = arith.constant 0 : i32
    %c0_i32_1 = arith.constant 0 : i32
    %c0_i32_2 = arith.constant 0 : i32
    return %add3A_0, %c0_i32, %c0_i32_1 : i32, i32, i32
  }
}

</mosaic_0001>

<sc_bundles>
// kernel: kernel.6.cloned.1.call-start
scs
__scs_entry_jumppad:
0x0: {  	(pc) =	sbr.rel $0x88, $3  }
0x1: {  	(tag) =	ssettag $0x0;
	lr =	simm.s32 $0x1  }
0x2: {  	[smem:$0x3F9C] =	sst lr;
	_ =	strace $0xD0000000  }
0x3: {  	_ = 	snop  }
0x4: {  	_ = 	snop  }
0x5: {  	_ = 	snop  }
0x6: {  	_ = 	snop  }
0x7: {  	_ = 	snop  }
__scs_overlays_trampoline_lowered:
0x8: {  	[smem:$0x3FAB] =	sst s0  }
0x9: {  	[smem:$0x3FAC] =	sst s1  }
0xa: {  	[smem:$0x3FAD] =	sst s2  }
0xb: {  	[smem:$0x3FAE] =	sst s3  }
0xc: {  	[smem:$0x3FAF] =	sst s4  }
0xd: {  	[smem:$0x3FB0] =	sst s5  }
0xe: {  	[smem:$0x3FB1] =	sst s6  }
0xf: {  	[smem:$0x3FB2] =	sst s7  }
0x10: {  	[smem:$0x3FB3] =	sst s8  }
0x11: {  	[smem:$0x3FB4] =	sst s9;
	s0 =	simm.s32 @!p0 $0x0  }
0x12: {  	s1 =	sld [smem:$0x3F9A];
	s0 =	simm.s32 @p0 $0x1  }
0x13: {  	[smem:$0x3FB5] =	sst s0;
	s0 =	simm.s32 @!p1 $0x0  }
0x14: {  	s2 =	sld [smem:$0x3F99];
	s0 =	simm.s32 @p1 $0x1  }
0x15: {  	[smem:$0x3FB6] =	sst s0;
	s0 =	simm.s32 @!p2 $0x0  }
0x16: {  	s3 =	sld [smem:$0x3FDB];
	s0 =	simm.s32 @p2 $0x1  }
0x17: {  	s4 =	simm.s32 $0x1BF5;
	[smem:$0x3FB8] =	sst s0  }
0x18: {  	s0 =	sld [smem:$0x3F9B];
	_ =	swait.ge [sflag:s4], $0x0  }
0x19: {  	s7 =	sld [smem:$0x3F9C]  }
0x1a: {  	s8 =	sadd.s32 $0xFFFFE003, lr  }
0x1b: {  	s9 =	sadd.s32 $0xFFFFFEF7, lr;
	s5 =	simm.s32 $0xFFFFFFFF;
	p2 =	slt.u32 s8, $0xFFFFF086  }
0x1c: {  	p1 =	slt.u32 s9, $0xF7A;
	s5 =	simm.s32 @!p2 $0x0  }
0x1d: {  	s5 =	simm.s32 @p1 $0x1;
	p0 =	seq.s32 s7, s2  }
0x1e: {  	s7 =	smul.u32 @!p0 $0xF7A, s2;
	p2 =	seq.s32 @!p0 s5, $0x0  }
0x1f: {  	s9 =	smul.u32 $0xF7A, s1;
	s8 =	simm.s32 @!p0 $0x1BF5;
	p2 =	por !p2, p0  }
0x20: {  	[sflag:s8] =	ssyncset.s32 @!p0 $0xFFFFF086;
	s6 =	sadd.s32 @!p0 s3, s7;
	s7 =	simm.s32 @!p0 $0x108  }
0x21: {  	s3 =	sadd.s32 s3, s9;
	s6 =	sadd.s32 @!p0 $0x88, s6;
	s7 =	simm.s32 @p2 $0x1082  }
0x22: {  	[simem:s7], [sflag:s8] =	dma.local @!p0 [hbm:s6], $0xF7A  }
0x23: {  	s9 =	sor.u32 $0xD0000000, s2;
	s6 =	simm.s32 $0x108;
	_ =	swait.ge @!p0 [sflag:s8], $0x0  }
0x24: {  	s3 =	sadd.s32 $0x88, s3;
	s6 =	simm.s32 @!p1 $0x1082;
	[sflag:s4] =	ssyncset.s32 $0xFFFFF086  }
0x25: {  	[simem:s6], [sflag:s4] =	dma.local [hbm:s3], $0xF7A  }
0x26: {  	[smem:$0x3F9C] =	sst s1;
	(tag) =	ssettag s2;
	_ =	strace s9  }
0x27: {  	s1 =	sld [smem:$0x3FAC]  }
0x28: {  	s2 =	sld [smem:$0x3FAD]  }
0x29: {  	s4 =	sld [smem:$0x3FAF]  }
0x2a: {  	p0 =	seq.s32 s5, $0x0;
	s5 =	sld [smem:$0x3FB0]  }
0x2b: {  	s6 =	sld [smem:$0x3FB1]  }
0x2c: {  	s7 =	sld [smem:$0x3FB2]  }
0x2d: {  	s3 =	simm.s32 $0x108;
	s8 =	sld [smem:$0x3FB3]  }
0x2e: {  	s3 =	simm.s32 @!p0 $0x1082;
	s9 =	sld [smem:$0x3FB4]  }
0x2f: {  	lr =	sadd.s32 s0, s3;
	s0 =	sld [smem:$0x3FAB]  }
0x30: {  	s3 =	sld [smem:$0x3FAE]  }
0x31: {  	[smem:$0x3FB7] =	sst s10  }
0x32: {  	s10 =	sld [smem:$0x3FB5];
	_ =	sdelay $0x3  }
0x33: {  	p0 =	seq.s32 s10, $0x1;
	s10 =	sld [smem:$0x3FB7];
	_ =	sdelay $0x3  }
0x34: {  	[smem:$0x3FB7] =	sst s10  }
0x35: {  	s10 =	sld [smem:$0x3FB6];
	_ =	sdelay $0x3  }
0x36: {  	p1 =	seq.s32 s10, $0x1;
	s10 =	sld [smem:$0x3FB7];
	_ =	sdelay $0x3  }
0x37: {  	[smem:$0x3FB7] =	sst s10  }
0x38: {  	s10 =	sld [smem:$0x3FB8]  }
0x39: {  	_ = 	snop;
	(pc) =	sbr.ind lr, $3  }
0x3a: {  	_ = 	snop  }
0x3b: {  	_ = 	snop  }
0x3c: {  	p2 =	seq.s32 s10, $0x1;
	s10 =	sld [smem:$0x3FB7]  }
0x3d: {  	_ =	shalt  }
0x3e: {  	_ =	shalt  }
0x3f: {  	_ =	shalt  }
0x40: {  	_ =	shalt  }
0x41: {  	_ =	shalt  }
0x42: {  	_ =	shalt  }
0x43: {  	_ =	shalt  }
0x44: {  	_ =	shalt  }
0x45: {  	_ =	shalt  }
0x46: {  	_ =	shalt  }
0x47: {  	_ =	shalt  }
0x48: {  	_ =	shalt  }
0x49: {  	_ =	shalt  }
0x4a: {  	_ =	shalt  }
0x4b: {  	_ =	shalt  }
0x4c: {  	_ =	shalt  }
0x4d: {  	_ =	shalt  }
0x4e: {  	_ =	shalt  }
0x4f: {  	_ =	shalt  }
0x50: {  	_ =	shalt  }
0x51: {  	_ =	shalt  }
0x52: {  	_ =	shalt  }
0x53: {  	_ =	shalt  }
0x54: {  	_ =	shalt  }
0x55: {  	_ =	shalt  }
0x56: {  	_ =	shalt  }
0x57: {  	_ =	shalt  }
0x58: {  	_ =	shalt  }
0x59: {  	_ =	shalt  }
0x5a: {  	_ =	shalt  }
0x5b: {  	_ =	shalt  }
0x5c: {  	_ =	shalt  }
0x5d: {  	_ =	shalt  }
0x5e: {  	_ =	shalt  }
0x5f: {  	_ =	shalt  }
0x60: {  	_ =	shalt  }
0x61: {  	_ =	shalt  }
0x62: {  	_ =	shalt  }
0x63: {  	_ =	shalt  }
0x64: {  	_ =	shalt  }
0x65: {  	_ =	shalt  }
0x66: {  	_ =	shalt  }
0x67: {  	_ =	shalt  }
0x68: {  	_ =	shalt  }
0x69: {  	_ =	shalt  }
0x6a: {  	_ =	shalt  }
0x6b: {  	_ =	shalt  }
0x6c: {  	_ =	shalt  }
0x6d: {  	_ =	shalt  }
0x6e: {  	_ =	shalt  }
0x6f: {  	_ =	shalt  }
0x70: {  	_ =	shalt  }
0x71: {  	_ =	shalt  }
0x72: {  	_ =	shalt  }
0x73: {  	_ =	shalt  }
0x74: {  	_ =	shalt  }
0x75: {  	_ =	shalt  }
0x76: {  	_ =	shalt  }
0x77: {  	_ =	shalt  }
0x78: {  	_ =	shalt  }
0x79: {  	_ =	shalt  }
0x7a: {  	_ =	shalt  }
0x7b: {  	_ =	shalt  }
0x7c: {  	_ =	shalt  }
0x7d: {  	_ =	shalt  }
0x7e: {  	_ =	shalt  }
0x7f: {  	_ =	shalt  }
0x80: {  	_ =	shalt  }
0x81: {  	_ =	shalt  }
0x82: {  	_ =	shalt  }
0x83: {  	_ =	shalt  }
0x84: {  	_ =	shalt  }
0x85: {  	_ =	shalt  }
0x86: {  	_ =	shalt  }
0x87: {  	_ =	shalt  }
.Lfunc_end0:
.L_simem_size_0:
called_computation_lowered:
.L_overlay_start_0:
0x88: {  	s2 =	sld [smem:$0x3FD9]  }
0x89: {  	s3 =	sld [smem:$0x3FFE];
	_ =	sdelay $0x1  }
0x8a: {  	s1 =	srdreg.scid  }
0x8b: {  	s0 =	sand.u32 $0x1, s1  }
0x8c: {  	s17 =	sshll.u32 s0, $0xA;
	s2 =	sadd.s32 s3, s2  }
0x8d: {  	s2 =	sadd.s32 s2, s17  }
0x8e: {  	[smem:$0x3FC3] =	sst s2  }
0x8f: {  	_ = 	snop  }
0x90: {  	s2 =	sld [smem:$0x3FC9]  }
0x91: {  	s18 =	sld [smem:$0x3FC8];
	(tm) =	ssettm $0x1  }
0x92: {  	s4 =	sld [smem:$0x3FFB];
	_ =	sdelay $0x3  }
0x93: {  	_ =	strace s4  }
0x94: {  	s4 =	sld [smem:$0x3FFC];
	_ =	sdelay $0x3  }
0x95: {  	_ =	strace s4  }
0x96: {  	s4 =	sld [smem:$0x3FFD];
	_ =	sdelay $0x3  }
0x97: {  	_ =	strace s4  }
0x98: {  	_ =	strace $0x8FFFFFFF  }
0x99: {  	s19 =	sld [smem:$0x3FDB];
	_ =	sdelay $0x1  }
0x9a: {  	s5 =	simm.s32 $_scs_section_size  }
0x9b: {  	s6 =	simm.s32 $_size__tile_overlayer_lowered;
	s7 =	simm.s32 $_tile_overlayer_lowered  }
0x9c: {  	s22 =	simm.s32 $0x1BFF;
	s21 =	sshll.u32 s7, $0x1;
	s4 =	sadd.s32 s5, s19  }
0x9d: {  	s8 =	simm.s32 $0x0;
	s20 =	sshll.u32 s6, $0x1;
	s6 =	sadd.s32 s21, s4  }
0x9e: {  	[timem:s8], [sflag:s22] =	dma.local [hbm:s6], s20  }
0x9f: {  	_ =	swait.ge [sflag:s22], s20  }
0xa0: {  	s5 =	ssub.s32 $0x0, s20;
	[sflag:s22] =	ssyncset.done $0x0  }
0xa1: {  	[sflag:s22] =	ssyncadd.s32 s5;
	_ =	sdelay $0x1  }
0xa2: {  	s23 =	simm.s32 $0x1B8B  }
0xa3: {  	_ =	swait.ge [sflag:s23], $0x1  }
0xa4: {  	[sflag:s23] =	ssyncset.done $0x0  }
0xa5: {  	s25 =	simm.s32 $0x1B8E;
	s24 =	sld [smem:$0x3FFE];
	[sflag:s23] =	ssyncadd.s32 $0xFFFFFFFF  }
0xa6: {  	s26 =	simm.s32 $execute0_lowered;
	[smem:$0x3FD2] =	sst s25  }
0xa7: {  	s6 =	sshll.u32 s26, $0x1;
	_ =	strace $0x80000046;
	[dreg:$0x1] =	wrdreg $0xFFFFFFFF  }
0xa8: {  	s28 =	simm.s32 $_size_execute0_lowered;
	s4 =	sadd.s32 s4, s6;
	[dreg:$0x0] =	wrdreg $0x0  }
0xa9: {  	s6 =	sshll.u32 s28, $0x1;
	[dreg:$0x2] =	wrdreg s4  }
0xaa: {  	[dreg:$0x3] =	wrdreg s6  }
0xab: {  	[dreg:$0x4] =	wrdreg $0xC0  }
0xac: {  	_ =	task [dreg:s8], $0x5FFFF  }
0xad: {  	[dreg:$0x1] =	wrdreg $0xFFFFFFFF  }
0xae: {  	[dreg:$0x0] =	wrdreg $0x60  }
0xaf: {  	[dreg:$0x2] =	wrdreg s2  }
0xb0: {  	[dreg:$0x3] =	wrdreg s18  }
0xb1: {  	[dreg:$0x4] =	wrdreg s24  }
0xb2: {  	[dreg:$0x5] =	wrdreg $0x9  }
0xb3: {  	_ =	task.clear_ibuf [dreg:s8], $0x6FFFF;
	_ =	strace $0x90000046  }
0xb4: {  	s29 =	simm.s32 $0x9;
	_ =	strace $0x80000048  }
0xb5: {  	_ =	swait.ge [sflag:s29], $0x1  }
0xb6: {  	[sflag:s29] =	ssyncadd.s32 $0xFFFFFFFF  }
0xb7: {  	_ =	strace $0x90000048  }
0xb8: {  	_ =	sfence  }
0xb9: {  	s30 =	sld [smem:$0x0];
	_ =	sdelay $0x2  }
0xba: {  	s31 =	sshll.u32 s1, $0xD;
	s1 =	sshrl.u32 s1, $0x2  }
0xbb: {  	s3 =	sand.u32 $0x4000, s31;
	s1 =	sadd.s32 s1, s30  }
0xbc: {  	s0 =	sor.u32 s3, s0;
	s1 =	sshll.u32 s1, $0x11  }
0xbd: {  	s0 =	sor.u32 s1, s0  }
0xbe: {  	s0 =	sadd.s32 $0x8F2B, s0  }
0xbf: {  	[sflag:s0] =	ssyncadd.remote.s32 $0x1  }
0xc0: {  	_ =	sfence.sel $0xFFFF  }
0xc1: {  	[dreg:$0x0] =	wrdreg $0xFFFFFFFF;
	(pc) =	sbr.abs _section_cstart, $3  }
0xc2: {  	[dreg:$0x1] =	wrdreg $0xFFFFFFFF  }
0xc3: {  	_ =	task.clear_ibuf [dreg:s8], $0x2FFFF;
	_ =	strace $0x9FFFFFFF  }
0xc4: {  	(tm) =	ssettm $0x7FFFFFFF  }
0xc5: {  	_ =	shalt  }
tec
execute0_lowered:
.L_overlay_start_1:
0x0: {  	(tag) =	ssettag $0x1  }
0x1: {  	s0 =	srdreg.scid;
	s3 =	rddreg [dreg:$0x1]  }
0x2: {  	s8 =	stileid.u32;
	s5 =	rddreg [dreg:$0x2];
	s4 =	simm.s32 $0x0  }
0x3: {  	s13 =	simm.s32 $0x4000;
	s14 =	simm.s32 $0x7000;
	s12 =	simm.s32 $0xD000  }
0x4: {  	s18 =	simm.s32 $0x10000;
	s19 =	simm.s32 $0x13000;
	s15 =	simm.s32 $0x19000  }
0x5: {  	s16 =	simm.s32 $0x2;
	s17 =	simm.s32 $0x3;
	s20 =	simm.s32 $0x4  }
0x6: {  	s21 =	simm.s32 $0x5;
	s22 =	simm.s32 $0x6;
	s28 =	simm.s32 $0x9  }
0x7: {  	s29 =	simm.s32 $0xA;
	s30 =	simm.s32 $0xB;
	s31 =	simm.s32 $0xC  }
0x8: {  	s9 =	simm.s32 $0xF;
	s11 =	simm.s32 $0x10;
	s0 =	sand.u32 $0x1, s0  }
0x9: {  	s1 =	sshll.u32 s8, $0x5;
	[smem:$0x7FF] =	sst s4;
	s2 =	sshll.u32 s0, $0x4  }
0xa: {  	s8 =	sshll.u32 s8, $0x8;
	s0 =	ssub.s32 $0x2, s0;
	s1 =	sor.u32 s2, s1  }
0xb: {  	_ =	strace $0x80000047;
	s6 =	sshrl.u32 s0, $0x1;
	s2 =	sshrl.u32 s1, $0x3  }
0xc: {  	s7 =	sshll.u32 s1, $0x3;
	s0 =	ssub.s32 s0, s6;
	s6 =	sadd.s32 $0x100, s3  }
0xd: {  	s2 =	smul.u32 $0x300, s2;
	s23 =	sor.u32 s7, s1;
	s7 =	sadd.s32 $0x200, s3  }
0xe: {  	s1 =	sor.u32 s1, s8;
	s0 =	smax.u32 s0, $0x1;
	s8 =	simm.s32 $0xE  }
0xf: {  	s24 =	sand.u32 $0xC70, s23;
	[dreg:$0x6] =	wrdreg s0;
	s26 =	sor.u32 $0x1380, s1  }
.Ltmp0:
0x10: {  	s0 =	simm.s32 $0xD;
	s1 =	simm.s32 $0x0;
	(pc) =	sbr.rel .LBB2_1-.Ltmp0, $4  }
0x11: {  	s2 =	sadd.s32 s2, s5;
	[dreg:$0x4] =	wrdreg s24;
	s5 =	sor.u32 $0x380, s23  }
0x12: {  	v2 =	vlaneseq.u32;
	[dreg:$0x8] =	wrdreg s26;
	s23 =	simm.s32 $0x7;
	s24 =	simm.s32 $0x8  }
0x13: {  	vm0 =	vmmov $0xffff;
	v1 =	vshrl.u32 v2, $0x3;
	s26 =	simm.s32 $0x13000;
	[dreg:$0x5] =	wrdreg s5;
	s25 =	sadd.s32 $0xE00, s2  }
0x14: {  	v0 =	vand.u32 $0x7, v2;
	v2 =	vor.u32 $0x8, v2;
	v1 =	vmul.u32 $0x8, v1;
	s2 =	simm.s32 $0xA000;
	[dreg:$0x7] =	wrdreg s25;
	s25 =	simm.s32 $0x7000  }
.LBB2_4:
0x15: {  	_ =	swait.ge [sflag:s29], $0x3000  }
0x16: {  	[sflag:s29] =	ssyncset.done $0x0  }
0x17: {  	[sflag:s29] =	ssyncadd.s32 $0xFFFFD000  }
0x18: {  	_ =	swait.ge [sflag:s30], $0x3000  }
0x19: {  	[sflag:s30] =	ssyncset.done $0x0  }
0x1a: {  	[sflag:s30] =	ssyncadd.s32 $0xFFFFD000  }
0x1b: {  	_ =	swait.ge [sflag:s31], $0x3000  }
0x1c: {  	[sflag:s31] =	ssyncset.done $0x0  }
0x1d: {  	[sflag:s31] =	ssyncadd.s32 $0xFFFFD000  }
0x1e: {  	_ =	swait.ge [sflag:s0], $0x3000  }
0x1f: {  	[sflag:s0] =	ssyncset.done $0x0  }
0x20: {  	[sflag:s0] =	ssyncadd.s32 $0xFFFFD000  }
0x21: {  	_ =	swait.ge [sflag:s8], $0x3000  }
0x22: {  	[sflag:s8] =	ssyncset.done $0x0  }
0x23: {  	[sflag:s8] =	ssyncadd.s32 $0xFFFFD000  }
0x24: {  	_ =	swait.ge [sflag:s9], $0x3000  }
0x25: {  	[sflag:s9] =	ssyncset.done $0x0  }
0x26: {  	[sflag:s9] =	ssyncadd.s32 $0xFFFFD000  }
0x27: {  	_ =	swait.ge [sflag:s11], $0x3000  }
0x28: {  	s1 =	rddreg [dreg:$0x9]  }
0x29: {  	s5 =	rddreg [dreg:$0x6];
	s1 =	sadd.s32 $0x1, s1  }
0x2a: {  	p0 =	sne.s32 s1, s5  }
.Ltmp1:
0x2b: {  	_ = 	snop;
	(pc) =	sbr.rel @!p0 .LBB2_5-.Ltmp1, $4  }
0x2c: {  	_ = 	snop  }
0x2d: {  	s13 =	simm.s32 $0x4000;
	s14 =	simm.s32 $0x7000;
	s2 =	simm.s32 $0xA000  }
0x2e: {  	s12 =	simm.s32 $0xD000;
	s18 =	simm.s32 $0x10000;
	[sflag:s11] =	ssyncset.done $0x0  }
0x2f: {  	s19 =	simm.s32 $0x13000;
	s15 =	simm.s32 $0x19000;
	[sflag:s11] =	ssyncadd.s32 $0xFFFFD000  }
.LBB2_1:
0x30: {  	[dreg:$0x9] =	wrdreg s1  }
0x31: {  	s5 =	rddreg [dreg:$0x0];
	s10 =	simm.s32 $0x11  }
0x32: {  	[tilespmem:s4], [sflag:$0x11] =	stream.linear.gather [hbm4b:s5+s4], $0x4000, $0x38;
	[tilespmem:$0x1C000] =	vst v63  }
0x33: {  	_ =	swait.ge [sflag:s10], $0x4000  }
0x34: {  	[sflag:s10] =	ssyncset.done $0x0  }
0x35: {  	s5 =	rddreg [dreg:$0x4];
	[sflag:s10] =	ssyncadd.s32 $0xFFFFC000  }
0x36: {  	v3 =	vld [tilespmem:s5+$0x0];
	_ =	sdelay $0x4  }
0x37: {  	v4 =	vshrl.u32 v3, $0x3  }
0x38: {  	v4 =	vmul.u32 $0x30, v4  }
0x39: {  	v3 =	vand.u32 $0x7, v3  }
0x3a: {  	v3 =	vor.u32 v3, v4  }
0x3b: {  	v4 =	vperm.xlane v3, v0;
	_ =	sdelay $0x1  }
0x3c: {  	v4 =	vadd.s32 v1, v4;
	_ =	sdelay $0x3  }
0x3d: {  	v3 =	vperm.xlane v3, v2  }
0x3e: {  	[tilespmem:s13], [sflag:$0x1] =	stream.indirect_vreg.gather [hbm4b:s3+s4], $0x80, v4, vm0, $0xb8;
	[tilespmem:$0x1C000] =	vst v63  }
0x3f: {  	s10 =	simm.s32 $0x4800;
	v3 =	vadd.s32 v1, v3  }
0x40: {  	[tilespmem:s10], [sflag:$0x1] =	stream.indirect_vreg.gather [hbm4b:s6+s4], $0x80, v4, vm0, $0xb8;
	[tilespmem:$0x1C000] =	vst v63  }
0x41: {  	s1 =	simm.s32 $0x5000  }
0x42: {  	[tilespmem:s1], [sflag:$0x1] =	stream.indirect_vreg.gather [hbm4b:s7+s4], $0x80, v4, vm0, $0xb8;
	[tilespmem:$0x1C000] =	vst v63  }
0x43: {  	s1 =	simm.s32 $0x5800  }
0x44: {  	[tilespmem:s1], [sflag:$0x1] =	stream.indirect_vreg.gather [hbm4b:s3+s4], $0x80, v3, vm0, $0xb8;
	[tilespmem:$0x1C000] =	vst v63  }
0x45: {  	s1 =	simm.s32 $0x6000  }
0x46: {  	[tilespmem:s1], [sflag:$0x1] =	stream.indirect_vreg.gather [hbm4b:s6+s4], $0x80, v3, vm0, $0xb8;
	[tilespmem:$0x1C000] =	vst v63  }
0x47: {  	s1 =	simm.s32 $0x6800  }
0x48: {  	[tilespmem:s1], [sflag:$0x1] =	stream.indirect_vreg.gather [hbm4b:s7+s4], $0x80, v3, vm0, $0xb8;
	[tilespmem:$0x1C000] =	vst v63  }
0x49: {  	v3 =	vld [tilespmem:s5+$0x80];
	_ =	sdelay $0x4  }
0x4a: {  	v57 =	vshrl.u32 v3, $0x3  }
0x4b: {  	v4 =	vmul.u32 $0x30, v57  }
0x4c: {  	v3 =	vand.u32 $0x7, v3  }
0x4d: {  	v3 =	vor.u32 v3, v4  }
0x4e: {  	v4 =	vperm.xlane v3, v0;
	_ =	sdelay $0x1  }
0x4f: {  	v4 =	vadd.s32 v1, v4;
	_ =	sdelay $0x3  }
0x50: {  	v3 =	vperm.xlane v3, v2  }
0x51: {  	[tilespmem:s14], [sflag:$0x2] =	stream.indirect_vreg.gather [hbm4b:s3+s4], $0x80, v4, vm0, $0xb8;
	[tilespmem:$0x1C000] =	vst v63  }
0x52: {  	v3 =	vadd.s32 v1, v3;
	s14 =	simm.s32 $0x7800  }
0x53: {  	[tilespmem:s14], [sflag:$0x2] =	stream.indirect_vreg.gather [hbm4b:s6+s4], $0x80, v4, vm0, $0xb8;
	[tilespmem:$0x1C000] =	vst v63  }
0x54: {  	s1 =	simm.s32 $0x8000  }
0x55: {  	[tilespmem:s1], [sflag:$0x2] =	stream.indirect_vreg.gather [hbm4b:s7+s4], $0x80, v4, vm0, $0xb8;
	[tilespmem:$0x1C000] =	vst v63  }
0x56: {  	s14 =	simm.s32 $0x8800  }
0x57: {  	[tilespmem:s14], [sflag:$0x2] =	stream.indirect_vreg.gather [hbm4b:s3+s4], $0x80, v3, vm0, $0xb8;
	[tilespmem:$0x1C000] =	vst v63  }
0x58: {  	s1 =	simm.s32 $0x9000  }
0x59: {  	[tilespmem:s1], [sflag:$0x2] =	stream.indirect_vreg.gather [hbm4b:s6+s4], $0x80, v3, vm0, $0xb8;
	[tilespmem:$0x1C000] =	vst v63  }
0x5a: {  	s14 =	simm.s32 $0x9800  }
0x5b: {  	[tilespmem:s14], [sflag:$0x2] =	stream.indirect_vreg.gather [hbm4b:s7+s4], $0x80, v3, vm0, $0xb8;
	[tilespmem:$0x1C000] =	vst v63  }
0x5c: {  	v3 =	vld [tilespmem:s5+$0x100];
	_ =	sdelay $0x4  }
0x5d: {  	v58 =	vshrl.u32 v3, $0x3  }
0x5e: {  	v4 =	vmul.u32 $0x30, v58  }
0x5f: {  	v3 =	vand.u32 $0x7, v3  }
0x60: {  	v3 =	vor.u32 v3, v4  }
0x61: {  	v4 =	vperm.xlane v3, v0;
	_ =	sdelay $0x1  }
0x62: {  	v4 =	vadd.s32 v1, v4;
	_ =	sdelay $0x3  }
0x63: {  	v3 =	vperm.xlane v3, v2  }
0x64: {  	[tilespmem:s2], [sflag:$0x3] =	stream.indirect_vreg.gather [hbm4b:s3+s4], $0x80, v4, vm0, $0xb8;
	[tilespmem:$0x1C000] =	vst v63  }
0x65: {  	s1 =	simm.s32 $0xA800;
	v3 =	vadd.s32 v1, v3  }
0x66: {  	[tilespmem:s1], [sflag:$0x3] =	stream.indirect_vreg.gather [hbm4b:s6+s4], $0x80, v4, vm0, $0xb8;
	[tilespmem:$0x1C000] =	vst v63  }
0x67: {  	s10 =	simm.s32 $0xB000  }
0x68: {  	[tilespmem:s10], [sflag:$0x3] =	stream.indirect_vreg.gather [hbm4b:s7+s4], $0x80, v4, vm0, $0xb8;
	[tilespmem:$0x1C000] =	vst v63  }
0x69: {  	s14 =	simm.s32 $0xB800  }
0x6a: {  	[tilespmem:s14], [sflag:$0x3] =	stream.indirect_vreg.gather [hbm4b:s3+s4], $0x80, v3, vm0, $0xb8;
	[tilespmem:$0x1C000] =	vst v63  }
0x6b: {  	s1 =	simm.s32 $0xC000  }
0x6c: {  	[tilespmem:s1], [sflag:$0x3] =	stream.indirect_vreg.gather [hbm4b:s6+s4], $0x80, v3, vm0, $0xb8;
	[tilespmem:$0x1C000] =	vst v63  }
0x6d: {  	s10 =	simm.s32 $0xC800  }
0x6e: {  	[tilespmem:s10], [sflag:$0x3] =	stream.indirect_vreg.gather [hbm4b:s7+s4], $0x80, v3, vm0, $0xb8;
	[tilespmem:$0x1C000] =	vst v63  }
0x6f: {  	v3 =	vld [tilespmem:s5+$0x180];
	_ =	sdelay $0x4  }
0x70: {  	v59 =	vshrl.u32 v3, $0x3  }
0x71: {  	v4 =	vmul.u32 $0x30, v59  }
0x72: {  	v3 =	vand.u32 $0x7, v3  }
0x73: {  	v3 =	vor.u32 v3, v4  }
0x74: {  	v4 =	vperm.xlane v3, v0;
	_ =	sdelay $0x1  }
0x75: {  	v4 =	vadd.s32 v1, v4;
	_ =	sdelay $0x3  }
0x76: {  	v3 =	vperm.xlane v3, v2  }
0x77: {  	[tilespmem:s12], [sflag:$0x4] =	stream.indirect_vreg.gather [hbm4b:s3+s4], $0x80, v4, vm0, $0xb8;
	[tilespmem:$0x1C000] =	vst v63  }
0x78: {  	v3 =	vadd.s32 v1, v3;
	s12 =	simm.s32 $0xD800  }
0x79: {  	[tilespmem:s12], [sflag:$0x4] =	stream.indirect_vreg.gather [hbm4b:s6+s4], $0x80, v4, vm0, $0xb8;
	[tilespmem:$0x1C000] =	vst v63  }
0x7a: {  	s14 =	simm.s32 $0xE000  }
0x7b: {  	[tilespmem:s14], [sflag:$0x4] =	stream.indirect_vreg.gather [hbm4b:s7+s4], $0x80, v4, vm0, $0xb8;
	[tilespmem:$0x1C000] =	vst v63  }
0x7c: {  	s1 =	simm.s32 $0xE800  }
0x7d: {  	[tilespmem:s1], [sflag:$0x4] =	stream.indirect_vreg.gather [hbm4b:s3+s4], $0x80, v3, vm0, $0xb8;
	[tilespmem:$0x1C000] =	vst v63  }
0x7e: {  	s10 =	simm.s32 $0xF000  }
0x7f: {  	[tilespmem:s10], [sflag:$0x4] =	stream.indirect_vreg.gather [hbm4b:s6+s4], $0x80, v3, vm0, $0xb8;
	[tilespmem:$0x1C000] =	vst v63  }
0x80: {  	s12 =	simm.s32 $0xF800  }
0x81: {  	[tilespmem:s12], [sflag:$0x4] =	stream.indirect_vreg.gather [hbm4b:s7+s4], $0x80, v3, vm0, $0xb8;
	[tilespmem:$0x1C000] =	vst v63  }
0x82: {  	v3 =	vld [tilespmem:s5+$0x200];
	_ =	sdelay $0x4  }
0x83: {  	v60 =	vshrl.u32 v3, $0x3  }
0x84: {  	v4 =	vmul.u32 $0x30, v60  }
0x85: {  	v3 =	vand.u32 $0x7, v3  }
0x86: {  	v3 =	vor.u32 v3, v4  }
0x87: {  	v4 =	vperm.xlane v3, v0;
	_ =	sdelay $0x1  }
0x88: {  	v4 =	vadd.s32 v1, v4;
	_ =	sdelay $0x3  }
0x89: {  	v3 =	vperm.xlane v3, v2  }
0x8a: {  	[tilespmem:s18], [sflag:$0x5] =	stream.indirect_vreg.gather [hbm4b:s3+s4], $0x80, v4, vm0, $0xb8;
	[tilespmem:$0x1C000] =	vst v63  }
0x8b: {  	s14 =	simm.s32 $0x10800;
	v3 =	vadd.s32 v1, v3  }
0x8c: {  	[tilespmem:s14], [sflag:$0x5] =	stream.indirect_vreg.gather [hbm4b:s6+s4], $0x80, v4, vm0, $0xb8;
	[tilespmem:$0x1C000] =	vst v63  }
0x8d: {  	s18 =	simm.s32 $0x11000  }
0x8e: {  	[tilespmem:s18], [sflag:$0x5] =	stream.indirect_vreg.gather [hbm4b:s7+s4], $0x80, v4, vm0, $0xb8;
	[tilespmem:$0x1C000] =	vst v63  }
0x8f: {  	s1 =	simm.s32 $0x11800  }
0x90: {  	[tilespmem:s1], [sflag:$0x5] =	stream.indirect_vreg.gather [hbm4b:s3+s4], $0x80, v3, vm0, $0xb8;
	[tilespmem:$0x1C000] =	vst v63  }
0x91: {  	s10 =	simm.s32 $0x12000  }
0x92: {  	[tilespmem:s10], [sflag:$0x5] =	stream.indirect_vreg.gather [hbm4b:s6+s4], $0x80, v3, vm0, $0xb8;
	[tilespmem:$0x1C000] =	vst v63  }
0x93: {  	s12 =	simm.s32 $0x12800  }
0x94: {  	[tilespmem:s12], [sflag:$0x5] =	stream.indirect_vreg.gather [hbm4b:s7+s4], $0x80, v3, vm0, $0xb8;
	[tilespmem:$0x1C000] =	vst v63  }
0x95: {  	v3 =	vld [tilespmem:s5+$0x280];
	_ =	sdelay $0x4  }
0x96: {  	v61 =	vshrl.u32 v3, $0x3  }
0x97: {  	v4 =	vmul.u32 $0x30, v61  }
0x98: {  	v3 =	vand.u32 $0x7, v3  }
0x99: {  	v3 =	vor.u32 v3, v4  }
0x9a: {  	v4 =	vperm.xlane v3, v0;
	_ =	sdelay $0x1  }
0x9b: {  	v4 =	vadd.s32 v1, v4;
	_ =	sdelay $0x3  }
0x9c: {  	v3 =	vperm.xlane v3, v2  }
0x9d: {  	[tilespmem:s19], [sflag:$0x6] =	stream.indirect_vreg.gather [hbm4b:s3+s4], $0x80, v4, vm0, $0xb8;
	[tilespmem:$0x1C000] =	vst v63  }
0x9e: {  	s14 =	simm.s32 $0x13800;
	v3 =	vadd.s32 v1, v3  }
0x9f: {  	[tilespmem:s14], [sflag:$0x6] =	stream.indirect_vreg.gather [hbm4b:s6+s4], $0x80, v4, vm0, $0xb8;
	[tilespmem:$0x1C000] =	vst v63  }
0xa0: {  	s18 =	simm.s32 $0x14000  }
0xa1: {  	[tilespmem:s18], [sflag:$0x6] =	stream.indirect_vreg.gather [hbm4b:s7+s4], $0x80, v4, vm0, $0xb8;
	[tilespmem:$0x1C000] =	vst v63  }
0xa2: {  	s19 =	simm.s32 $0x14800  }
0xa3: {  	[tilespmem:s19], [sflag:$0x6] =	stream.indirect_vreg.gather [hbm4b:s3+s4], $0x80, v3, vm0, $0xb8;
	[tilespmem:$0x1C000] =	vst v63  }
0xa4: {  	s1 =	simm.s32 $0x15000  }
0xa5: {  	[tilespmem:s1], [sflag:$0x6] =	stream.indirect_vreg.gather [hbm4b:s6+s4], $0x80, v3, vm0, $0xb8;
	[tilespmem:$0x1C000] =	vst v63  }
0xa6: {  	s10 =	simm.s32 $0x15800  }
0xa7: {  	[tilespmem:s10], [sflag:$0x6] =	stream.indirect_vreg.gather [hbm4b:s7+s4], $0x80, v3, vm0, $0xb8;
	[tilespmem:$0x1C000] =	vst v63  }
0xa8: {  	v3 =	vld [tilespmem:s5+$0x300];
	_ =	sdelay $0x4  }
0xa9: {  	v62 =	vshrl.u32 v3, $0x3  }
0xaa: {  	v4 =	vmul.u32 $0x30, v62  }
0xab: {  	v3 =	vand.u32 $0x7, v3  }
0xac: {  	v3 =	vor.u32 v3, v4  }
0xad: {  	v4 =	vperm.xlane v3, v0;
	_ =	sdelay $0x1  }
0xae: {  	v4 =	vadd.s32 v1, v4;
	_ =	sdelay $0x3  }
0xaf: {  	s1 =	simm.s32 $0x16000;
	v3 =	vperm.xlane v3, v2  }
0xb0: {  	[tilespmem:s1], [sflag:$0x7] =	stream.indirect_vreg.gather [hbm4b:s3+s4], $0x80, v4, vm0, $0xb8;
	[tilespmem:$0x1C000] =	vst v63  }
0xb1: {  	s12 =	simm.s32 $0x16800;
	v3 =	vadd.s32 v1, v3  }
0xb2: {  	[tilespmem:s12], [sflag:$0x7] =	stream.indirect_vreg.gather [hbm4b:s6+s4], $0x80, v4, vm0, $0xb8;
	[tilespmem:$0x1C000] =	vst v63  }
0xb3: {  	s14 =	simm.s32 $0x17000  }
0xb4: {  	[tilespmem:s14], [sflag:$0x7] =	stream.indirect_vreg.gather [hbm4b:s7+s4], $0x80, v4, vm0, $0xb8;
	[tilespmem:$0x1C000] =	vst v63  }
0xb5: {  	s18 =	simm.s32 $0x17800  }
0xb6: {  	[tilespmem:s18], [sflag:$0x7] =	stream.indirect_vreg.gather [hbm4b:s3+s4], $0x80, v3, vm0, $0xb8;
	[tilespmem:$0x1C000] =	vst v63  }
0xb7: {  	s19 =	simm.s32 $0x18000  }
0xb8: {  	[tilespmem:s19], [sflag:$0x7] =	stream.indirect_vreg.gather [hbm4b:s6+s4], $0x80, v3, vm0, $0xb8;
	[tilespmem:$0x1C000] =	vst v63  }
0xb9: {  	s10 =	rddreg [dreg:$0x5];
	s5 =	simm.s32 $0x18800  }
0xba: {  	[tilespmem:s5], [sflag:$0x7] =	stream.indirect_vreg.gather [hbm4b:s7+s4], $0x80, v3, vm0, $0xb8;
	[tilespmem:$0x1C000] =	vst v63  }
0xbb: {  	v3 =	vld [tilespmem:s10+$0x0];
	_ =	sdelay $0x4  }
0xbc: {  	v63 =	vshrl.u32 v3, $0x3  }
0xbd: {  	v4 =	vmul.u32 $0x30, v63  }
0xbe: {  	v3 =	vand.u32 $0x7, v3  }
0xbf: {  	v3 =	vor.u32 v3, v4  }
0xc0: {  	v4 =	vperm.xlane v3, v0;
	_ =	sdelay $0x1  }
0xc1: {  	v4 =	vadd.s32 v1, v4;
	_ =	sdelay $0x3  }
0xc2: {  	v3 =	vperm.xlane v3, v2  }
0xc3: {  	[tilespmem:s15], [sflag:$0x8] =	stream.indirect_vreg.gather [hbm4b:s3+s4], $0x80, v4, vm0, $0xb8;
	[tilespmem:$0x1C000] =	vst v63  }
0xc4: {  	s12 =	simm.s32 $0x19800;
	v3 =	vadd.s32 v1, v3  }
0xc5: {  	[tilespmem:s12], [sflag:$0x8] =	stream.indirect_vreg.gather [hbm4b:s6+s4], $0x80, v4, vm0, $0xb8;
	[tilespmem:$0x1C000] =	vst v63  }
0xc6: {  	s14 =	simm.s32 $0x1A000  }
0xc7: {  	[tilespmem:s14], [sflag:$0x8] =	stream.indirect_vreg.gather [hbm4b:s7+s4], $0x80, v4, vm0, $0xb8;
	[tilespmem:$0x1C000] =	vst v63  }
0xc8: {  	s2 =	simm.s32 $0xA000;
	s18 =	simm.s32 $0x1B000;
	s15 =	simm.s32 $0x1A800  }
0xc9: {  	[tilespmem:s15], [sflag:$0x8] =	stream.indirect_vreg.gather [hbm4b:s3+s4], $0x80, v3, vm0, $0xb8;
	[tilespmem:$0x1C000] =	vst v63  }
0xca: {  	s19 =	simm.s32 $0x1B800;
	s5 =	rddreg [dreg:$0x8];
	s12 =	simm.s32 $0xD000  }
0xcb: {  	[tilespmem:s18], [sflag:$0x8] =	stream.indirect_vreg.gather [hbm4b:s6+s4], $0x80, v3, vm0, $0xb8;
	[tilespmem:$0x1C000] =	vst v63  }
0xcc: {  	s14 =	simm.s32 $0x0;
	s15 =	simm.s32 $0x19000;
	s18 =	simm.s32 $0x10000  }
0xcd: {  	[tilespmem:s19], [sflag:$0x8] =	stream.indirect_vreg.gather [hbm4b:s7+s4], $0x80, v3, vm0, $0xb8;
	[tilespmem:$0x1C000] =	vst v63  }
.LBB2_2:
0xce: {  	s10 =	simm.s32 $0x1  }
0xcf: {  	_ =	swait.ge [sflag:s10], $0x3000  }
0xd0: {  	[sflag:s10] =	ssyncset.done $0x0;
	s19 =	rddreg [dreg:$0x7]  }
0xd1: {  	[sflag:s10] =	ssyncadd.s32 $0xFFFFD000;
	s10 =	sadd.s32 s14, s19  }
0xd2: {  	[hbm4b:s10+s4] =	stream.linear.scatter [tilespmem:s13], [sflag:$0x9], $0x3000, $0x38;
	[tilespmem:$0x1C000] =	vst v63  }
0xd3: {  	_ =	swait.ge [sflag:s16], $0x3000  }
0xd4: {  	[sflag:s16] =	ssyncset.done $0x0  }
0xd5: {  	s13 =	sadd.s32 $0xC000, s10;
	[sflag:s16] =	ssyncadd.s32 $0xFFFFD000  }
0xd6: {  	[hbm4b:s13+s4] =	stream.linear.scatter [tilespmem:s25], [sflag:$0xA], $0x3000, $0x38;
	[tilespmem:$0x1C000] =	vst v63  }
0xd7: {  	_ =	swait.ge [sflag:s17], $0x3000  }
0xd8: {  	[sflag:s17] =	ssyncset.done $0x0  }
0xd9: {  	s13 =	sadd.s32 $0x18000, s10;
	[sflag:s17] =	ssyncadd.s32 $0xFFFFD000  }
0xda: {  	[hbm4b:s13+s4] =	stream.linear.scatter [tilespmem:s2], [sflag:$0xB], $0x3000, $0x38;
	[tilespmem:$0x1C000] =	vst v63  }
0xdb: {  	_ =	swait.ge [sflag:s20], $0x3000  }
0xdc: {  	[sflag:s20] =	ssyncset.done $0x0  }
0xdd: {  	s13 =	sadd.s32 $0x24000, s10;
	[sflag:s20] =	ssyncadd.s32 $0xFFFFD000  }
0xde: {  	[hbm4b:s13+s4] =	stream.linear.scatter [tilespmem:s12], [sflag:$0xC], $0x3000, $0x38;
	[tilespmem:$0x1C000] =	vst v63  }
0xdf: {  	_ =	swait.ge [sflag:s21], $0x3000  }
0xe0: {  	[sflag:s21] =	ssyncset.done $0x0  }
0xe1: {  	s13 =	sadd.s32 $0x30000, s10;
	[sflag:s21] =	ssyncadd.s32 $0xFFFFD000  }
0xe2: {  	[hbm4b:s13+s4] =	stream.linear.scatter [tilespmem:s18], [sflag:$0xD], $0x3000, $0x38;
	[tilespmem:$0x1C000] =	vst v63  }
0xe3: {  	_ =	swait.ge [sflag:s22], $0x3000  }
0xe4: {  	[sflag:s22] =	ssyncset.done $0x0  }
0xe5: {  	s13 =	sadd.s32 $0x3C000, s10;
	[sflag:s22] =	ssyncadd.s32 $0xFFFFD000  }
0xe6: {  	[hbm4b:s13+s4] =	stream.linear.scatter [tilespmem:s26], [sflag:$0xE], $0x3000, $0x38;
	[tilespmem:$0x1C000] =	vst v63  }
0xe7: {  	_ =	swait.ge [sflag:s23], $0x3000  }
0xe8: {  	[sflag:s23] =	ssyncset.done $0x0  }
0xe9: {  	s13 =	sadd.s32 $0x48000, s10;
	[sflag:s23] =	ssyncadd.s32 $0xFFFFD000  }
0xea: {  	[hbm4b:s13+s4] =	stream.linear.scatter [tilespmem:s1], [sflag:$0xF], $0x3000, $0x38;
	[tilespmem:$0x1C000] =	vst v63  }
0xeb: {  	_ =	swait.ge [sflag:s24], $0x3000  }
0xec: {  	p0 =	seq.s32 s14, $0x120000;
	[sflag:s24] =	ssyncset.done $0x0  }
.Ltmp2:
0xed: {  	s10 =	sadd.s32 $0x54000, s10;
	[sflag:s24] =	ssyncadd.s32 $0xFFFFD000;
	(pc) =	sbr.rel @p0 .LBB2_4-.Ltmp2, $4  }
0xee: {  	[hbm4b:s10+s4] =	stream.linear.scatter [tilespmem:s15], [sflag:$0x10], $0x3000, $0x38;
	[tilespmem:$0x1C000] =	vst v63  }
0xef: {  	_ =	swait.ge [sflag:s28], $0x3000  }
0xf0: {  	[sflag:s28] =	ssyncset.done $0x0  }
0xf1: {  	s19 =	simm.s32 $0x4000;
	s13 =	simm.s32 $0x16000;
	[sflag:s28] =	ssyncadd.s32 $0xFFFFD000  }
0xf2: {  	v3 =	vld [tilespmem:s5+$0xFFFFFC80];
	_ =	sdelay $0x4  }
0xf3: {  	v4 =	vshrl.u32 v3, $0x3  }
0xf4: {  	v4 =	vmul.u32 $0x30, v4  }
0xf5: {  	v3 =	vand.u32 $0x7, v3  }
0xf6: {  	v3 =	vor.u32 v3, v4  }
0xf7: {  	v4 =	vperm.xlane v3, v0;
	_ =	sdelay $0x1  }
0xf8: {  	v4 =	vadd.s32 v1, v4;
	_ =	sdelay $0x3  }
0xf9: {  	v3 =	vperm.xlane v3, v2  }
0xfa: {  	[tilespmem:s19], [sflag:$0x1] =	stream.indirect_vreg.gather [hbm4b:s3+s4], $0x80, v4, vm0, $0xb8;
	[tilespmem:$0x1C000] =	vst v63  }
0xfb: {  	s10 =	simm.s32 $0x4800;
	v3 =	vadd.s32 v1, v3  }
0xfc: {  	[tilespmem:s10], [sflag:$0x1] =	stream.indirect_vreg.gather [hbm4b:s6+s4], $0x80, v4, vm0, $0xb8;
	[tilespmem:$0x1C000] =	vst v63  }
0xfd: {  	s1 =	simm.s32 $0x5000  }
0xfe: {  	[tilespmem:s1], [sflag:$0x1] =	stream.indirect_vreg.gather [hbm4b:s7+s4], $0x80, v4, vm0, $0xb8;
	[tilespmem:$0x1C000] =	vst v63  }
0xff: {  	s19 =	simm.s32 $0x5800  }
0x100: {  	[tilespmem:s19], [sflag:$0x1] =	stream.indirect_vreg.gather [hbm4b:s3+s4], $0x80, v3, vm0, $0xb8;
	[tilespmem:$0x1C000] =	vst v63  }
0x101: {  	s1 =	simm.s32 $0x6000  }
0x102: {  	[tilespmem:s1], [sflag:$0x1] =	stream.indirect_vreg.gather [hbm4b:s6+s4], $0x80, v3, vm0, $0xb8;
	[tilespmem:$0x1C000] =	vst v63  }
0x103: {  	s19 =	simm.s32 $0x6800  }
0x104: {  	[tilespmem:s19], [sflag:$0x1] =	stream.indirect_vreg.gather [hbm4b:s7+s4], $0x80, v3, vm0, $0xb8;
	[tilespmem:$0x1C000] =	vst v63  }
0x105: {  	_ =	swait.ge [sflag:s29], $0x3000  }
0x106: {  	[sflag:s29] =	ssyncset.done $0x0  }
0x107: {  	[sflag:s29] =	ssyncadd.s32 $0xFFFFD000  }
0x108: {  	v3 =	vld [tilespmem:s5+$0xFFFFFD00];
	_ =	sdelay $0x4  }
0x109: {  	v57 =	vshrl.u32 v3, $0x3  }
0x10a: {  	v4 =	vmul.u32 $0x30, v57  }
0x10b: {  	v3 =	vand.u32 $0x7, v3  }
0x10c: {  	v3 =	vor.u32 v3, v4  }
0x10d: {  	v4 =	vperm.xlane v3, v0;
	_ =	sdelay $0x1  }
0x10e: {  	v4 =	vadd.s32 v1, v4;
	_ =	sdelay $0x3  }
0x10f: {  	v3 =	vperm.xlane v3, v2  }
0x110: {  	[tilespmem:s25], [sflag:$0x2] =	stream.indirect_vreg.gather [hbm4b:s3+s4], $0x80, v4, vm0, $0xb8;
	[tilespmem:$0x1C000] =	vst v63  }
0x111: {  	s1 =	simm.s32 $0x7800;
	v3 =	vadd.s32 v1, v3  }
0x112: {  	[tilespmem:s1], [sflag:$0x2] =	stream.indirect_vreg.gather [hbm4b:s6+s4], $0x80, v4, vm0, $0xb8;
	[tilespmem:$0x1C000] =	vst v63  }
0x113: {  	s19 =	simm.s32 $0x8000  }
0x114: {  	[tilespmem:s19], [sflag:$0x2] =	stream.indirect_vreg.gather [hbm4b:s7+s4], $0x80, v4, vm0, $0xb8;
	[tilespmem:$0x1C000] =	vst v63  }
0x115: {  	s1 =	simm.s32 $0x8800  }
0x116: {  	[tilespmem:s1], [sflag:$0x2] =	stream.indirect_vreg.gather [hbm4b:s3+s4], $0x80, v3, vm0, $0xb8;
	[tilespmem:$0x1C000] =	vst v63  }
0x117: {  	s19 =	simm.s32 $0x9000  }
0x118: {  	[tilespmem:s19], [sflag:$0x2] =	stream.indirect_vreg.gather [hbm4b:s6+s4], $0x80, v3, vm0, $0xb8;
	[tilespmem:$0x1C000] =	vst v63  }
0x119: {  	s1 =	simm.s32 $0x9800  }
0x11a: {  	[tilespmem:s1], [sflag:$0x2] =	stream.indirect_vreg.gather [hbm4b:s7+s4], $0x80, v3, vm0, $0xb8;
	[tilespmem:$0x1C000] =	vst v63  }
0x11b: {  	_ =	swait.ge [sflag:s30], $0x3000  }
0x11c: {  	[sflag:s30] =	ssyncset.done $0x0  }
0x11d: {  	[sflag:s30] =	ssyncadd.s32 $0xFFFFD000  }
0x11e: {  	v3 =	vld [tilespmem:s5+$0xFFFFFD80];
	_ =	sdelay $0x4  }
0x11f: {  	v58 =	vshrl.u32 v3, $0x3  }
0x120: {  	v4 =	vmul.u32 $0x30, v58  }
0x121: {  	v3 =	vand.u32 $0x7, v3  }
0x122: {  	v3 =	vor.u32 v3, v4  }
0x123: {  	v4 =	vperm.xlane v3, v0;
	_ =	sdelay $0x1  }
0x124: {  	v4 =	vadd.s32 v1, v4;
	_ =	sdelay $0x3  }
0x125: {  	v3 =	vperm.xlane v3, v2  }
0x126: {  	[tilespmem:s2], [sflag:$0x3] =	stream.indirect_vreg.gather [hbm4b:s3+s4], $0x80, v4, vm0, $0xb8;
	[tilespmem:$0x1C000] =	vst v63  }
0x127: {  	s19 =	simm.s32 $0xA800;
	v3 =	vadd.s32 v1, v3  }
0x128: {  	[tilespmem:s19], [sflag:$0x3] =	stream.indirect_vreg.gather [hbm4b:s6+s4], $0x80, v4, vm0, $0xb8;
	[tilespmem:$0x1C000] =	vst v63  }
0x129: {  	s1 =	simm.s32 $0xB000  }
0x12a: {  	[tilespmem:s1], [sflag:$0x3] =	stream.indirect_vreg.gather [hbm4b:s7+s4], $0x80, v4, vm0, $0xb8;
	[tilespmem:$0x1C000] =	vst v63  }
0x12b: {  	s19 =	simm.s32 $0xB800  }
0x12c: {  	[tilespmem:s19], [sflag:$0x3] =	stream.indirect_vreg.gather [hbm4b:s3+s4], $0x80, v3, vm0, $0xb8;
	[tilespmem:$0x1C000] =	vst v63  }
0x12d: {  	s1 =	simm.s32 $0xC000  }
0x12e: {  	[tilespmem:s1], [sflag:$0x3] =	stream.indirect_vreg.gather [hbm4b:s6+s4], $0x80, v3, vm0, $0xb8;
	[tilespmem:$0x1C000] =	vst v63  }
0x12f: {  	s19 =	simm.s32 $0xC800  }
0x130: {  	[tilespmem:s19], [sflag:$0x3] =	stream.indirect_vreg.gather [hbm4b:s7+s4], $0x80, v3, vm0, $0xb8;
	[tilespmem:$0x1C000] =	vst v63  }
0x131: {  	_ =	swait.ge [sflag:s31], $0x3000  }
0x132: {  	[sflag:s31] =	ssyncset.done $0x0  }
0x133: {  	[sflag:s31] =	ssyncadd.s32 $0xFFFFD000  }
0x134: {  	v3 =	vld [tilespmem:s5+$0xFFFFFE00];
	_ =	sdelay $0x4  }
0x135: {  	v59 =	vshrl.u32 v3, $0x3  }
0x136: {  	v4 =	vmul.u32 $0x30, v59  }
0x137: {  	v3 =	vand.u32 $0x7, v3  }
0x138: {  	v3 =	vor.u32 v3, v4  }
0x139: {  	v4 =	vperm.xlane v3, v0;
	_ =	sdelay $0x1  }
0x13a: {  	v4 =	vadd.s32 v1, v4;
	_ =	sdelay $0x3  }
0x13b: {  	v3 =	vperm.xlane v3, v2  }
0x13c: {  	[tilespmem:s12], [sflag:$0x4] =	stream.indirect_vreg.gather [hbm4b:s3+s4], $0x80, v4, vm0, $0xb8;
	[tilespmem:$0x1C000] =	vst v63  }
0x13d: {  	s1 =	simm.s32 $0xD800;
	v3 =	vadd.s32 v1, v3  }
0x13e: {  	[tilespmem:s1], [sflag:$0x4] =	stream.indirect_vreg.gather [hbm4b:s6+s4], $0x80, v4, vm0, $0xb8;
	[tilespmem:$0x1C000] =	vst v63  }
0x13f: {  	s19 =	simm.s32 $0xE000  }
0x140: {  	[tilespmem:s19], [sflag:$0x4] =	stream.indirect_vreg.gather [hbm4b:s7+s4], $0x80, v4, vm0, $0xb8;
	[tilespmem:$0x1C000] =	vst v63  }
0x141: {  	s1 =	simm.s32 $0xE800  }
0x142: {  	[tilespmem:s1], [sflag:$0x4] =	stream.indirect_vreg.gather [hbm4b:s3+s4], $0x80, v3, vm0, $0xb8;
	[tilespmem:$0x1C000] =	vst v63  }
0x143: {  	s19 =	simm.s32 $0xF000  }
0x144: {  	[tilespmem:s19], [sflag:$0x4] =	stream.indirect_vreg.gather [hbm4b:s6+s4], $0x80, v3, vm0, $0xb8;
	[tilespmem:$0x1C000] =	vst v63  }
0x145: {  	s1 =	simm.s32 $0xF800  }
0x146: {  	[tilespmem:s1], [sflag:$0x4] =	stream.indirect_vreg.gather [hbm4b:s7+s4], $0x80, v3, vm0, $0xb8;
	[tilespmem:$0x1C000] =	vst v63  }
0x147: {  	_ =	swait.ge [sflag:s0], $0x3000  }
0x148: {  	[sflag:s0] =	ssyncset.done $0x0  }
0x149: {  	[sflag:s0] =	ssyncadd.s32 $0xFFFFD000  }
0x14a: {  	v3 =	vld [tilespmem:s5+$0xFFFFFE80];
	_ =	sdelay $0x4  }
0x14b: {  	v60 =	vshrl.u32 v3, $0x3  }
0x14c: {  	v4 =	vmul.u32 $0x30, v60  }
0x14d: {  	v3 =	vand.u32 $0x7, v3  }
0x14e: {  	v3 =	vor.u32 v3, v4  }
0x14f: {  	v4 =	vperm.xlane v3, v0;
	_ =	sdelay $0x1  }
0x150: {  	v4 =	vadd.s32 v1, v4;
	_ =	sdelay $0x3  }
0x151: {  	v3 =	vperm.xlane v3, v2  }
0x152: {  	[tilespmem:s18], [sflag:$0x5] =	stream.indirect_vreg.gather [hbm4b:s3+s4], $0x80, v4, vm0, $0xb8;
	[tilespmem:$0x1C000] =	vst v63  }
0x153: {  	s19 =	simm.s32 $0x10800;
	v3 =	vadd.s32 v1, v3  }
0x154: {  	[tilespmem:s19], [sflag:$0x5] =	stream.indirect_vreg.gather [hbm4b:s6+s4], $0x80, v4, vm0, $0xb8;
	[tilespmem:$0x1C000] =	vst v63  }
0x155: {  	s1 =	simm.s32 $0x11000  }
0x156: {  	[tilespmem:s1], [sflag:$0x5] =	stream.indirect_vreg.gather [hbm4b:s7+s4], $0x80, v4, vm0, $0xb8;
	[tilespmem:$0x1C000] =	vst v63  }
0x157: {  	s19 =	simm.s32 $0x11800  }
0x158: {  	[tilespmem:s19], [sflag:$0x5] =	stream.indirect_vreg.gather [hbm4b:s3+s4], $0x80, v3, vm0, $0xb8;
	[tilespmem:$0x1C000] =	vst v63  }
0x159: {  	s1 =	simm.s32 $0x12000  }
0x15a: {  	[tilespmem:s1], [sflag:$0x5] =	stream.indirect_vreg.gather [hbm4b:s6+s4], $0x80, v3, vm0, $0xb8;
	[tilespmem:$0x1C000] =	vst v63  }
0x15b: {  	s19 =	simm.s32 $0x12800  }
0x15c: {  	[tilespmem:s19], [sflag:$0x5] =	stream.indirect_vreg.gather [hbm4b:s7+s4], $0x80, v3, vm0, $0xb8;
	[tilespmem:$0x1C000] =	vst v63  }
0x15d: {  	_ =	swait.ge [sflag:s8], $0x3000  }
0x15e: {  	[sflag:s8] =	ssyncset.done $0x0  }
0x15f: {  	[sflag:s8] =	ssyncadd.s32 $0xFFFFD000  }
0x160: {  	v3 =	vld [tilespmem:s5+$0xFFFFFF00];
	_ =	sdelay $0x4  }
0x161: {  	v61 =	vshrl.u32 v3, $0x3  }
0x162: {  	v4 =	vmul.u32 $0x30, v61  }
0x163: {  	v3 =	vand.u32 $0x7, v3  }
0x164: {  	v3 =	vor.u32 v3, v4  }
0x165: {  	v4 =	vperm.xlane v3, v0;
	_ =	sdelay $0x1  }
0x166: {  	v4 =	vadd.s32 v1, v4;
	_ =	sdelay $0x3  }
0x167: {  	v3 =	vperm.xlane v3, v2  }
0x168: {  	[tilespmem:s26], [sflag:$0x6] =	stream.indirect_vreg.gather [hbm4b:s3+s4], $0x80, v4, vm0, $0xb8;
	[tilespmem:$0x1C000] =	vst v63  }
0x169: {  	s1 =	simm.s32 $0x13800;
	v3 =	vadd.s32 v1, v3  }
0x16a: {  	[tilespmem:s1], [sflag:$0x6] =	stream.indirect_vreg.gather [hbm4b:s6+s4], $0x80, v4, vm0, $0xb8;
	[tilespmem:$0x1C000] =	vst v63  }
0x16b: {  	s19 =	simm.s32 $0x14000  }
0x16c: {  	[tilespmem:s19], [sflag:$0x6] =	stream.indirect_vreg.gather [hbm4b:s7+s4], $0x80, v4, vm0, $0xb8;
	[tilespmem:$0x1C000] =	vst v63  }
0x16d: {  	s1 =	simm.s32 $0x14800  }
0x16e: {  	[tilespmem:s1], [sflag:$0x6] =	stream.indirect_vreg.gather [hbm4b:s3+s4], $0x80, v3, vm0, $0xb8;
	[tilespmem:$0x1C000] =	vst v63  }
0x16f: {  	s19 =	simm.s32 $0x15000  }
0x170: {  	[tilespmem:s19], [sflag:$0x6] =	stream.indirect_vreg.gather [hbm4b:s6+s4], $0x80, v3, vm0, $0xb8;
	[tilespmem:$0x1C000] =	vst v63  }
0x171: {  	s1 =	simm.s32 $0x15800  }
0x172: {  	[tilespmem:s1], [sflag:$0x6] =	stream.indirect_vreg.gather [hbm4b:s7+s4], $0x80, v3, vm0, $0xb8;
	[tilespmem:$0x1C000] =	vst v63  }
0x173: {  	_ =	swait.ge [sflag:s9], $0x3000  }
0x174: {  	[sflag:s9] =	ssyncset.done $0x0  }
0x175: {  	[sflag:s9] =	ssyncadd.s32 $0xFFFFD000  }
0x176: {  	v3 =	vld [tilespmem:s5+$0xFFFFFF80];
	_ =	sdelay $0x4  }
0x177: {  	v62 =	vshrl.u32 v3, $0x3  }
0x178: {  	v4 =	vmul.u32 $0x30, v62  }
0x179: {  	v3 =	vand.u32 $0x7, v3  }
0x17a: {  	v3 =	vor.u32 v3, v4  }
0x17b: {  	v4 =	vperm.xlane v3, v0;
	_ =	sdelay $0x1  }
0x17c: {  	v4 =	vadd.s32 v1, v4;
	_ =	sdelay $0x3  }
0x17d: {  	v3 =	vperm.xlane v3, v2  }
0x17e: {  	[tilespmem:s13], [sflag:$0x7] =	stream.indirect_vreg.gather [hbm4b:s3+s4], $0x80, v4, vm0, $0xb8;
	[tilespmem:$0x1C000] =	vst v63  }
0x17f: {  	s1 =	simm.s32 $0x16800;
	v3 =	vadd.s32 v1, v3  }
0x180: {  	[tilespmem:s1], [sflag:$0x7] =	stream.indirect_vreg.gather [hbm4b:s6+s4], $0x80, v4, vm0, $0xb8;
	[tilespmem:$0x1C000] =	vst v63  }
0x181: {  	s10 =	simm.s32 $0x17000  }
0x182: {  	[tilespmem:s10], [sflag:$0x7] =	stream.indirect_vreg.gather [hbm4b:s7+s4], $0x80, v4, vm0, $0xb8;
	[tilespmem:$0x1C000] =	vst v63  }
0x183: {  	s13 =	simm.s32 $0x17800  }
0x184: {  	[tilespmem:s13], [sflag:$0x7] =	stream.indirect_vreg.gather [hbm4b:s3+s4], $0x80, v3, vm0, $0xb8;
	[tilespmem:$0x1C000] =	vst v63  }
0x185: {  	s19 =	simm.s32 $0x18000  }
0x186: {  	[tilespmem:s19], [sflag:$0x7] =	stream.indirect_vreg.gather [hbm4b:s6+s4], $0x80, v3, vm0, $0xb8;
	[tilespmem:$0x1C000] =	vst v63  }
0x187: {  	s10 =	simm.s32 $0x18800  }
0x188: {  	[tilespmem:s10], [sflag:$0x7] =	stream.indirect_vreg.gather [hbm4b:s7+s4], $0x80, v3, vm0, $0xb8;
	[tilespmem:$0x1C000] =	vst v63  }
0x189: {  	_ =	swait.ge [sflag:s11], $0x3000  }
0x18a: {  	[sflag:s11] =	ssyncset.done $0x0  }
0x18b: {  	[sflag:s11] =	ssyncadd.s32 $0xFFFFD000  }
0x18c: {  	v3 =	vld [tilespmem:s5+$0x0];
	_ =	sdelay $0x4  }
0x18d: {  	v63 =	vshrl.u32 v3, $0x3  }
0x18e: {  	v4 =	vmul.u32 $0x30, v63  }
0x18f: {  	v3 =	vand.u32 $0x7, v3  }
0x190: {  	v3 =	vor.u32 v3, v4  }
0x191: {  	v4 =	vperm.xlane v3, v0;
	_ =	sdelay $0x1  }
0x192: {  	v4 =	vadd.s32 v1, v4;
	_ =	sdelay $0x3  }
0x193: {  	v3 =	vperm.xlane v3, v2  }
0x194: {  	[tilespmem:s15], [sflag:$0x8] =	stream.indirect_vreg.gather [hbm4b:s3+s4], $0x80, v4, vm0, $0xb8;
	[tilespmem:$0x1C000] =	vst v63  }
0x195: {  	s13 =	simm.s32 $0x19800;
	v3 =	vadd.s32 v1, v3  }
0x196: {  	[tilespmem:s13], [sflag:$0x8] =	stream.indirect_vreg.gather [hbm4b:s6+s4], $0x80, v4, vm0, $0xb8;
	[tilespmem:$0x1C000] =	vst v63  }
0x197: {  	s19 =	simm.s32 $0x1A000  }
0x198: {  	[tilespmem:s19], [sflag:$0x8] =	stream.indirect_vreg.gather [hbm4b:s7+s4], $0x80, v4, vm0, $0xb8;
	[tilespmem:$0x1C000] =	vst v63  }
0x199: {  	s10 =	simm.s32 $0x1A800  }
0x19a: {  	[tilespmem:s10], [sflag:$0x8] =	stream.indirect_vreg.gather [hbm4b:s3+s4], $0x80, v3, vm0, $0xb8;
	[tilespmem:$0x1C000] =	vst v63  }
.Ltmp3:
0x19b: {  	_ = 	snop;
	(pc) =	sbr.rel .LBB2_2-.Ltmp3, $4  }
0x19c: {  	s14 =	sadd.s32 $0x60000, s14;
	s1 =	simm.s32 $0x16000;
	s13 =	simm.s32 $0x1B000  }
0x19d: {  	[tilespmem:s13], [sflag:$0x8] =	stream.indirect_vreg.gather [hbm4b:s6+s4], $0x80, v3, vm0, $0xb8;
	[tilespmem:$0x1C000] =	vst v63  }
0x19e: {  	s5 =	sadd.s32 $0x1000, s5;
	s19 =	simm.s32 $0x1B800;
	s13 =	simm.s32 $0x4000  }
0x19f: {  	[tilespmem:s19], [sflag:$0x8] =	stream.indirect_vreg.gather [hbm4b:s7+s4], $0x80, v3, vm0, $0xb8;
	[tilespmem:$0x1C000] =	vst v63  }
.LBB2_5:
0x1a0: {  	_ =	sfence.sel $0x180000  }
0x1a1: {  	[bflag:$0x0] =	sbarrier.arrive $0xFFFF  }
0x1a2: {  	_ =	strace $0x90000047  }
0x1a3: {  	s0 =	stileid.u32;
	[bflag:$0x2] =	sbarrier.arrive $0xFFFF  }
0x1a4: {  	p0 =	sne.s32 s0, $0x0;
	s0 =	rddreg [dreg:$0x3]  }
0x1a5: {  	s0 =	sadd.s32 @!p0 $0x100000, s0  }
0x1a6: {  	[sflag:s0] =	ssyncadd.tile.s32 @!p0 $0x1;
	_ =	shalt  }
.Lfunc_end2:
_tile_overlayer_lowered:
.L_overlay_start_2:
0x1a7: {  	(tag) =	ssettag $0x2  }
0x1a8: {  	s0 =	rddreg [dreg:$0x0];
	s2 =	stileid.u32  }
0x1a9: {  	s1 =	rddreg [dreg:$0x1];
	p0 =	sne.s32 s2, $0x0  }
0x1aa: {  	s3 =	rddreg [dreg:$0x2];
	[bflag:$0x3] =	sbarrier.arrive $0xFFFF;
	s2 =	simm.s32 @!p0 $0x1C11  }
0x1ab: {  	[timem:s3], [sflag:s2] =	dma.local @!p0 [hbm:s0], s1  }
0x1ac: {  	s0 =	simm.s32 @!p0 $0x11  }
0x1ad: {  	_ =	swait.ge @!p0 [sflag:s0], s1  }
0x1ae: {  	s1 =	ssub.s32 @!p0 $0x0, s1;
	[sflag:s0] =	ssyncset.done @!p0 $0x0  }
0x1af: {  	[sflag:s0] =	ssyncadd.s32 @!p0 s1  }
0x1b0: {  	[bflag:$0x3] =	sbarrier.arrive $0xFFFF  }
0x1b1: {  	_ =	shalt  }

// kernel: kernel.9.cloned.1.call-start
scs
__scs_entry_jumppad:
0x0: {  	(pc) =	sbr.rel $0x88, $3  }
0x1: {  	(tag) =	ssettag $0x0;
	lr =	simm.s32 $0x1  }
0x2: {  	[smem:$0x3F9C] =	sst lr;
	_ =	strace $0xD0000000  }
0x3: {  	_ = 	snop  }
0x4: {  	_ = 	snop  }
0x5: {  	_ = 	snop  }
0x6: {  	_ = 	snop  }
0x7: {  	_ = 	snop  }
__scs_overlays_trampoline_lowered:
0x8: {  	[smem:$0x3FAB] =	sst s0  }
0x9: {  	[smem:$0x3FAC] =	sst s1  }
0xa: {  	[smem:$0x3FAD] =	sst s2  }
0xb: {  	[smem:$0x3FAE] =	sst s3  }
0xc: {  	[smem:$0x3FAF] =	sst s4  }
0xd: {  	[smem:$0x3FB0] =	sst s5  }
0xe: {  	[smem:$0x3FB1] =	sst s6  }
0xf: {  	[smem:$0x3FB2] =	sst s7  }
0x10: {  	[smem:$0x3FB3] =	sst s8  }
0x11: {  	[smem:$0x3FB4] =	sst s9;
	s0 =	simm.s32 @!p0 $0x0  }
0x12: {  	s1 =	sld [smem:$0x3F9A];
	s0 =	simm.s32 @p0 $0x1  }
0x13: {  	[smem:$0x3FB5] =	sst s0;
	s0 =	simm.s32 @!p1 $0x0  }
0x14: {  	s2 =	sld [smem:$0x3F99];
	s0 =	simm.s32 @p1 $0x1  }
0x15: {  	[smem:$0x3FB6] =	sst s0;
	s0 =	simm.s32 @!p2 $0x0  }
0x16: {  	s3 =	sld [smem:$0x3FDB];
	s0 =	simm.s32 @p2 $0x1  }
0x17: {  	s4 =	simm.s32 $0x1BF5;
	[smem:$0x3FB8] =	sst s0  }
0x18: {  	s0 =	sld [smem:$0x3F9B];
	_ =	swait.ge [sflag:s4], $0x0  }
0x19: {  	s7 =	sld [smem:$0x3F9C]  }
0x1a: {  	s8 =	sadd.s32 $0xFFFFE003, lr  }
0x1b: {  	s9 =	sadd.s32 $0xFFFFFEF7, lr;
	s5 =	simm.s32 $0xFFFFFFFF;
	p2 =	slt.u32 s8, $0xFFFFF086  }
0x1c: {  	p1 =	slt.u32 s9, $0xF7A;
	s5 =	simm.s32 @!p2 $0x0  }
0x1d: {  	s5 =	simm.s32 @p1 $0x1;
	p0 =	seq.s32 s7, s2  }
0x1e: {  	s7 =	smul.u32 @!p0 $0xF7A, s2;
	p2 =	seq.s32 @!p0 s5, $0x0  }
0x1f: {  	s9 =	smul.u32 $0xF7A, s1;
	s8 =	simm.s32 @!p0 $0x1BF5;
	p2 =	por !p2, p0  }
0x20: {  	[sflag:s8] =	ssyncset.s32 @!p0 $0xFFFFF086;
	s6 =	sadd.s32 @!p0 s3, s7;
	s7 =	simm.s32 @!p0 $0x108  }
0x21: {  	s3 =	sadd.s32 s3, s9;
	s6 =	sadd.s32 @!p0 $0x88, s6;
	s7 =	simm.s32 @p2 $0x1082  }
0x22: {  	[simem:s7], [sflag:s8] =	dma.local @!p0 [hbm:s6], $0xF7A  }
0x23: {  	s9 =	sor.u32 $0xD0000000, s2;
	s6 =	simm.s32 $0x108;
	_ =	swait.ge @!p0 [sflag:s8], $0x0  }
0x24: {  	s3 =	sadd.s32 $0x88, s3;
	s6 =	simm.s32 @!p1 $0x1082;
	[sflag:s4] =	ssyncset.s32 $0xFFFFF086  }
0x25: {  	[simem:s6], [sflag:s4] =	dma.local [hbm:s3], $0xF7A  }
0x26: {  	[smem:$0x3F9C] =	sst s1;
	(tag) =	ssettag s2;
	_ =	strace s9  }
0x27: {  	s1 =	sld [smem:$0x3FAC]  }
0x28: {  	s2 =	sld [smem:$0x3FAD]  }
0x29: {  	s4 =	sld [smem:$0x3FAF]  }
0x2a: {  	p0 =	seq.s32 s5, $0x0;
	s5 =	sld [smem:$0x3FB0]  }
0x2b: {  	s6 =	sld [smem:$0x3FB1]  }
0x2c: {  	s7 =	sld [smem:$0x3FB2]  }
0x2d: {  	s3 =	simm.s32 $0x108;
	s8 =	sld [smem:$0x3FB3]  }
0x2e: {  	s3 =	simm.s32 @!p0 $0x1082;
	s9 =	sld [smem:$0x3FB4]  }
0x2f: {  	lr =	sadd.s32 s0, s3;
	s0 =	sld [smem:$0x3FAB]  }
0x30: {  	s3 =	sld [smem:$0x3FAE]  }
0x31: {  	[smem:$0x3FB7] =	sst s10  }
0x32: {  	s10 =	sld [smem:$0x3FB5];
	_ =	sdelay $0x3  }
0x33: {  	p0 =	seq.s32 s10, $0x1;
	s10 =	sld [smem:$0x3FB7];
	_ =	sdelay $0x3  }
0x34: {  	[smem:$0x3FB7] =	sst s10  }
0x35: {  	s10 =	sld [smem:$0x3FB6];
	_ =	sdelay $0x3  }
0x36: {  	p1 =	seq.s32 s10, $0x1;
	s10 =	sld [smem:$0x3FB7];
	_ =	sdelay $0x3  }
0x37: {  	[smem:$0x3FB7] =	sst s10  }
0x38: {  	s10 =	sld [smem:$0x3FB8]  }
0x39: {  	_ = 	snop;
	(pc) =	sbr.ind lr, $3  }
0x3a: {  	_ = 	snop  }
0x3b: {  	_ = 	snop  }
0x3c: {  	p2 =	seq.s32 s10, $0x1;
	s10 =	sld [smem:$0x3FB7]  }
0x3d: {  	_ =	shalt  }
0x3e: {  	_ =	shalt  }
0x3f: {  	_ =	shalt  }
0x40: {  	_ =	shalt  }
0x41: {  	_ =	shalt  }
0x42: {  	_ =	shalt  }
0x43: {  	_ =	shalt  }
0x44: {  	_ =	shalt  }
0x45: {  	_ =	shalt  }
0x46: {  	_ =	shalt  }
0x47: {  	_ =	shalt  }
0x48: {  	_ =	shalt  }
0x49: {  	_ =	shalt  }
0x4a: {  	_ =	shalt  }
0x4b: {  	_ =	shalt  }
0x4c: {  	_ =	shalt  }
0x4d: {  	_ =	shalt  }
0x4e: {  	_ =	shalt  }
0x4f: {  	_ =	shalt  }
0x50: {  	_ =	shalt  }
0x51: {  	_ =	shalt  }
0x52: {  	_ =	shalt  }
0x53: {  	_ =	shalt  }
0x54: {  	_ =	shalt  }
0x55: {  	_ =	shalt  }
0x56: {  	_ =	shalt  }
0x57: {  	_ =	shalt  }
0x58: {  	_ =	shalt  }
0x59: {  	_ =	shalt  }
0x5a: {  	_ =	shalt  }
0x5b: {  	_ =	shalt  }
0x5c: {  	_ =	shalt  }
0x5d: {  	_ =	shalt  }
0x5e: {  	_ =	shalt  }
0x5f: {  	_ =	shalt  }
0x60: {  	_ =	shalt  }
0x61: {  	_ =	shalt  }
0x62: {  	_ =	shalt  }
0x63: {  	_ =	shalt  }
0x64: {  	_ =	shalt  }
0x65: {  	_ =	shalt  }
0x66: {  	_ =	shalt  }
0x67: {  	_ =	shalt  }
0x68: {  	_ =	shalt  }
0x69: {  	_ =	shalt  }
0x6a: {  	_ =	shalt  }
0x6b: {  	_ =	shalt  }
0x6c: {  	_ =	shalt  }
0x6d: {  	_ =	shalt  }
0x6e: {  	_ =	shalt  }
0x6f: {  	_ =	shalt  }
0x70: {  	_ =	shalt  }
0x71: {  	_ =	shalt  }
0x72: {  	_ =	shalt  }
0x73: {  	_ =	shalt  }
0x74: {  	_ =	shalt  }
0x75: {  	_ =	shalt  }
0x76: {  	_ =	shalt  }
0x77: {  	_ =	shalt  }
0x78: {  	_ =	shalt  }
0x79: {  	_ =	shalt  }
0x7a: {  	_ =	shalt  }
0x7b: {  	_ =	shalt  }
0x7c: {  	_ =	shalt  }
0x7d: {  	_ =	shalt  }
0x7e: {  	_ =	shalt  }
0x7f: {  	_ =	shalt  }
0x80: {  	_ =	shalt  }
0x81: {  	_ =	shalt  }
0x82: {  	_ =	shalt  }
0x83: {  	_ =	shalt  }
0x84: {  	_ =	shalt  }
0x85: {  	_ =	shalt  }
0x86: {  	_ =	shalt  }
0x87: {  	_ =	shalt  }
.Lfunc_end0:
.L_simem_size_0:
called_computation.1_lowered:
.L_overlay_start_0:
0x88: {  	s2 =	sld [smem:$0x3FD9]  }
0x89: {  	s3 =	sld [smem:$0x3FFE];
	_ =	sdelay $0x1  }
0x8a: {  	s1 =	srdreg.scid  }
0x8b: {  	s0 =	sand.u32 $0x1, s1  }
0x8c: {  	s17 =	sshll.u32 s0, $0xA;
	s2 =	sadd.s32 s3, s2  }
0x8d: {  	s2 =	sadd.s32 s2, s17  }
0x8e: {  	[smem:$0x3FC3] =	sst s2  }
0x8f: {  	_ = 	snop  }
0x90: {  	s18 =	sld [smem:$0x3FC9]  }
0x91: {  	s4 =	sld [smem:$0x3FC8];
	(tm) =	ssettm $0x1  }
0x92: {  	s19 =	sld [smem:$0x3FFB];
	_ =	sdelay $0x3  }
0x93: {  	_ =	strace s19  }
0x94: {  	s2 =	sld [smem:$0x3FFC];
	_ =	sdelay $0x3  }
0x95: {  	_ =	strace s2  }
0x96: {  	s2 =	sld [smem:$0x3FFD];
	_ =	sdelay $0x3  }
0x97: {  	_ =	strace s2  }
0x98: {  	_ =	strace $0x8FFFFFFF  }
0x99: {  	s20 =	sld [smem:$0x3FDB];
	_ =	sdelay $0x1  }
0x9a: {  	s5 =	simm.s32 $_scs_section_size  }
0x9b: {  	s6 =	simm.s32 $_size__tile_overlayer_lowered;
	s7 =	simm.s32 $_tile_overlayer_lowered  }
0x9c: {  	s8 =	simm.s32 $0x1BFF;
	s21 =	sshll.u32 s7, $0x1;
	s5 =	sadd.s32 s5, s20  }
0x9d: {  	s22 =	simm.s32 $0x0;
	s6 =	sshll.u32 s6, $0x1;
	s7 =	sadd.s32 s21, s5  }
0x9e: {  	[timem:s22], [sflag:s8] =	dma.local [hbm:s7], s6  }
0x9f: {  	_ =	swait.ge [sflag:s8], s6  }
0xa0: {  	s6 =	ssub.s32 $0x0, s6;
	[sflag:s8] =	ssyncset.done $0x0  }
0xa1: {  	[sflag:s8] =	ssyncadd.s32 s6;
	_ =	sdelay $0x1  }
0xa2: {  	s23 =	simm.s32 $0x1B8B  }
0xa3: {  	_ =	swait.ge [sflag:s23], $0x1  }
0xa4: {  	[sflag:s23] =	ssyncset.done $0x0  }
0xa5: {  	[sflag:s23] =	ssyncadd.s32 $0xFFFFFFFF  }
0xa6: {  	s6 =	sld [smem:$0x0]  }
0xa7: {  	s7 =	sand.u32 $0xFFFFFFFE, s1  }
0xa8: {  	p0 =	sne.s32 s1, s7  }
0xa9: {  	s7 =	sshll.u32 @p0 s7, $0xE  }
0xaa: {  	s7 =	sadd.s32 @p0 $0x11B8D, s7;
	s8 =	sshll.u32 @p0 s6, $0x11  }
0xab: {  	s7 =	sor.u32 @p0 s8, s7  }
0xac: {  	[sflag:s7] =	ssyncadd.remote.s32 @p0 $0x1;
	_ =	sdelay $0x1  }
0xad: {  	s7 =	simm.s32 @p0 $0x1B8D  }
0xae: {  	_ =	swait.eq @p0 [sflag:s7], $0x1  }
0xaf: {  	[sflag:s7] =	ssyncadd.s32 @p0 $0xFFFFFFFF  }
0xb0: {  	s8 =	sshll.u32 @!p0 s1, $0xE  }
0xb1: {  	s8 =	sor.u32 @!p0 $0x4000, s8;
	s7 =	simm.s32 @!p0 $0x1B8D  }
0xb2: {  	s6 =	sshll.u32 @!p0 s6, $0x11;
	s8 =	sadd.s32 @!p0 $0x11B8D, s8;
	_ =	swait.eq @!p0 [sflag:s7], $0x1  }
0xb3: {  	s6 =	sor.u32 @!p0 s6, s8;
	[sflag:s7] =	ssyncadd.s32 @!p0 $0xFFFFFFFF  }
0xb4: {  	s25 =	simm.s32 $0x1B8E;
	s24 =	sld [smem:$0x3FFE];
	[sflag:s6] =	ssyncadd.remote.s32 @!p0 $0x1  }
0xb5: {  	s26 =	simm.s32 $execute0_lowered;
	[smem:$0x3FD2] =	sst s25  }
0xb6: {  	s7 =	sshll.u32 s26, $0x1;
	_ =	strace $0x80000049;
	[dreg:$0x1] =	wrdreg $0xFFFFFFFF  }
0xb7: {  	s28 =	simm.s32 $_size_execute0_lowered;
	s5 =	sadd.s32 s5, s7;
	[dreg:$0x0] =	wrdreg $0x0  }
0xb8: {  	s7 =	sshll.u32 s28, $0x1;
	[dreg:$0x2] =	wrdreg s5  }
0xb9: {  	[dreg:$0x3] =	wrdreg s7  }
0xba: {  	[dreg:$0x4] =	wrdreg $0xC0  }
0xbb: {  	_ =	task [dreg:s22], $0x5FFFF  }
0xbc: {  	[dreg:$0x1] =	wrdreg $0xFFFFFFFF  }
0xbd: {  	[dreg:$0x0] =	wrdreg $0x60  }
0xbe: {  	[dreg:$0x2] =	wrdreg s18  }
0xbf: {  	[dreg:$0x3] =	wrdreg s4  }
0xc0: {  	[dreg:$0x4] =	wrdreg s24  }
0xc1: {  	[dreg:$0x5] =	wrdreg $0xA  }
0xc2: {  	_ =	task.clear_ibuf [dreg:s22], $0x6FFFF;
	_ =	strace $0x90000049  }
0xc3: {  	s29 =	simm.s32 $0xA;
	_ =	strace $0x8000004B  }
0xc4: {  	_ =	swait.ge [sflag:s29], $0x1  }
0xc5: {  	[sflag:s29] =	ssyncadd.s32 $0xFFFFFFFF  }
0xc6: {  	_ =	strace $0x9000004B  }
0xc7: {  	_ =	sfence  }
0xc8: {  	s30 =	sld [smem:$0x0];
	_ =	sdelay $0x2  }
0xc9: {  	s31 =	sshll.u32 s1, $0xD;
	s1 =	sshrl.u32 s1, $0x2  }
0xca: {  	s4 =	sand.u32 $0x4000, s31;
	s1 =	sadd.s32 s1, s30  }
0xcb: {  	s0 =	sor.u32 s4, s0;
	s1 =	sshll.u32 s1, $0x11  }
0xcc: {  	s0 =	sor.u32 s1, s0  }
0xcd: {  	s0 =	sadd.s32 $0x8F2B, s0  }
0xce: {  	[sflag:s0] =	ssyncadd.remote.s32 $0x1  }
0xcf: {  	_ =	sfence.sel $0xFFFF  }
0xd0: {  	[dreg:$0x0] =	wrdreg $0xFFFFFFFF;
	(pc) =	sbr.abs _section_cstart, $3  }
0xd1: {  	[dreg:$0x1] =	wrdreg $0xFFFFFFFF  }
0xd2: {  	_ =	task.clear_ibuf [dreg:s22], $0x2FFFF;
	_ =	strace $0x9FFFFFFF  }
0xd3: {  	(tm) =	ssettm $0x7FFFFFFF  }
tec
execute0_lowered:
.L_overlay_start_1:
0x0: {  	(tag) =	ssettag $0x1  }
0x1: {  	s1 =	rddreg [dreg:$0x0]  }
0x2: {  	s0 =	srdreg.scid;
	s2 =	rddreg [dreg:$0x1]  }
0x3: {  	s8 =	stileid.u32;
	s5 =	rddreg [dreg:$0x2]  }
0x4: {  	s13 =	simm.s32 $0x4000;
	s14 =	simm.s32 $0x7000;
	s12 =	simm.s32 $0xD000  }
0x5: {  	s18 =	simm.s32 $0x10000;
	s19 =	simm.s32 $0x13000;
	s15 =	simm.s32 $0x19000  }
0x6: {  	s16 =	simm.s32 $0x2;
	s17 =	simm.s32 $0x3;
	s20 =	simm.s32 $0x4  }
0x7: {  	s28 =	simm.s32 $0x9;
	s29 =	simm.s32 $0xA;
	s30 =	simm.s32 $0xB  }
0x8: {  	s31 =	simm.s32 $0xC;
	s9 =	simm.s32 $0xF;
	s11 =	simm.s32 $0x10  }
0x9: {  	s0 =	sand.u32 $0x1, s0;
	s3 =	sshll.u32 s8, $0x5;
	s1 =	sadd.s32 $0x800, s1  }
0xa: {  	s8 =	sshll.u32 s8, $0x8;
	s4 =	sshll.u32 s0, $0x4;
	s0 =	ssub.s32 $0x2, s0  }
0xb: {  	s4 =	sor.u32 s4, s3;
	s3 =	simm.s32 $0x0;
	s21 =	sshrl.u32 s0, $0x1  }
0xc: {  	s6 =	sshrl.u32 s4, $0x3;
	[smem:$0x7FF] =	sst s3;
	s7 =	sshll.u32 s4, $0x3  }
0xd: {  	s0 =	ssub.s32 s0, s21;
	s24 =	sor.u32 s4, s8;
	s21 =	simm.s32 $0x5  }
0xe: {  	s8 =	simm.s32 $0xE;
	s6 =	smul.u32 $0x300, s6;
	_ =	strace $0x8000004A  }
0xf: {  	[dreg:$0x4] =	wrdreg s1;
	s22 =	sor.u32 s7, s4;
	s7 =	sadd.s32 $0x200, s2  }
0x10: {  	s0 =	smax.u32 s0, $0x1;
	s26 =	sor.u32 $0x1380, s24;
	s24 =	simm.s32 $0x8  }
0x11: {  	s4 =	simm.s32 $0x0;
	s23 =	sand.u32 $0xC70, s22;
	[dreg:$0x7] =	wrdreg s0  }
.Ltmp0:
0x12: {  	s1 =	sor.u32 $0x380, s22;
	[dreg:$0x9] =	wrdreg s26;
	(pc) =	sbr.rel .LBB2_1-.Ltmp0, $4  }
0x13: {  	s22 =	simm.s32 $0x6;
	s0 =	simm.s32 $0xD;
	s26 =	simm.s32 $0x13000  }
0x14: {  	v2 =	vlaneseq.u32;
	s5 =	sadd.s32 s6, s5;
	[dreg:$0x5] =	wrdreg s23;
	s6 =	sadd.s32 $0x100, s2  }
0x15: {  	vm0 =	vmmov $0xffff;
	v1 =	vshrl.u32 v2, $0x3;
	[dreg:$0x6] =	wrdreg s1;
	s1 =	simm.s32 $0xA000;
	s25 =	sadd.s32 $0x180E00, s5  }
0x16: {  	v0 =	vand.u32 $0x7, v2;
	v2 =	vor.u32 $0x8, v2;
	v1 =	vmul.u32 $0x8, v1;
	s23 =	simm.s32 $0x7;
	[dreg:$0x8] =	wrdreg s25;
	s25 =	simm.s32 $0x7000  }
.LBB2_4:
0x17: {  	_ =	swait.ge [sflag:s29], $0x3000  }
0x18: {  	[sflag:s29] =	ssyncset.done $0x0  }
0x19: {  	[sflag:s29] =	ssyncadd.s32 $0xFFFFD000  }
0x1a: {  	_ =	swait.ge [sflag:s30], $0x3000  }
0x1b: {  	[sflag:s30] =	ssyncset.done $0x0  }
0x1c: {  	[sflag:s30] =	ssyncadd.s32 $0xFFFFD000  }
0x1d: {  	_ =	swait.ge [sflag:s31], $0x3000  }
0x1e: {  	[sflag:s31] =	ssyncset.done $0x0  }
0x1f: {  	[sflag:s31] =	ssyncadd.s32 $0xFFFFD000  }
0x20: {  	_ =	swait.ge [sflag:s0], $0x3000  }
0x21: {  	[sflag:s0] =	ssyncset.done $0x0  }
0x22: {  	[sflag:s0] =	ssyncadd.s32 $0xFFFFD000  }
0x23: {  	_ =	swait.ge [sflag:s8], $0x3000  }
0x24: {  	[sflag:s8] =	ssyncset.done $0x0  }
0x25: {  	[sflag:s8] =	ssyncadd.s32 $0xFFFFD000  }
0x26: {  	_ =	swait.ge [sflag:s9], $0x3000  }
0x27: {  	[sflag:s9] =	ssyncset.done $0x0  }
0x28: {  	[sflag:s9] =	ssyncadd.s32 $0xFFFFD000  }
0x29: {  	_ =	swait.ge [sflag:s11], $0x3000  }
0x2a: {  	s4 =	rddreg [dreg:$0xa]  }
0x2b: {  	s5 =	rddreg [dreg:$0x7];
	s4 =	sadd.s32 $0x1, s4  }
0x2c: {  	p0 =	sne.s32 s4, s5  }
.Ltmp1:
0x2d: {  	_ = 	snop;
	(pc) =	sbr.rel @!p0 .LBB2_5-.Ltmp1, $4  }
0x2e: {  	_ = 	snop  }
0x2f: {  	s13 =	simm.s32 $0x4000;
	s14 =	simm.s32 $0x7000;
	s1 =	simm.s32 $0xA000  }
0x30: {  	s12 =	simm.s32 $0xD000;
	s18 =	simm.s32 $0x10000;
	[sflag:s11] =	ssyncset.done $0x0  }
0x31: {  	s19 =	simm.s32 $0x13000;
	s15 =	simm.s32 $0x19000;
	[sflag:s11] =	ssyncadd.s32 $0xFFFFD000  }
.LBB2_1:
0x32: {  	[dreg:$0xa] =	wrdreg s4  }
0x33: {  	s5 =	rddreg [dreg:$0x4];
	s10 =	simm.s32 $0x11  }
0x34: {  	[tilespmem:s3], [sflag:$0x11] =	stream.linear.gather [hbm4b:s5+s3], $0x4000, $0x38;
	[tilespmem:$0x1C000] =	vst v63  }
0x35: {  	_ =	swait.ge [sflag:s10], $0x4000  }
0x36: {  	[sflag:s10] =	ssyncset.done $0x0  }
0x37: {  	s5 =	rddreg [dreg:$0x5];
	[sflag:s10] =	ssyncadd.s32 $0xFFFFC000  }
0x38: {  	v3 =	vld [tilespmem:s5+$0x0];
	_ =	sdelay $0x4  }
0x39: {  	v4 =	vshrl.u32 v3, $0x3  }
0x3a: {  	v4 =	vmul.u32 $0x30, v4  }
0x3b: {  	v3 =	vand.u32 $0x7, v3  }
0x3c: {  	v3 =	vor.u32 v3, v4  }
0x3d: {  	v4 =	vperm.xlane v3, v0;
	_ =	sdelay $0x1  }
0x3e: {  	v4 =	vadd.s32 v1, v4;
	_ =	sdelay $0x3  }
0x3f: {  	v3 =	vperm.xlane v3, v2  }
0x40: {  	[tilespmem:s13], [sflag:$0x1] =	stream.indirect_vreg.gather [hbm4b:s2+s3], $0x80, v4, vm0, $0xb8;
	[tilespmem:$0x1C000] =	vst v63  }
0x41: {  	s10 =	simm.s32 $0x4800;
	v3 =	vadd.s32 v1, v3  }
0x42: {  	[tilespmem:s10], [sflag:$0x1] =	stream.indirect_vreg.gather [hbm4b:s6+s3], $0x80, v4, vm0, $0xb8;
	[tilespmem:$0x1C000] =	vst v63  }
0x43: {  	s4 =	simm.s32 $0x5000  }
0x44: {  	[tilespmem:s4], [sflag:$0x1] =	stream.indirect_vreg.gather [hbm4b:s7+s3], $0x80, v4, vm0, $0xb8;
	[tilespmem:$0x1C000] =	vst v63  }
0x45: {  	s4 =	simm.s32 $0x5800  }
0x46: {  	[tilespmem:s4], [sflag:$0x1] =	stream.indirect_vreg.gather [hbm4b:s2+s3], $0x80, v3, vm0, $0xb8;
	[tilespmem:$0x1C000] =	vst v63  }
0x47: {  	s4 =	simm.s32 $0x6000  }
0x48: {  	[tilespmem:s4], [sflag:$0x1] =	stream.indirect_vreg.gather [hbm4b:s6+s3], $0x80, v3, vm0, $0xb8;
	[tilespmem:$0x1C000] =	vst v63  }
0x49: {  	s4 =	simm.s32 $0x6800  }
0x4a: {  	[tilespmem:s4], [sflag:$0x1] =	stream.indirect_vreg.gather [hbm4b:s7+s3], $0x80, v3, vm0, $0xb8;
	[tilespmem:$0x1C000] =	vst v63  }
0x4b: {  	v3 =	vld [tilespmem:s5+$0x80];
	_ =	sdelay $0x4  }
0x4c: {  	v57 =	vshrl.u32 v3, $0x3  }
0x4d: {  	v4 =	vmul.u32 $0x30, v57  }
0x4e: {  	v3 =	vand.u32 $0x7, v3  }
0x4f: {  	v3 =	vor.u32 v3, v4  }
0x50: {  	v4 =	vperm.xlane v3, v0;
	_ =	sdelay $0x1  }
0x51: {  	v4 =	vadd.s32 v1, v4;
	_ =	sdelay $0x3  }
0x52: {  	v3 =	vperm.xlane v3, v2  }
0x53: {  	[tilespmem:s14], [sflag:$0x2] =	stream.indirect_vreg.gather [hbm4b:s2+s3], $0x80, v4, vm0, $0xb8;
	[tilespmem:$0x1C000] =	vst v63  }
0x54: {  	v3 =	vadd.s32 v1, v3;
	s14 =	simm.s32 $0x7800  }
0x55: {  	[tilespmem:s14], [sflag:$0x2] =	stream.indirect_vreg.gather [hbm4b:s6+s3], $0x80, v4, vm0, $0xb8;
	[tilespmem:$0x1C000] =	vst v63  }
0x56: {  	s4 =	simm.s32 $0x8000  }
0x57: {  	[tilespmem:s4], [sflag:$0x2] =	stream.indirect_vreg.gather [hbm4b:s7+s3], $0x80, v4, vm0, $0xb8;
	[tilespmem:$0x1C000] =	vst v63  }
0x58: {  	s14 =	simm.s32 $0x8800  }
0x59: {  	[tilespmem:s14], [sflag:$0x2] =	stream.indirect_vreg.gather [hbm4b:s2+s3], $0x80, v3, vm0, $0xb8;
	[tilespmem:$0x1C000] =	vst v63  }
0x5a: {  	s4 =	simm.s32 $0x9000  }
0x5b: {  	[tilespmem:s4], [sflag:$0x2] =	stream.indirect_vreg.gather [hbm4b:s6+s3], $0x80, v3, vm0, $0xb8;
	[tilespmem:$0x1C000] =	vst v63  }
0x5c: {  	s14 =	simm.s32 $0x9800  }
0x5d: {  	[tilespmem:s14], [sflag:$0x2] =	stream.indirect_vreg.gather [hbm4b:s7+s3], $0x80, v3, vm0, $0xb8;
	[tilespmem:$0x1C000] =	vst v63  }
0x5e: {  	v3 =	vld [tilespmem:s5+$0x100];
	_ =	sdelay $0x4  }
0x5f: {  	v58 =	vshrl.u32 v3, $0x3  }
0x60: {  	v4 =	vmul.u32 $0x30, v58  }
0x61: {  	v3 =	vand.u32 $0x7, v3  }
0x62: {  	v3 =	vor.u32 v3, v4  }
0x63: {  	v4 =	vperm.xlane v3, v0;
	_ =	sdelay $0x1  }
0x64: {  	v4 =	vadd.s32 v1, v4;
	_ =	sdelay $0x3  }
0x65: {  	v3 =	vperm.xlane v3, v2  }
0x66: {  	[tilespmem:s1], [sflag:$0x3] =	stream.indirect_vreg.gather [hbm4b:s2+s3], $0x80, v4, vm0, $0xb8;
	[tilespmem:$0x1C000] =	vst v63  }
0x67: {  	s4 =	simm.s32 $0xA800;
	v3 =	vadd.s32 v1, v3  }
0x68: {  	[tilespmem:s4], [sflag:$0x3] =	stream.indirect_vreg.gather [hbm4b:s6+s3], $0x80, v4, vm0, $0xb8;
	[tilespmem:$0x1C000] =	vst v63  }
0x69: {  	s10 =	simm.s32 $0xB000  }
0x6a: {  	[tilespmem:s10], [sflag:$0x3] =	stream.indirect_vreg.gather [hbm4b:s7+s3], $0x80, v4, vm0, $0xb8;
	[tilespmem:$0x1C000] =	vst v63  }
0x6b: {  	s14 =	simm.s32 $0xB800  }
0x6c: {  	[tilespmem:s14], [sflag:$0x3] =	stream.indirect_vreg.gather [hbm4b:s2+s3], $0x80, v3, vm0, $0xb8;
	[tilespmem:$0x1C000] =	vst v63  }
0x6d: {  	s4 =	simm.s32 $0xC000  }
0x6e: {  	[tilespmem:s4], [sflag:$0x3] =	stream.indirect_vreg.gather [hbm4b:s6+s3], $0x80, v3, vm0, $0xb8;
	[tilespmem:$0x1C000] =	vst v63  }
0x6f: {  	s10 =	simm.s32 $0xC800  }
0x70: {  	[tilespmem:s10], [sflag:$0x3] =	stream.indirect_vreg.gather [hbm4b:s7+s3], $0x80, v3, vm0, $0xb8;
	[tilespmem:$0x1C000] =	vst v63  }
0x71: {  	v3 =	vld [tilespmem:s5+$0x180];
	_ =	sdelay $0x4  }
0x72: {  	v59 =	vshrl.u32 v3, $0x3  }
0x73: {  	v4 =	vmul.u32 $0x30, v59  }
0x74: {  	v3 =	vand.u32 $0x7, v3  }
0x75: {  	v3 =	vor.u32 v3, v4  }
0x76: {  	v4 =	vperm.xlane v3, v0;
	_ =	sdelay $0x1  }
0x77: {  	v4 =	vadd.s32 v1, v4;
	_ =	sdelay $0x3  }
0x78: {  	v3 =	vperm.xlane v3, v2  }
0x79: {  	[tilespmem:s12], [sflag:$0x4] =	stream.indirect_vreg.gather [hbm4b:s2+s3], $0x80, v4, vm0, $0xb8;
	[tilespmem:$0x1C000] =	vst v63  }
0x7a: {  	v3 =	vadd.s32 v1, v3;
	s12 =	simm.s32 $0xD800  }
0x7b: {  	[tilespmem:s12], [sflag:$0x4] =	stream.indirect_vreg.gather [hbm4b:s6+s3], $0x80, v4, vm0, $0xb8;
	[tilespmem:$0x1C000] =	vst v63  }
0x7c: {  	s14 =	simm.s32 $0xE000  }
0x7d: {  	[tilespmem:s14], [sflag:$0x4] =	stream.indirect_vreg.gather [hbm4b:s7+s3], $0x80, v4, vm0, $0xb8;
	[tilespmem:$0x1C000] =	vst v63  }
0x7e: {  	s4 =	simm.s32 $0xE800  }
0x7f: {  	[tilespmem:s4], [sflag:$0x4] =	stream.indirect_vreg.gather [hbm4b:s2+s3], $0x80, v3, vm0, $0xb8;
	[tilespmem:$0x1C000] =	vst v63  }
0x80: {  	s10 =	simm.s32 $0xF000  }
0x81: {  	[tilespmem:s10], [sflag:$0x4] =	stream.indirect_vreg.gather [hbm4b:s6+s3], $0x80, v3, vm0, $0xb8;
	[tilespmem:$0x1C000] =	vst v63  }
0x82: {  	s12 =	simm.s32 $0xF800  }
0x83: {  	[tilespmem:s12], [sflag:$0x4] =	stream.indirect_vreg.gather [hbm4b:s7+s3], $0x80, v3, vm0, $0xb8;
	[tilespmem:$0x1C000] =	vst v63  }
0x84: {  	v3 =	vld [tilespmem:s5+$0x200];
	_ =	sdelay $0x4  }
0x85: {  	v60 =	vshrl.u32 v3, $0x3  }
0x86: {  	v4 =	vmul.u32 $0x30, v60  }
0x87: {  	v3 =	vand.u32 $0x7, v3  }
0x88: {  	v3 =	vor.u32 v3, v4  }
0x89: {  	v4 =	vperm.xlane v3, v0;
	_ =	sdelay $0x1  }
0x8a: {  	v4 =	vadd.s32 v1, v4;
	_ =	sdelay $0x3  }
0x8b: {  	v3 =	vperm.xlane v3, v2  }
0x8c: {  	[tilespmem:s18], [sflag:$0x5] =	stream.indirect_vreg.gather [hbm4b:s2+s3], $0x80, v4, vm0, $0xb8;
	[tilespmem:$0x1C000] =	vst v63  }
0x8d: {  	s14 =	simm.s32 $0x10800;
	v3 =	vadd.s32 v1, v3  }
0x8e: {  	[tilespmem:s14], [sflag:$0x5] =	stream.indirect_vreg.gather [hbm4b:s6+s3], $0x80, v4, vm0, $0xb8;
	[tilespmem:$0x1C000] =	vst v63  }
0x8f: {  	s18 =	simm.s32 $0x11000  }
0x90: {  	[tilespmem:s18], [sflag:$0x5] =	stream.indirect_vreg.gather [hbm4b:s7+s3], $0x80, v4, vm0, $0xb8;
	[tilespmem:$0x1C000] =	vst v63  }
0x91: {  	s4 =	simm.s32 $0x11800  }
0x92: {  	[tilespmem:s4], [sflag:$0x5] =	stream.indirect_vreg.gather [hbm4b:s2+s3], $0x80, v3, vm0, $0xb8;
	[tilespmem:$0x1C000] =	vst v63  }
0x93: {  	s10 =	simm.s32 $0x12000  }
0x94: {  	[tilespmem:s10], [sflag:$0x5] =	stream.indirect_vreg.gather [hbm4b:s6+s3], $0x80, v3, vm0, $0xb8;
	[tilespmem:$0x1C000] =	vst v63  }
0x95: {  	s12 =	simm.s32 $0x12800  }
0x96: {  	[tilespmem:s12], [sflag:$0x5] =	stream.indirect_vreg.gather [hbm4b:s7+s3], $0x80, v3, vm0, $0xb8;
	[tilespmem:$0x1C000] =	vst v63  }
0x97: {  	v3 =	vld [tilespmem:s5+$0x280];
	_ =	sdelay $0x4  }
0x98: {  	v61 =	vshrl.u32 v3, $0x3  }
0x99: {  	v4 =	vmul.u32 $0x30, v61  }
0x9a: {  	v3 =	vand.u32 $0x7, v3  }
0x9b: {  	v3 =	vor.u32 v3, v4  }
0x9c: {  	v4 =	vperm.xlane v3, v0;
	_ =	sdelay $0x1  }
0x9d: {  	v4 =	vadd.s32 v1, v4;
	_ =	sdelay $0x3  }
0x9e: {  	v3 =	vperm.xlane v3, v2  }
0x9f: {  	[tilespmem:s19], [sflag:$0x6] =	stream.indirect_vreg.gather [hbm4b:s2+s3], $0x80, v4, vm0, $0xb8;
	[tilespmem:$0x1C000] =	vst v63  }
0xa0: {  	s14 =	simm.s32 $0x13800;
	v3 =	vadd.s32 v1, v3  }
0xa1: {  	[tilespmem:s14], [sflag:$0x6] =	stream.indirect_vreg.gather [hbm4b:s6+s3], $0x80, v4, vm0, $0xb8;
	[tilespmem:$0x1C000] =	vst v63  }
0xa2: {  	s18 =	simm.s32 $0x14000  }
0xa3: {  	[tilespmem:s18], [sflag:$0x6] =	stream.indirect_vreg.gather [hbm4b:s7+s3], $0x80, v4, vm0, $0xb8;
	[tilespmem:$0x1C000] =	vst v63  }
0xa4: {  	s19 =	simm.s32 $0x14800  }
0xa5: {  	[tilespmem:s19], [sflag:$0x6] =	stream.indirect_vreg.gather [hbm4b:s2+s3], $0x80, v3, vm0, $0xb8;
	[tilespmem:$0x1C000] =	vst v63  }
0xa6: {  	s4 =	simm.s32 $0x15000  }
0xa7: {  	[tilespmem:s4], [sflag:$0x6] =	stream.indirect_vreg.gather [hbm4b:s6+s3], $0x80, v3, vm0, $0xb8;
	[tilespmem:$0x1C000] =	vst v63  }
0xa8: {  	s10 =	simm.s32 $0x15800  }
0xa9: {  	[tilespmem:s10], [sflag:$0x6] =	stream.indirect_vreg.gather [hbm4b:s7+s3], $0x80, v3, vm0, $0xb8;
	[tilespmem:$0x1C000] =	vst v63  }
0xaa: {  	v3 =	vld [tilespmem:s5+$0x300];
	_ =	sdelay $0x4  }
0xab: {  	v62 =	vshrl.u32 v3, $0x3  }
0xac: {  	v4 =	vmul.u32 $0x30, v62  }
0xad: {  	v3 =	vand.u32 $0x7, v3  }
0xae: {  	v3 =	vor.u32 v3, v4  }
0xaf: {  	v4 =	vperm.xlane v3, v0;
	_ =	sdelay $0x1  }
0xb0: {  	v4 =	vadd.s32 v1, v4;
	_ =	sdelay $0x3  }
0xb1: {  	s4 =	simm.s32 $0x16000;
	v3 =	vperm.xlane v3, v2  }
0xb2: {  	[tilespmem:s4], [sflag:$0x7] =	stream.indirect_vreg.gather [hbm4b:s2+s3], $0x80, v4, vm0, $0xb8;
	[tilespmem:$0x1C000] =	vst v63  }
0xb3: {  	s12 =	simm.s32 $0x16800;
	v3 =	vadd.s32 v1, v3  }
0xb4: {  	[tilespmem:s12], [sflag:$0x7] =	stream.indirect_vreg.gather [hbm4b:s6+s3], $0x80, v4, vm0, $0xb8;
	[tilespmem:$0x1C000] =	vst v63  }
0xb5: {  	s14 =	simm.s32 $0x17000  }
0xb6: {  	[tilespmem:s14], [sflag:$0x7] =	stream.indirect_vreg.gather [hbm4b:s7+s3], $0x80, v4, vm0, $0xb8;
	[tilespmem:$0x1C000] =	vst v63  }
0xb7: {  	s18 =	simm.s32 $0x17800  }
0xb8: {  	[tilespmem:s18], [sflag:$0x7] =	stream.indirect_vreg.gather [hbm4b:s2+s3], $0x80, v3, vm0, $0xb8;
	[tilespmem:$0x1C000] =	vst v63  }
0xb9: {  	s19 =	simm.s32 $0x18000  }
0xba: {  	[tilespmem:s19], [sflag:$0x7] =	stream.indirect_vreg.gather [hbm4b:s6+s3], $0x80, v3, vm0, $0xb8;
	[tilespmem:$0x1C000] =	vst v63  }
0xbb: {  	s10 =	rddreg [dreg:$0x6];
	s5 =	simm.s32 $0x18800  }
0xbc: {  	[tilespmem:s5], [sflag:$0x7] =	stream.indirect_vreg.gather [hbm4b:s7+s3], $0x80, v3, vm0, $0xb8;
	[tilespmem:$0x1C000] =	vst v63  }
0xbd: {  	v3 =	vld [tilespmem:s10+$0x0];
	_ =	sdelay $0x4  }
0xbe: {  	v63 =	vshrl.u32 v3, $0x3  }
0xbf: {  	v4 =	vmul.u32 $0x30, v63  }
0xc0: {  	v3 =	vand.u32 $0x7, v3  }
0xc1: {  	v3 =	vor.u32 v3, v4  }
0xc2: {  	v4 =	vperm.xlane v3, v0;
	_ =	sdelay $0x1  }
0xc3: {  	v4 =	vadd.s32 v1, v4;
	_ =	sdelay $0x3  }
0xc4: {  	v3 =	vperm.xlane v3, v2  }
0xc5: {  	[tilespmem:s15], [sflag:$0x8] =	stream.indirect_vreg.gather [hbm4b:s2+s3], $0x80, v4, vm0, $0xb8;
	[tilespmem:$0x1C000] =	vst v63  }
0xc6: {  	s12 =	simm.s32 $0x19800;
	v3 =	vadd.s32 v1, v3  }
0xc7: {  	[tilespmem:s12], [sflag:$0x8] =	stream.indirect_vreg.gather [hbm4b:s6+s3], $0x80, v4, vm0, $0xb8;
	[tilespmem:$0x1C000] =	vst v63  }
0xc8: {  	s14 =	simm.s32 $0x1A000  }
0xc9: {  	[tilespmem:s14], [sflag:$0x8] =	stream.indirect_vreg.gather [hbm4b:s7+s3], $0x80, v4, vm0, $0xb8;
	[tilespmem:$0x1C000] =	vst v63  }
0xca: {  	s1 =	simm.s32 $0xA000;
	s18 =	simm.s32 $0x1B000;
	s15 =	simm.s32 $0x1A800  }
0xcb: {  	[tilespmem:s15], [sflag:$0x8] =	stream.indirect_vreg.gather [hbm4b:s2+s3], $0x80, v3, vm0, $0xb8;
	[tilespmem:$0x1C000] =	vst v63  }
0xcc: {  	s19 =	simm.s32 $0x1B800;
	s5 =	rddreg [dreg:$0x9];
	s12 =	simm.s32 $0xD000  }
0xcd: {  	[tilespmem:s18], [sflag:$0x8] =	stream.indirect_vreg.gather [hbm4b:s6+s3], $0x80, v3, vm0, $0xb8;
	[tilespmem:$0x1C000] =	vst v63  }
0xce: {  	s14 =	simm.s32 $0x0;
	s15 =	simm.s32 $0x19000;
	s18 =	simm.s32 $0x10000  }
0xcf: {  	[tilespmem:s19], [sflag:$0x8] =	stream.indirect_vreg.gather [hbm4b:s7+s3], $0x80, v3, vm0, $0xb8;
	[tilespmem:$0x1C000] =	vst v63  }
.LBB2_2:
0xd0: {  	s10 =	simm.s32 $0x1  }
0xd1: {  	_ =	swait.ge [sflag:s10], $0x3000  }
0xd2: {  	[sflag:s10] =	ssyncset.done $0x0;
	s19 =	rddreg [dreg:$0x8]  }
0xd3: {  	[sflag:s10] =	ssyncadd.s32 $0xFFFFD000;
	s10 =	sadd.s32 s14, s19  }
0xd4: {  	[hbm4b:s10+s3] =	stream.linear.scatter [tilespmem:s13], [sflag:$0x9], $0x3000, $0x38;
	[tilespmem:$0x1C000] =	vst v63  }
0xd5: {  	_ =	swait.ge [sflag:s16], $0x3000  }
0xd6: {  	[sflag:s16] =	ssyncset.done $0x0  }
0xd7: {  	s13 =	sadd.s32 $0xC000, s10;
	[sflag:s16] =	ssyncadd.s32 $0xFFFFD000  }
0xd8: {  	[hbm4b:s13+s3] =	stream.linear.scatter [tilespmem:s25], [sflag:$0xA], $0x3000, $0x38;
	[tilespmem:$0x1C000] =	vst v63  }
0xd9: {  	_ =	swait.ge [sflag:s17], $0x3000  }
0xda: {  	[sflag:s17] =	ssyncset.done $0x0  }
0xdb: {  	s13 =	sadd.s32 $0x18000, s10;
	[sflag:s17] =	ssyncadd.s32 $0xFFFFD000  }
0xdc: {  	[hbm4b:s13+s3] =	stream.linear.scatter [tilespmem:s1], [sflag:$0xB], $0x3000, $0x38;
	[tilespmem:$0x1C000] =	vst v63  }
0xdd: {  	_ =	swait.ge [sflag:s20], $0x3000  }
0xde: {  	[sflag:s20] =	ssyncset.done $0x0  }
0xdf: {  	s13 =	sadd.s32 $0x24000, s10;
	[sflag:s20] =	ssyncadd.s32 $0xFFFFD000  }
0xe0: {  	[hbm4b:s13+s3] =	stream.linear.scatter [tilespmem:s12], [sflag:$0xC], $0x3000, $0x38;
	[tilespmem:$0x1C000] =	vst v63  }
0xe1: {  	_ =	swait.ge [sflag:s21], $0x3000  }
0xe2: {  	[sflag:s21] =	ssyncset.done $0x0  }
0xe3: {  	s13 =	sadd.s32 $0x30000, s10;
	[sflag:s21] =	ssyncadd.s32 $0xFFFFD000  }
0xe4: {  	[hbm4b:s13+s3] =	stream.linear.scatter [tilespmem:s18], [sflag:$0xD], $0x3000, $0x38;
	[tilespmem:$0x1C000] =	vst v63  }
0xe5: {  	_ =	swait.ge [sflag:s22], $0x3000  }
0xe6: {  	[sflag:s22] =	ssyncset.done $0x0  }
0xe7: {  	s13 =	sadd.s32 $0x3C000, s10;
	[sflag:s22] =	ssyncadd.s32 $0xFFFFD000  }
0xe8: {  	[hbm4b:s13+s3] =	stream.linear.scatter [tilespmem:s26], [sflag:$0xE], $0x3000, $0x38;
	[tilespmem:$0x1C000] =	vst v63  }
0xe9: {  	_ =	swait.ge [sflag:s23], $0x3000  }
0xea: {  	[sflag:s23] =	ssyncset.done $0x0  }
0xeb: {  	s13 =	sadd.s32 $0x48000, s10;
	[sflag:s23] =	ssyncadd.s32 $0xFFFFD000  }
0xec: {  	[hbm4b:s13+s3] =	stream.linear.scatter [tilespmem:s4], [sflag:$0xF], $0x3000, $0x38;
	[tilespmem:$0x1C000] =	vst v63  }
0xed: {  	_ =	swait.ge [sflag:s24], $0x3000  }
0xee: {  	p0 =	seq.s32 s14, $0x120000;
	[sflag:s24] =	ssyncset.done $0x0  }
.Ltmp2:
0xef: {  	s10 =	sadd.s32 $0x54000, s10;
	[sflag:s24] =	ssyncadd.s32 $0xFFFFD000;
	(pc) =	sbr.rel @p0 .LBB2_4-.Ltmp2, $4  }
0xf0: {  	[hbm4b:s10+s3] =	stream.linear.scatter [tilespmem:s15], [sflag:$0x10], $0x3000, $0x38;
	[tilespmem:$0x1C000] =	vst v63  }
0xf1: {  	_ =	swait.ge [sflag:s28], $0x3000  }
0xf2: {  	[sflag:s28] =	ssyncset.done $0x0  }
0xf3: {  	s19 =	simm.s32 $0x4000;
	s13 =	simm.s32 $0x16000;
	[sflag:s28] =	ssyncadd.s32 $0xFFFFD000  }
0xf4: {  	v3 =	vld [tilespmem:s5+$0xFFFFFC80];
	_ =	sdelay $0x4  }
0xf5: {  	v4 =	vshrl.u32 v3, $0x3  }
0xf6: {  	v4 =	vmul.u32 $0x30, v4  }
0xf7: {  	v3 =	vand.u32 $0x7, v3  }
0xf8: {  	v3 =	vor.u32 v3, v4  }
0xf9: {  	v4 =	vperm.xlane v3, v0;
	_ =	sdelay $0x1  }
0xfa: {  	v4 =	vadd.s32 v1, v4;
	_ =	sdelay $0x3  }
0xfb: {  	v3 =	vperm.xlane v3, v2  }
0xfc: {  	[tilespmem:s19], [sflag:$0x1] =	stream.indirect_vreg.gather [hbm4b:s2+s3], $0x80, v4, vm0, $0xb8;
	[tilespmem:$0x1C000] =	vst v63  }
0xfd: {  	s10 =	simm.s32 $0x4800;
	v3 =	vadd.s32 v1, v3  }
0xfe: {  	[tilespmem:s10], [sflag:$0x1] =	stream.indirect_vreg.gather [hbm4b:s6+s3], $0x80, v4, vm0, $0xb8;
	[tilespmem:$0x1C000] =	vst v63  }
0xff: {  	s4 =	simm.s32 $0x5000  }
0x100: {  	[tilespmem:s4], [sflag:$0x1] =	stream.indirect_vreg.gather [hbm4b:s7+s3], $0x80, v4, vm0, $0xb8;
	[tilespmem:$0x1C000] =	vst v63  }
0x101: {  	s19 =	simm.s32 $0x5800  }
0x102: {  	[tilespmem:s19], [sflag:$0x1] =	stream.indirect_vreg.gather [hbm4b:s2+s3], $0x80, v3, vm0, $0xb8;
	[tilespmem:$0x1C000] =	vst v63  }
0x103: {  	s4 =	simm.s32 $0x6000  }
0x104: {  	[tilespmem:s4], [sflag:$0x1] =	stream.indirect_vreg.gather [hbm4b:s6+s3], $0x80, v3, vm0, $0xb8;
	[tilespmem:$0x1C000] =	vst v63  }
0x105: {  	s19 =	simm.s32 $0x6800  }
0x106: {  	[tilespmem:s19], [sflag:$0x1] =	stream.indirect_vreg.gather [hbm4b:s7+s3], $0x80, v3, vm0, $0xb8;
	[tilespmem:$0x1C000] =	vst v63  }
0x107: {  	_ =	swait.ge [sflag:s29], $0x3000  }
0x108: {  	[sflag:s29] =	ssyncset.done $0x0  }
0x109: {  	[sflag:s29] =	ssyncadd.s32 $0xFFFFD000  }
0x10a: {  	v3 =	vld [tilespmem:s5+$0xFFFFFD00];
	_ =	sdelay $0x4  }
0x10b: {  	v57 =	vshrl.u32 v3, $0x3  }
0x10c: {  	v4 =	vmul.u32 $0x30, v57  }
0x10d: {  	v3 =	vand.u32 $0x7, v3  }
0x10e: {  	v3 =	vor.u32 v3, v4  }
0x10f: {  	v4 =	vperm.xlane v3, v0;
	_ =	sdelay $0x1  }
0x110: {  	v4 =	vadd.s32 v1, v4;
	_ =	sdelay $0x3  }
0x111: {  	v3 =	vperm.xlane v3, v2  }
0x112: {  	[tilespmem:s25], [sflag:$0x2] =	stream.indirect_vreg.gather [hbm4b:s2+s3], $0x80, v4, vm0, $0xb8;
	[tilespmem:$0x1C000] =	vst v63  }
0x113: {  	s4 =	simm.s32 $0x7800;
	v3 =	vadd.s32 v1, v3  }
0x114: {  	[tilespmem:s4], [sflag:$0x2] =	stream.indirect_vreg.gather [hbm4b:s6+s3], $0x80, v4, vm0, $0xb8;
	[tilespmem:$0x1C000] =	vst v63  }
0x115: {  	s19 =	simm.s32 $0x8000  }
0x116: {  	[tilespmem:s19], [sflag:$0x2] =	stream.indirect_vreg.gather [hbm4b:s7+s3], $0x80, v4, vm0, $0xb8;
	[tilespmem:$0x1C000] =	vst v63  }
0x117: {  	s4 =	simm.s32 $0x8800  }
0x118: {  	[tilespmem:s4], [sflag:$0x2] =	stream.indirect_vreg.gather [hbm4b:s2+s3], $0x80, v3, vm0, $0xb8;
	[tilespmem:$0x1C000] =	vst v63  }
0x119: {  	s19 =	simm.s32 $0x9000  }
0x11a: {  	[tilespmem:s19], [sflag:$0x2] =	stream.indirect_vreg.gather [hbm4b:s6+s3], $0x80, v3, vm0, $0xb8;
	[tilespmem:$0x1C000] =	vst v63  }
0x11b: {  	s4 =	simm.s32 $0x9800  }
0x11c: {  	[tilespmem:s4], [sflag:$0x2] =	stream.indirect_vreg.gather [hbm4b:s7+s3], $0x80, v3, vm0, $0xb8;
	[tilespmem:$0x1C000] =	vst v63  }
0x11d: {  	_ =	swait.ge [sflag:s30], $0x3000  }
0x11e: {  	[sflag:s30] =	ssyncset.done $0x0  }
0x11f: {  	[sflag:s30] =	ssyncadd.s32 $0xFFFFD000  }
0x120: {  	v3 =	vld [tilespmem:s5+$0xFFFFFD80];
	_ =	sdelay $0x4  }
0x121: {  	v58 =	vshrl.u32 v3, $0x3  }
0x122: {  	v4 =	vmul.u32 $0x30, v58  }
0x123: {  	v3 =	vand.u32 $0x7, v3  }
0x124: {  	v3 =	vor.u32 v3, v4  }
0x125: {  	v4 =	vperm.xlane v3, v0;
	_ =	sdelay $0x1  }
0x126: {  	v4 =	vadd.s32 v1, v4;
	_ =	sdelay $0x3  }
0x127: {  	v3 =	vperm.xlane v3, v2  }
0x128: {  	[tilespmem:s1], [sflag:$0x3] =	stream.indirect_vreg.gather [hbm4b:s2+s3], $0x80, v4, vm0, $0xb8;
	[tilespmem:$0x1C000] =	vst v63  }
0x129: {  	s19 =	simm.s32 $0xA800;
	v3 =	vadd.s32 v1, v3  }
0x12a: {  	[tilespmem:s19], [sflag:$0x3] =	stream.indirect_vreg.gather [hbm4b:s6+s3], $0x80, v4, vm0, $0xb8;
	[tilespmem:$0x1C000] =	vst v63  }
0x12b: {  	s4 =	simm.s32 $0xB000  }
0x12c: {  	[tilespmem:s4], [sflag:$0x3] =	stream.indirect_vreg.gather [hbm4b:s7+s3], $0x80, v4, vm0, $0xb8;
	[tilespmem:$0x1C000] =	vst v63  }
0x12d: {  	s19 =	simm.s32 $0xB800  }
0x12e: {  	[tilespmem:s19], [sflag:$0x3] =	stream.indirect_vreg.gather [hbm4b:s2+s3], $0x80, v3, vm0, $0xb8;
	[tilespmem:$0x1C000] =	vst v63  }
0x12f: {  	s4 =	simm.s32 $0xC000  }
0x130: {  	[tilespmem:s4], [sflag:$0x3] =	stream.indirect_vreg.gather [hbm4b:s6+s3], $0x80, v3, vm0, $0xb8;
	[tilespmem:$0x1C000] =	vst v63  }
0x131: {  	s19 =	simm.s32 $0xC800  }
0x132: {  	[tilespmem:s19], [sflag:$0x3] =	stream.indirect_vreg.gather [hbm4b:s7+s3], $0x80, v3, vm0, $0xb8;
	[tilespmem:$0x1C000] =	vst v63  }
0x133: {  	_ =	swait.ge [sflag:s31], $0x3000  }
0x134: {  	[sflag:s31] =	ssyncset.done $0x0  }
0x135: {  	[sflag:s31] =	ssyncadd.s32 $0xFFFFD000  }
0x136: {  	v3 =	vld [tilespmem:s5+$0xFFFFFE00];
	_ =	sdelay $0x4  }
0x137: {  	v59 =	vshrl.u32 v3, $0x3  }
0x138: {  	v4 =	vmul.u32 $0x30, v59  }
0x139: {  	v3 =	vand.u32 $0x7, v3  }
0x13a: {  	v3 =	vor.u32 v3, v4  }
0x13b: {  	v4 =	vperm.xlane v3, v0;
	_ =	sdelay $0x1  }
0x13c: {  	v4 =	vadd.s32 v1, v4;
	_ =	sdelay $0x3  }
0x13d: {  	v3 =	vperm.xlane v3, v2  }
0x13e: {  	[tilespmem:s12], [sflag:$0x4] =	stream.indirect_vreg.gather [hbm4b:s2+s3], $0x80, v4, vm0, $0xb8;
	[tilespmem:$0x1C000] =	vst v63  }
0x13f: {  	s4 =	simm.s32 $0xD800;
	v3 =	vadd.s32 v1, v3  }
0x140: {  	[tilespmem:s4], [sflag:$0x4] =	stream.indirect_vreg.gather [hbm4b:s6+s3], $0x80, v4, vm0, $0xb8;
	[tilespmem:$0x1C000] =	vst v63  }
0x141: {  	s19 =	simm.s32 $0xE000  }
0x142: {  	[tilespmem:s19], [sflag:$0x4] =	stream.indirect_vreg.gather [hbm4b:s7+s3], $0x80, v4, vm0, $0xb8;
	[tilespmem:$0x1C000] =	vst v63  }
0x143: {  	s4 =	simm.s32 $0xE800  }
0x144: {  	[tilespmem:s4], [sflag:$0x4] =	stream.indirect_vreg.gather [hbm4b:s2+s3], $0x80, v3, vm0, $0xb8;
	[tilespmem:$0x1C000] =	vst v63  }
0x145: {  	s19 =	simm.s32 $0xF000  }
0x146: {  	[tilespmem:s19], [sflag:$0x4] =	stream.indirect_vreg.gather [hbm4b:s6+s3], $0x80, v3, vm0, $0xb8;
	[tilespmem:$0x1C000] =	vst v63  }
0x147: {  	s4 =	simm.s32 $0xF800  }
0x148: {  	[tilespmem:s4], [sflag:$0x4] =	stream.indirect_vreg.gather [hbm4b:s7+s3], $0x80, v3, vm0, $0xb8;
	[tilespmem:$0x1C000] =	vst v63  }
0x149: {  	_ =	swait.ge [sflag:s0], $0x3000  }
0x14a: {  	[sflag:s0] =	ssyncset.done $0x0  }
0x14b: {  	[sflag:s0] =	ssyncadd.s32 $0xFFFFD000  }
0x14c: {  	v3 =	vld [tilespmem:s5+$0xFFFFFE80];
	_ =	sdelay $0x4  }
0x14d: {  	v60 =	vshrl.u32 v3, $0x3  }
0x14e: {  	v4 =	vmul.u32 $0x30, v60  }
0x14f: {  	v3 =	vand.u32 $0x7, v3  }
0x150: {  	v3 =	vor.u32 v3, v4  }
0x151: {  	v4 =	vperm.xlane v3, v0;
	_ =	sdelay $0x1  }
0x152: {  	v4 =	vadd.s32 v1, v4;
	_ =	sdelay $0x3  }
0x153: {  	v3 =	vperm.xlane v3, v2  }
0x154: {  	[tilespmem:s18], [sflag:$0x5] =	stream.indirect_vreg.gather [hbm4b:s2+s3], $0x80, v4, vm0, $0xb8;
	[tilespmem:$0x1C000] =	vst v63  }
0x155: {  	s19 =	simm.s32 $0x10800;
	v3 =	vadd.s32 v1, v3  }
0x156: {  	[tilespmem:s19], [sflag:$0x5] =	stream.indirect_vreg.gather [hbm4b:s6+s3], $0x80, v4, vm0, $0xb8;
	[tilespmem:$0x1C000] =	vst v63  }
0x157: {  	s4 =	simm.s32 $0x11000  }
0x158: {  	[tilespmem:s4], [sflag:$0x5] =	stream.indirect_vreg.gather [hbm4b:s7+s3], $0x80, v4, vm0, $0xb8;
	[tilespmem:$0x1C000] =	vst v63  }
0x159: {  	s19 =	simm.s32 $0x11800  }
0x15a: {  	[tilespmem:s19], [sflag:$0x5] =	stream.indirect_vreg.gather [hbm4b:s2+s3], $0x80, v3, vm0, $0xb8;
	[tilespmem:$0x1C000] =	vst v63  }
0x15b: {  	s4 =	simm.s32 $0x12000  }
0x15c: {  	[tilespmem:s4], [sflag:$0x5] =	stream.indirect_vreg.gather [hbm4b:s6+s3], $0x80, v3, vm0, $0xb8;
	[tilespmem:$0x1C000] =	vst v63  }
0x15d: {  	s19 =	simm.s32 $0x12800  }
0x15e: {  	[tilespmem:s19], [sflag:$0x5] =	stream.indirect_vreg.gather [hbm4b:s7+s3], $0x80, v3, vm0, $0xb8;
	[tilespmem:$0x1C000] =	vst v63  }
0x15f: {  	_ =	swait.ge [sflag:s8], $0x3000  }
0x160: {  	[sflag:s8] =	ssyncset.done $0x0  }
0x161: {  	[sflag:s8] =	ssyncadd.s32 $0xFFFFD000  }
0x162: {  	v3 =	vld [tilespmem:s5+$0xFFFFFF00];
	_ =	sdelay $0x4  }
0x163: {  	v61 =	vshrl.u32 v3, $0x3  }
0x164: {  	v4 =	vmul.u32 $0x30, v61  }
0x165: {  	v3 =	vand.u32 $0x7, v3  }
0x166: {  	v3 =	vor.u32 v3, v4  }
0x167: {  	v4 =	vperm.xlane v3, v0;
	_ =	sdelay $0x1  }
0x168: {  	v4 =	vadd.s32 v1, v4;
	_ =	sdelay $0x3  }
0x169: {  	v3 =	vperm.xlane v3, v2  }
0x16a: {  	[tilespmem:s26], [sflag:$0x6] =	stream.indirect_vreg.gather [hbm4b:s2+s3], $0x80, v4, vm0, $0xb8;
	[tilespmem:$0x1C000] =	vst v63  }
0x16b: {  	s4 =	simm.s32 $0x13800;
	v3 =	vadd.s32 v1, v3  }
0x16c: {  	[tilespmem:s4], [sflag:$0x6] =	stream.indirect_vreg.gather [hbm4b:s6+s3], $0x80, v4, vm0, $0xb8;
	[tilespmem:$0x1C000] =	vst v63  }
0x16d: {  	s19 =	simm.s32 $0x14000  }
0x16e: {  	[tilespmem:s19], [sflag:$0x6] =	stream.indirect_vreg.gather [hbm4b:s7+s3], $0x80, v4, vm0, $0xb8;
	[tilespmem:$0x1C000] =	vst v63  }
0x16f: {  	s4 =	simm.s32 $0x14800  }
0x170: {  	[tilespmem:s4], [sflag:$0x6] =	stream.indirect_vreg.gather [hbm4b:s2+s3], $0x80, v3, vm0, $0xb8;
	[tilespmem:$0x1C000] =	vst v63  }
0x171: {  	s19 =	simm.s32 $0x15000  }
0x172: {  	[tilespmem:s19], [sflag:$0x6] =	stream.indirect_vreg.gather [hbm4b:s6+s3], $0x80, v3, vm0, $0xb8;
	[tilespmem:$0x1C000] =	vst v63  }
0x173: {  	s4 =	simm.s32 $0x15800  }
0x174: {  	[tilespmem:s4], [sflag:$0x6] =	stream.indirect_vreg.gather [hbm4b:s7+s3], $0x80, v3, vm0, $0xb8;
	[tilespmem:$0x1C000] =	vst v63  }
0x175: {  	_ =	swait.ge [sflag:s9], $0x3000  }
0x176: {  	[sflag:s9] =	ssyncset.done $0x0  }
0x177: {  	[sflag:s9] =	ssyncadd.s32 $0xFFFFD000  }
0x178: {  	v3 =	vld [tilespmem:s5+$0xFFFFFF80];
	_ =	sdelay $0x4  }
0x179: {  	v62 =	vshrl.u32 v3, $0x3  }
0x17a: {  	v4 =	vmul.u32 $0x30, v62  }
0x17b: {  	v3 =	vand.u32 $0x7, v3  }
0x17c: {  	v3 =	vor.u32 v3, v4  }
0x17d: {  	v4 =	vperm.xlane v3, v0;
	_ =	sdelay $0x1  }
0x17e: {  	v4 =	vadd.s32 v1, v4;
	_ =	sdelay $0x3  }
0x17f: {  	v3 =	vperm.xlane v3, v2  }
0x180: {  	[tilespmem:s13], [sflag:$0x7] =	stream.indirect_vreg.gather [hbm4b:s2+s3], $0x80, v4, vm0, $0xb8;
	[tilespmem:$0x1C000] =	vst v63  }
0x181: {  	s4 =	simm.s32 $0x16800;
	v3 =	vadd.s32 v1, v3  }
0x182: {  	[tilespmem:s4], [sflag:$0x7] =	stream.indirect_vreg.gather [hbm4b:s6+s3], $0x80, v4, vm0, $0xb8;
	[tilespmem:$0x1C000] =	vst v63  }
0x183: {  	s10 =	simm.s32 $0x17000  }
0x184: {  	[tilespmem:s10], [sflag:$0x7] =	stream.indirect_vreg.gather [hbm4b:s7+s3], $0x80, v4, vm0, $0xb8;
	[tilespmem:$0x1C000] =	vst v63  }
0x185: {  	s13 =	simm.s32 $0x17800  }
0x186: {  	[tilespmem:s13], [sflag:$0x7] =	stream.indirect_vreg.gather [hbm4b:s2+s3], $0x80, v3, vm0, $0xb8;
	[tilespmem:$0x1C000] =	vst v63  }
0x187: {  	s19 =	simm.s32 $0x18000  }
0x188: {  	[tilespmem:s19], [sflag:$0x7] =	stream.indirect_vreg.gather [hbm4b:s6+s3], $0x80, v3, vm0, $0xb8;
	[tilespmem:$0x1C000] =	vst v63  }
0x189: {  	s10 =	simm.s32 $0x18800  }
0x18a: {  	[tilespmem:s10], [sflag:$0x7] =	stream.indirect_vreg.gather [hbm4b:s7+s3], $0x80, v3, vm0, $0xb8;
	[tilespmem:$0x1C000] =	vst v63  }
0x18b: {  	_ =	swait.ge [sflag:s11], $0x3000  }
0x18c: {  	[sflag:s11] =	ssyncset.done $0x0  }
0x18d: {  	[sflag:s11] =	ssyncadd.s32 $0xFFFFD000  }
0x18e: {  	v3 =	vld [tilespmem:s5+$0x0];
	_ =	sdelay $0x4  }
0x18f: {  	v63 =	vshrl.u32 v3, $0x3  }
0x190: {  	v4 =	vmul.u32 $0x30, v63  }
0x191: {  	v3 =	vand.u32 $0x7, v3  }
0x192: {  	v3 =	vor.u32 v3, v4  }
0x193: {  	v4 =	vperm.xlane v3, v0;
	_ =	sdelay $0x1  }
0x194: {  	v4 =	vadd.s32 v1, v4;
	_ =	sdelay $0x3  }
0x195: {  	v3 =	vperm.xlane v3, v2  }
0x196: {  	[tilespmem:s15], [sflag:$0x8] =	stream.indirect_vreg.gather [hbm4b:s2+s3], $0x80, v4, vm0, $0xb8;
	[tilespmem:$0x1C000] =	vst v63  }
0x197: {  	s13 =	simm.s32 $0x19800;
	v3 =	vadd.s32 v1, v3  }
0x198: {  	[tilespmem:s13], [sflag:$0x8] =	stream.indirect_vreg.gather [hbm4b:s6+s3], $0x80, v4, vm0, $0xb8;
	[tilespmem:$0x1C000] =	vst v63  }
0x199: {  	s19 =	simm.s32 $0x1A000  }
0x19a: {  	[tilespmem:s19], [sflag:$0x8] =	stream.indirect_vreg.gather [hbm4b:s7+s3], $0x80, v4, vm0, $0xb8;
	[tilespmem:$0x1C000] =	vst v63  }
0x19b: {  	s10 =	simm.s32 $0x1A800  }
0x19c: {  	[tilespmem:s10], [sflag:$0x8] =	stream.indirect_vreg.gather [hbm4b:s2+s3], $0x80, v3, vm0, $0xb8;
	[tilespmem:$0x1C000] =	vst v63  }
.Ltmp3:
0x19d: {  	_ = 	snop;
	(pc) =	sbr.rel .LBB2_2-.Ltmp3, $4  }
0x19e: {  	s14 =	sadd.s32 $0x60000, s14;
	s4 =	simm.s32 $0x16000;
	s13 =	simm.s32 $0x1B000  }
0x19f: {  	[tilespmem:s13], [sflag:$0x8] =	stream.indirect_vreg.gather [hbm4b:s6+s3], $0x80, v3, vm0, $0xb8;
	[tilespmem:$0x1C000] =	vst v63  }
0x1a0: {  	s5 =	sadd.s32 $0x1000, s5;
	s19 =	simm.s32 $0x1B800;
	s13 =	simm.s32 $0x4000  }
0x1a1: {  	[tilespmem:s19], [sflag:$0x8] =	stream.indirect_vreg.gather [hbm4b:s7+s3], $0x80, v3, vm0, $0xb8;
	[tilespmem:$0x1C000] =	vst v63  }
.LBB2_5:
0x1a2: {  	_ =	sfence.sel $0x180000  }
0x1a3: {  	[bflag:$0x0] =	sbarrier.arrive $0xFFFF  }
0x1a4: {  	_ =	strace $0x9000004A  }
0x1a5: {  	s0 =	stileid.u32;
	[bflag:$0x2] =	sbarrier.arrive $0xFFFF  }
0x1a6: {  	p0 =	sne.s32 s0, $0x0;
	s0 =	rddreg [dreg:$0x3]  }
0x1a7: {  	s0 =	sadd.s32 @!p0 $0x100000, s0  }
0x1a8: {  	[sflag:s0] =	ssyncadd.tile.s32 @!p0 $0x1;
	_ =	shalt  }
.Lfunc_end2:
_tile_overlayer_lowered:
.L_overlay_start_2:
0x1a9: {  	(tag) =	ssettag $0x2  }
0x1aa: {  	s0 =	rddreg [dreg:$0x0];
	s2 =	stileid.u32  }
0x1ab: {  	s1 =	rddreg [dreg:$0x1];
	p0 =	sne.s32 s2, $0x0  }
0x1ac: {  	s3 =	rddreg [dreg:$0x2];
	[bflag:$0x3] =	sbarrier.arrive $0xFFFF;
	s2 =	simm.s32 @!p0 $0x1C11  }
0x1ad: {  	[timem:s3], [sflag:s2] =	dma.local @!p0 [hbm:s0], s1  }
0x1ae: {  	s0 =	simm.s32 @!p0 $0x11  }
0x1af: {  	_ =	swait.ge @!p0 [sflag:s0], s1  }
0x1b0: {  	s1 =	ssub.s32 @!p0 $0x0, s1;
	[sflag:s0] =	ssyncset.done @!p0 $0x0  }
0x1b1: {  	[sflag:s0] =	ssyncadd.s32 @!p0 s1  }
0x1b2: {  	[bflag:$0x3] =	sbarrier.arrive $0xFFFF  }
0x1b3: {  	_ =	shalt  }

</sc_bundles>
